<compile_context>
chip_gen: v7x
topology: tpu7x:2x2x1
jax: 0.10.2.dev20260603
libtpu: 0.0.44.dev20260713+nightly
codegen_flags: <defaults>
</compile_context>

<pallas_src>
import functools

import jax
import jax.numpy as jnp
from jax import lax
from jax.experimental import pallas as pl
from jax.experimental.pallas import tpu as pltpu
from jax.experimental.pallas import tpu_sc as plsc

N = 10000
E = 320000
NC = 2
NS = 16
NW = NC * NS
C = 80
NCH = E // (NW * C)
STRIPE = 632
NPAD = NS * STRIPE
BNC = 1.0 / (1.0 + 1e-5) ** 0.5

_MESH = plsc.VectorSubcoreMesh(
    core_axis_name="c", subcore_axis_name="s", num_cores=NC, num_subcores=NS
)


def _zero_stripe(zbuf, acc, s, d, dt):
    lanes = 32 if dt == jnp.bfloat16 else 16
    z = jnp.zeros((lanes,), dt)

    def zrow(i, carry):
        for q in range(d // lanes):
            zbuf[i, pl.ds(q * lanes, lanes)] = z
        return carry

    lax.fori_loop(0, STRIPE, zrow, 0)
    pltpu.sync_copy(zbuf, acc.at[pl.ds(s * STRIPE, STRIPE)])


def _make_sc_scatter(d):

    @functools.partial(
        pl.kernel,
        out_type=jax.ShapeDtypeStruct((NC, NPAD, d), jnp.bfloat16),
        mesh=_MESH,
        compiler_params=pltpu.CompilerParams(use_tc_tiling_on_sc=False),
        scratch_types=[
            pltpu.VMEM((NCH, C), jnp.int32),
            pltpu.VMEM((NCH, C), jnp.int32),
            pltpu.VMEM((10, C, d), jnp.bfloat16),
            pltpu.VMEM((STRIPE, d), jnp.bfloat16),
            pltpu.VMEM_SHARED((NPAD, d), jnp.bfloat16),
        ] + [pltpu.SemaphoreType.DMA] * 10,
    )
    def k(h_hbm, row_hbm, col_hbm, out_hbm, rowi, coli, rows, zbuf, acc,
          *sems):
        gs = sems[:5]
        ss = sems[5:]
        c = lax.axis_index("c")
        s = lax.axis_index("s")
        wid = c * NS + s
        _zero_stripe(zbuf, acc, s, d, jnp.bfloat16)
        pltpu.sync_copy(row_hbm.at[wid], rowi)
        pltpu.sync_copy(col_hbm.at[wid], coli)
        plsc.subcore_barrier()

        for u in range(5):
            pltpu.async_copy(h_hbm.at[rowi.at[u]], rows.at[u], gs[u])

        def block(i, carry):
            j0 = 5 * i
            for u in range(5):
                j = j0 + u
                bj = lax.rem(j, 10)
                bn = lax.rem(j + 5, 10)
                pltpu.make_async_copy(
                    h_hbm.at[rowi.at[j]], rows.at[bj], gs[u]).wait()

                @pl.when(i >= 1)
                def _():
                    pltpu.make_async_copy(
                        rows.at[bn], acc.at[coli.at[j - 5]], ss[u]).wait()

                @pl.when(j + 5 < NCH)
                def _():
                    pltpu.async_copy(
                        h_hbm.at[rowi.at[j + 5]], rows.at[bn], gs[u])

                pltpu.async_copy(rows.at[bj], acc.at[coli.at[j]], ss[u],
                                 add=True)
            return carry

        lax.fori_loop(0, NCH // 5, block, 0)
        for u in range(5):
            j = NCH - 5 + u
            pltpu.make_async_copy(
                rows.at[lax.rem(j, 10)], acc.at[coli.at[j]], ss[u]).wait()
        plsc.subcore_barrier()
        pltpu.sync_copy(
            acc.at[pl.ds(s * STRIPE, STRIPE)],
            out_hbm.at[c, pl.ds(s * STRIPE, STRIPE)],
        )

    return k


def _make_sc_degree():
    d = 16

    @functools.partial(
        pl.kernel,
        out_type=jax.ShapeDtypeStruct((NC, NPAD, d), jnp.float32),
        mesh=_MESH,
        compiler_params=pltpu.CompilerParams(use_tc_tiling_on_sc=False),
        scratch_types=[
            pltpu.VMEM((NCH, C), jnp.int32),
            pltpu.VMEM((C, d), jnp.float32),
            pltpu.VMEM((STRIPE, d), jnp.float32),
            pltpu.VMEM_SHARED((NPAD, d), jnp.float32),
        ] + [pltpu.SemaphoreType.DMA] * 5,
    )
    def k(col_hbm, out_hbm, coli, ones, zbuf, acc, *sem_s):
        c = lax.axis_index("c")
        s = lax.axis_index("s")
        wid = c * NS + s
        one = jnp.ones((16,), jnp.float32)

        def orow(i, carry):
            ones[i, pl.ds(0, 16)] = one
            return carry

        lax.fori_loop(0, C, orow, 0)
        _zero_stripe(zbuf, acc, s, d, jnp.float32)
        pltpu.sync_copy(col_hbm.at[wid], coli)
        plsc.subcore_barrier()

        for u in range(5):
            pltpu.async_copy(ones, acc.at[coli.at[u]], sem_s[u], add=True)

        def group(g, carry):
            j0 = 5 * g
            for u in range(5):
                j = j0 + u
                pltpu.make_async_copy(ones, acc.at[coli.at[j]], sem_s[u]).wait()

                @pl.when(j + 5 < NCH)
                def _():
                    pltpu.async_copy(
                        ones, acc.at[coli.at[j + 5]], sem_s[u], add=True)
            return carry

        lax.fori_loop(0, NCH // 5, group, 0)
        plsc.subcore_barrier()
        pltpu.sync_copy(
            acc.at[pl.ds(s * STRIPE, STRIPE)],
            out_hbm.at[c, pl.ds(s * STRIPE, STRIPE)],
        )

    return k


_sc_degree = _make_sc_degree()
_sc_scatter32 = _make_sc_scatter(32)
_sc_scatter64 = _make_sc_scatter(64)


def _tc1(degp, x, w1, b1):

    def body(dp_ref, x_ref, w_ref, b_ref, t_ref, dis_ref):
        deg = 1.0 + dp_ref[0, :N, 0:1] + dp_ref[1, :N, 0:1]
        dis = lax.rsqrt(deg)
        h = jnp.dot(x_ref[...], w_ref[...], preferred_element_type=jnp.float32)
        t_ref[...] = ((h + b_ref[...]) * dis).astype(jnp.bfloat16)
        dis_ref[...] = dis

    return pl.pallas_call(
        body,
        out_shape=(
            jax.ShapeDtypeStruct((N, 32), jnp.bfloat16),
            jax.ShapeDtypeStruct((N, 1), jnp.float32),
        ),
    )(degp, x, w1, b1)


def _tc_mid(sp, t, dis, g, be, w, b, d_out, scale_out):

    def body(sp_ref, t_ref, dis_ref, g_ref, be_ref, w_ref, b_ref, o_ref):
        f32 = jnp.float32
        h = (sp_ref[0, :N].astype(f32) + sp_ref[1, :N].astype(f32)
             + t_ref[...].astype(f32)) * dis_ref[...]
        u = jnp.maximum(h * (g_ref[...] * BNC) + be_ref[...], 0.0)
        o = jnp.dot(u, w_ref[...], preferred_element_type=jnp.float32) + b_ref[...]
        if scale_out:
            o = (o * dis_ref[...]).astype(jnp.bfloat16)
        else:
            o = jnp.maximum(o, 0.0)
        o_ref[...] = o

    return pl.pallas_call(
        body,
        out_shape=jax.ShapeDtypeStruct(
            (N, d_out), jnp.bfloat16 if scale_out else jnp.float32),
    )(sp, t, dis, g, be, w, b)


def kernel(x, edge_index, W1, b1, g1, be1, W2, b2, g2, be2, W3, b3):
    row_p = edge_index[0].reshape(NW, NCH, C)
    col_p = edge_index[1].reshape(NW, NCH, C)

    degp = _sc_degree(col_p)
    t1, dis = _tc1(degp, x, W1, b1.reshape(1, 32))
    s1 = _sc_scatter32(t1, row_p, col_p)
    t2 = _tc_mid(s1, t1, dis, g1.reshape(1, 32),
                 be1.reshape(1, 32), W2, b2.reshape(1, 64), 64, True)
    s2 = _sc_scatter64(t2, row_p, col_p)
    out = _tc_mid(s2, t2, dis, g2.reshape(1, 64),
                  be2.reshape(1, 64), W3, b3.reshape(1, 128), 128, False)
    return out

# --- scband reference (transcript-rebuilt; emitter-appended) ---
"""Pipeline reference for scband-gcn-50233937494295 (READ-ONLY COPY).

The authoritative reference and input builder live on the scoring server;
editing this copy changes nothing except your own understanding.
"""

import jax, jax.numpy as jnp
import numpy as np

N = 10000
E = 320000
D_IN = 128

def setup_inputs(seed: int = 0) -> dict:
    key = jax.random.key(seed)
    ks = jax.random.split(key, 13)
    x = jax.random.normal(ks[0], (N, D_IN), dtype=jnp.float32)
    edge_index = jax.random.randint(ks[1], (2, E), 0, N, dtype=jnp.int32)
    def lin(kw, kb, fan_in, fan_out):
        bound = 1.0 / np.sqrt(fan_in)
        W = jax.random.uniform(kw, (fan_in, fan_out), minval=-bound, maxval=bound, dtype=jnp.float32)
        b = jax.random.uniform(kb, (fan_out,), minval=-bound, maxval=bound, dtype=jnp.float32)
        return W, b
    W1, b1 = lin(ks[2], ks[3], D_IN, 32)
    W2, b2 = lin(ks[4], ks[5], 32, 64)
    W3, b3 = lin(ks[6], ks[7], 64, 128)
    g1 = jnp.ones((32,), jnp.float32); be1 = jnp.zeros((32,), jnp.float32)
    g2 = jnp.ones((64,), jnp.float32); be2 = jnp.zeros((64,), jnp.float32)
    return {"x": x, "edge_index": edge_index, "W1": W1, "b1": b1, "g1": g1, "be1": be1,
            "W2": W2, "b2": b2, "g2": g2, "be2": be2, "W3": W3, "b3": b3}

def _norm_factors(edge_index):
    loop = jnp.arange(N, dtype=edge_index.dtype)
    row = jnp.concatenate([edge_index[0], loop])
    col = jnp.concatenate([edge_index[1], loop])
    deg = jax.ops.segment_sum(jnp.ones_like(col, dtype=jnp.float32), col, num_segments=N)
    dis = jnp.where(deg > 0, deg ** -0.5, 0.0)
    norm = dis[row] * dis[col]
    return row, col, norm

def _gcn_layer(x, W, b, row, col, norm):
    h = x @ W + b
    msg = norm[:, None] * h[row]
    return jax.ops.segment_sum(msg, col, num_segments=N)

def _bn_eval(h, g, be):
    # BatchNorm1d in eval mode with default running stats (mean=0, var=1)
    return h / jnp.sqrt(1.0 + 1e-5) * g + be

def reference(x, edge_index, W1, b1, g1, be1, W2, b2, g2, be2, W3, b3):
    row, col, norm = _norm_factors(edge_index)
    h = _gcn_layer(x, W1, b1, row, col, norm)
    h = jax.nn.relu(_bn_eval(h, g1, be1))
    h = _gcn_layer(h, W2, b2, row, col, norm)
    h = jax.nn.relu(_bn_eval(h, g2, be2))
    out = jax.nn.relu(h @ W3 + b3)
    return out

if __name__ == "__main__":
    import jax
    _d = setup_inputs()
    print(jax.jit(kernel)(*tuple(_d.values())))

</pallas_src>

<mosaic_0001>
#map = affine_map<(d0, d1) -> (0, 0, 0)>
module attributes {stable_mosaic.version = 14 : i64} {
  func.func @k(%arg0: i32, %arg1: i32, %arg2: memref<32x125x80xi32, #tpu.memory_space<hbm>>, %arg3: memref<2x10112x16xf32, #tpu.memory_space<hbm>>, %arg4: memref<125x80xi32, #tpu.memory_space<vmem>>, %arg5: memref<80x16xf32, #tpu.memory_space<vmem>>, %arg6: memref<632x16xf32, #tpu.memory_space<vmem>>, %arg7: memref<10112x16xf32, #tpu.memory_space<vmem_shared>>, %arg8: memref<!tpu.dma_semaphore, #tpu.memory_space<semaphore_mem>>, %arg9: memref<!tpu.dma_semaphore, #tpu.memory_space<semaphore_mem>>, %arg10: memref<!tpu.dma_semaphore, #tpu.memory_space<semaphore_mem>>, %arg11: memref<!tpu.dma_semaphore, #tpu.memory_space<semaphore_mem>>, %arg12: memref<!tpu.dma_semaphore, #tpu.memory_space<semaphore_mem>>) attributes {dimension_semantics = [#tpu.dimension_semantics<core_parallel>, #tpu.dimension_semantics<subcore_parallel>], iteration_bounds = array<i64: 2, 16>, scalar_prefetch = 0 : i64, scratch_operands = 9 : i64, tpu.core_type = #tpu.core_type<sc_vector_subcore>, window_params = [{transform_indices = #map}, {transform_indices = #map}]} {
    %mul3A = arith.constant 16 : i32
    %mul3A_0 = arith.muli %arg0, %mul3A : i32
    %add3A = arith.addi %mul3A_0, %arg1 : i32
    %broadcast_in_dim3A = arith.constant 1.000000e+00 : f32
    %broadcast_in_dim3A_1 = vector.broadcast %broadcast_in_dim3A : f32 to vector<16xf32>
    %scan3A = arith.constant 0 : i32
    %scan3A_2 = arith.constant 0 : i32
    %scan3A_3 = arith.constant 80 : i32
    %scan3A_4 = arith.addi %scan3A_2, %scan3A_3 : i32
    %scan3A_5 = arith.constant 1 : i32
    scf.for %scan3A_62 = %scan3A_2 to %scan3A_4 step %scan3A_5  : i32 {
      %swap3A = arith.index_cast %scan3A_62 : i32 to index
      %swap3A_63 = arith.constant 0 : index
      %swap3A_64 = tpu.vector_load %arg5[%swap3A, %swap3A_63] {strides = array<i32>} : memref<80x16xf32, #tpu.memory_space<vmem>>, vector<1x16xf32>,
      %swap3A_65 = vector.shape_cast %swap3A_64 : vector<1x16xf32> to vector<16xf32>
      %swap3A_66 = vector.shape_cast %broadcast_in_dim3A_1 : vector<16xf32> to vector<1x16xf32>
      tpu.vector_store %arg5[%swap3A, %swap3A_63], %swap3A_66 {strides = array<i32>} : memref<80x16xf32, #tpu.memory_space<vmem>>, vector<1x16xf32>,
    }
    %scan3A_6 = arith.constant 80 : i32
    %broadcast_in_dim3A_7 = arith.constant 0.000000e+00 : f32
    %broadcast_in_dim3A_8 = vector.broadcast %broadcast_in_dim3A_7 : f32 to vector<16xf32>
    %scan3A_9 = arith.constant 0 : i32
    %scan3A_10 = arith.constant 0 : i32
    %scan3A_11 = arith.constant 632 : i32
    %scan3A_12 = arith.addi %scan3A_10, %scan3A_11 : i32
    %scan3A_13 = arith.constant 1 : i32
    scf.for %scan3A_62 = %scan3A_10 to %scan3A_12 step %scan3A_13  : i32 {
      %swap3A = arith.index_cast %scan3A_62 : i32 to index
      %swap3A_63 = arith.constant 0 : index
      %swap3A_64 = tpu.vector_load %arg6[%swap3A, %swap3A_63] {strides = array<i32>} : memref<632x16xf32, #tpu.memory_space<vmem>>, vector<1x16xf32>,
      %swap3A_65 = vector.shape_cast %swap3A_64 : vector<1x16xf32> to vector<16xf32>
      %swap3A_66 = vector.shape_cast %broadcast_in_dim3A_8 : vector<16xf32> to vector<1x16xf32>
      tpu.vector_store %arg6[%swap3A, %swap3A_63], %swap3A_66 {strides = array<i32>} : memref<632x16xf32, #tpu.memory_space<vmem>>, vector<1x16xf32>,
    }
    %scan3A_14 = arith.constant 632 : i32
    %mul3A_15 = arith.constant 632 : i32
    %mul3A_16 = arith.muli %arg1, %mul3A_15 : i32
    "tpu.region"() ({
      %run_scoped3A = tpu.sem_alloc : memref<!tpu.dma_semaphore, #tpu.memory_space<semaphore_mem>>
      %dma_start3A_62 = arith.constant 0 : i32
      %dma_start3A_63 = tpu.memref_slice %arg7[%mul3A_16, %dma_start3A_62] : memref<10112x16xf32, #tpu.memory_space<vmem_shared>> -> memref<632x16xf32, #tpu.memory_space<vmem_shared>>
      %dma_start3A_64 = arith.constant 0 : i32
      %dma_start3A_65 = tpu.memref_slice %arg7[%mul3A_16, %dma_start3A_64] : memref<10112x16xf32, #tpu.memory_space<vmem_shared>> -> memref<632x16xf32, #tpu.memory_space<vmem_shared>>
      tpu.enqueue_dma source(%arg6 : memref<632x16xf32, #tpu.memory_space<vmem>>) target(%dma_start3A_65 : memref<632x16xf32, #tpu.memory_space<vmem_shared>>) target_semaphore(%run_scoped3A : memref<!tpu.dma_semaphore, #tpu.memory_space<semaphore_mem>>)
      %dma_wait3A = arith.constant 0 : i32
      %dma_wait3A_66 = tpu.memref_slice %arg7[%mul3A_16, %dma_wait3A] : memref<10112x16xf32, #tpu.memory_space<vmem_shared>> -> memref<632x16xf32, #tpu.memory_space<vmem_shared>>
      %dma_wait3A_67 = arith.constant 0 : i32
      %dma_wait3A_68 = tpu.memref_slice %arg7[%mul3A_16, %dma_wait3A_67] : memref<10112x16xf32, #tpu.memory_space<vmem_shared>> -> memref<632x16xf32, #tpu.memory_space<vmem_shared>>
      tpu.wait_dma2 semaphore(%run_scoped3A : memref<!tpu.dma_semaphore, #tpu.memory_space<semaphore_mem>>) src(%arg6 : memref<632x16xf32, #tpu.memory_space<vmem>>) dst(%dma_wait3A_68 : memref<632x16xf32, #tpu.memory_space<vmem_shared>>)
      tpu.yield
    }) : () -> ()
    "tpu.region"() ({
      %run_scoped3A = tpu.sem_alloc : memref<!tpu.dma_semaphore, #tpu.memory_space<semaphore_mem>>
      %dma_start3A_62 = arith.constant 0 : i32
      %dma_start3A_63 = arith.constant 0 : i32
      %dma_start3A_64 = tpu.memref_slice %arg2[%add3A, %dma_start3A_62, %dma_start3A_63] : memref<32x125x80xi32, #tpu.memory_space<hbm>> -> memref<1x125x80xi32, #tpu.memory_space<hbm>>
      %dma_start3A_65 = tpu.memref_squeeze %dma_start3A_64 : memref<1x125x80xi32, #tpu.memory_space<hbm>> -> memref<125x80xi32, #tpu.memory_space<hbm>>
      %dma_start3A_66 = arith.constant 0 : i32
      %dma_start3A_67 = arith.constant 0 : i32
      %dma_start3A_68 = tpu.memref_slice %arg2[%add3A, %dma_start3A_66, %dma_start3A_67] : memref<32x125x80xi32, #tpu.memory_space<hbm>> -> memref<1x125x80xi32, #tpu.memory_space<hbm>>
      %dma_start3A_69 = tpu.memref_squeeze %dma_start3A_68 : memref<1x125x80xi32, #tpu.memory_space<hbm>> -> memref<125x80xi32, #tpu.memory_space<hbm>>
      tpu.enqueue_dma source(%dma_start3A_69 : memref<125x80xi32, #tpu.memory_space<hbm>>) target(%arg4 : memref<125x80xi32, #tpu.memory_space<vmem>>) target_semaphore(%run_scoped3A : memref<!tpu.dma_semaphore, #tpu.memory_space<semaphore_mem>>)
      %dma_wait3A = arith.constant 0 : i32
      %dma_wait3A_70 = arith.constant 0 : i32
      %dma_wait3A_71 = tpu.memref_slice %arg2[%add3A, %dma_wait3A, %dma_wait3A_70] : memref<32x125x80xi32, #tpu.memory_space<hbm>> -> memref<1x125x80xi32, #tpu.memory_space<hbm>>
      %dma_wait3A_72 = tpu.memref_squeeze %dma_wait3A_71 : memref<1x125x80xi32, #tpu.memory_space<hbm>> -> memref<125x80xi32, #tpu.memory_space<hbm>>
      %dma_wait3A_73 = arith.constant 0 : i32
      %dma_wait3A_74 = arith.constant 0 : i32
      %dma_wait3A_75 = tpu.memref_slice %arg2[%add3A, %dma_wait3A_73, %dma_wait3A_74] : memref<32x125x80xi32, #tpu.memory_space<hbm>> -> memref<1x125x80xi32, #tpu.memory_space<hbm>>
      %dma_wait3A_76 = tpu.memref_squeeze %dma_wait3A_75 : memref<1x125x80xi32, #tpu.memory_space<hbm>> -> memref<125x80xi32, #tpu.memory_space<hbm>>
      tpu.wait_dma2 semaphore(%run_scoped3A : memref<!tpu.dma_semaphore, #tpu.memory_space<semaphore_mem>>) src(%dma_wait3A_76 : memref<125x80xi32, #tpu.memory_space<hbm>>) dst(%arg4 : memref<125x80xi32, #tpu.memory_space<vmem>>)
      tpu.yield
    }) : () -> ()
    %barrier3A = arith.constant 0 : index
    tpu.barrier barrier_id(%barrier3A)
    %dma_start3A = arith.constant 0 : i32
    %dma_start3A_17 = arith.constant 0 : i32
    %dma_start3A_18 = tpu.memref_slice %arg4[%dma_start3A, %dma_start3A_17] : memref<125x80xi32, #tpu.memory_space<vmem>> -> memref<1x80xi32, #tpu.memory_space<vmem>>
    %dma_start3A_19 = tpu.memref_squeeze %dma_start3A_18 : memref<1x80xi32, #tpu.memory_space<vmem>> -> memref<80xi32, #tpu.memory_space<vmem>>
    %dma_start3A_20 = arith.constant 0 : i32
    %dma_start3A_21 = arith.constant 0 : i32
    %dma_start3A_22 = tpu.memref_slice %arg7[%dma_start3A_20, %dma_start3A_21] : memref<10112x16xf32, #tpu.memory_space<vmem_shared>> -> memref<10112x16xf32, #tpu.memory_space<vmem_shared>>
    tpu.enqueue_indirect_dma source(%arg5 : memref<80x16xf32, #tpu.memory_space<vmem>>) target(%dma_start3A_22 : memref<10112x16xf32, #tpu.memory_space<vmem_shared>>) offsets(%dma_start3A_19 : memref<80xi32, #tpu.memory_space<vmem>>) semaphore(%arg8 : memref<!tpu.dma_semaphore, #tpu.memory_space<semaphore_mem>>) {add = true}
    %dma_start3A_23 = arith.constant 1 : i32
    %dma_start3A_24 = arith.constant 0 : i32
    %dma_start3A_25 = tpu.memref_slice %arg4[%dma_start3A_23, %dma_start3A_24] : memref<125x80xi32, #tpu.memory_space<vmem>> -> memref<1x80xi32, #tpu.memory_space<vmem>>
    %dma_start3A_26 = tpu.memref_squeeze %dma_start3A_25 : memref<1x80xi32, #tpu.memory_space<vmem>> -> memref<80xi32, #tpu.memory_space<vmem>>
    %dma_start3A_27 = arith.constant 0 : i32
    %dma_start3A_28 = arith.constant 0 : i32
    %dma_start3A_29 = tpu.memref_slice %arg7[%dma_start3A_27, %dma_start3A_28] : memref<10112x16xf32, #tpu.memory_space<vmem_shared>> -> memref<10112x16xf32, #tpu.memory_space<vmem_shared>>
    tpu.enqueue_indirect_dma source(%arg5 : memref<80x16xf32, #tpu.memory_space<vmem>>) target(%dma_start3A_29 : memref<10112x16xf32, #tpu.memory_space<vmem_shared>>) offsets(%dma_start3A_26 : memref<80xi32, #tpu.memory_space<vmem>>) semaphore(%arg9 : memref<!tpu.dma_semaphore, #tpu.memory_space<semaphore_mem>>) {add = true}
    %dma_start3A_30 = arith.constant 2 : i32
    %dma_start3A_31 = arith.constant 0 : i32
    %dma_start3A_32 = tpu.memref_slice %arg4[%dma_start3A_30, %dma_start3A_31] : memref<125x80xi32, #tpu.memory_space<vmem>> -> memref<1x80xi32, #tpu.memory_space<vmem>>
    %dma_start3A_33 = tpu.memref_squeeze %dma_start3A_32 : memref<1x80xi32, #tpu.memory_space<vmem>> -> memref<80xi32, #tpu.memory_space<vmem>>
    %dma_start3A_34 = arith.constant 0 : i32
    %dma_start3A_35 = arith.constant 0 : i32
    %dma_start3A_36 = tpu.memref_slice %arg7[%dma_start3A_34, %dma_start3A_35] : memref<10112x16xf32, #tpu.memory_space<vmem_shared>> -> memref<10112x16xf32, #tpu.memory_space<vmem_shared>>
    tpu.enqueue_indirect_dma source(%arg5 : memref<80x16xf32, #tpu.memory_space<vmem>>) target(%dma_start3A_36 : memref<10112x16xf32, #tpu.memory_space<vmem_shared>>) offsets(%dma_start3A_33 : memref<80xi32, #tpu.memory_space<vmem>>) semaphore(%arg10 : memref<!tpu.dma_semaphore, #tpu.memory_space<semaphore_mem>>) {add = true}
    %dma_start3A_37 = arith.constant 3 : i32
    %dma_start3A_38 = arith.constant 0 : i32
    %dma_start3A_39 = tpu.memref_slice %arg4[%dma_start3A_37, %dma_start3A_38] : memref<125x80xi32, #tpu.memory_space<vmem>> -> memref<1x80xi32, #tpu.memory_space<vmem>>
    %dma_start3A_40 = tpu.memref_squeeze %dma_start3A_39 : memref<1x80xi32, #tpu.memory_space<vmem>> -> memref<80xi32, #tpu.memory_space<vmem>>
    %dma_start3A_41 = arith.constant 0 : i32
    %dma_start3A_42 = arith.constant 0 : i32
    %dma_start3A_43 = tpu.memref_slice %arg7[%dma_start3A_41, %dma_start3A_42] : memref<10112x16xf32, #tpu.memory_space<vmem_shared>> -> memref<10112x16xf32, #tpu.memory_space<vmem_shared>>
    tpu.enqueue_indirect_dma source(%arg5 : memref<80x16xf32, #tpu.memory_space<vmem>>) target(%dma_start3A_43 : memref<10112x16xf32, #tpu.memory_space<vmem_shared>>) offsets(%dma_start3A_40 : memref<80xi32, #tpu.memory_space<vmem>>) semaphore(%arg11 : memref<!tpu.dma_semaphore, #tpu.memory_space<semaphore_mem>>) {add = true}
    %dma_start3A_44 = arith.constant 4 : i32
    %dma_start3A_45 = arith.constant 0 : i32
    %dma_start3A_46 = tpu.memref_slice %arg4[%dma_start3A_44, %dma_start3A_45] : memref<125x80xi32, #tpu.memory_space<vmem>> -> memref<1x80xi32, #tpu.memory_space<vmem>>
    %dma_start3A_47 = tpu.memref_squeeze %dma_start3A_46 : memref<1x80xi32, #tpu.memory_space<vmem>> -> memref<80xi32, #tpu.memory_space<vmem>>
    %dma_start3A_48 = arith.constant 0 : i32
    %dma_start3A_49 = arith.constant 0 : i32
    %dma_start3A_50 = tpu.memref_slice %arg7[%dma_start3A_48, %dma_start3A_49] : memref<10112x16xf32, #tpu.memory_space<vmem_shared>> -> memref<10112x16xf32, #tpu.memory_space<vmem_shared>>
    tpu.enqueue_indirect_dma source(%arg5 : memref<80x16xf32, #tpu.memory_space<vmem>>) target(%dma_start3A_50 : memref<10112x16xf32, #tpu.memory_space<vmem_shared>>) offsets(%dma_start3A_47 : memref<80xi32, #tpu.memory_space<vmem>>) semaphore(%arg12 : memref<!tpu.dma_semaphore, #tpu.memory_space<semaphore_mem>>) {add = true}
    %scan3A_51 = arith.constant 0 : i32
    %scan3A_52 = arith.constant 0 : i32
    %scan3A_53 = arith.constant 25 : i32
    %scan3A_54 = arith.addi %scan3A_52, %scan3A_53 : i32
    %scan3A_55 = arith.constant 1 : i32
    scf.for %scan3A_62 = %scan3A_52 to %scan3A_54 step %scan3A_55  : i32 {
      %mul3A_63 = arith.constant 5 : i32
      %mul3A_64 = arith.muli %mul3A_63, %scan3A_62 : i32
      %add3A_65 = arith.constant 0 : i32
      %add3A_66 = arith.addi %mul3A_64, %add3A_65 : i32
      %dma_wait3A = arith.constant 0 : i32
      %dma_wait3A_67 = tpu.memref_slice %arg4[%add3A_66, %dma_wait3A] : memref<125x80xi32, #tpu.memory_space<vmem>> -> memref<1x80xi32, #tpu.memory_space<vmem>>
      %dma_wait3A_68 = tpu.memref_squeeze %dma_wait3A_67 : memref<1x80xi32, #tpu.memory_space<vmem>> -> memref<80xi32, #tpu.memory_space<vmem>>
      %dma_wait3A_69 = arith.constant 0 : i32
      %dma_wait3A_70 = arith.constant 0 : i32
      %dma_wait3A_71 = tpu.memref_slice %arg7[%dma_wait3A_69, %dma_wait3A_70] : memref<10112x16xf32, #tpu.memory_space<vmem_shared>> -> memref<10112x16xf32, #tpu.memory_space<vmem_shared>>
      tpu.wait_indirect_dma semaphore(%arg8 : memref<!tpu.dma_semaphore, #tpu.memory_space<semaphore_mem>>) src(%arg5 : memref<80x16xf32, #tpu.memory_space<vmem>>) dst(%dma_wait3A_71 : memref<10112x16xf32, #tpu.memory_space<vmem_shared>>)
      %add3A_72 = arith.constant 5 : i32
      %add3A_73 = arith.addi %add3A_66, %add3A_72 : i32
      %lt3A = arith.constant 125 : i32
      %lt3A_74 = arith.cmpi slt, %add3A_73, %lt3A : i32
      %convert_element_type3A = arith.extui %lt3A_74 : i1 to i32
      %cond3A = arith.constant 0 : i32
      %cond3A_75 = arith.cmpi ne, %convert_element_type3A, %cond3A : i32
      scf.if %cond3A_75 {
        %add3A_136 = arith.constant 5 : i32
        %add3A_137 = arith.addi %add3A_66, %add3A_136 : i32
        %dma_start3A_138 = arith.constant 0 : i32
        %dma_start3A_139 = tpu.memref_slice %arg4[%add3A_137, %dma_start3A_138] : memref<125x80xi32, #tpu.memory_space<vmem>> -> memref<1x80xi32, #tpu.memory_space<vmem>>
        %dma_start3A_140 = tpu.memref_squeeze %dma_start3A_139 : memref<1x80xi32, #tpu.memory_space<vmem>> -> memref<80xi32, #tpu.memory_space<vmem>>
        %dma_start3A_141 = arith.constant 0 : i32
        %dma_start3A_142 = arith.constant 0 : i32
        %dma_start3A_143 = tpu.memref_slice %arg7[%dma_start3A_141, %dma_start3A_142] : memref<10112x16xf32, #tpu.memory_space<vmem_shared>> -> memref<10112x16xf32, #tpu.memory_space<vmem_shared>>
        tpu.enqueue_indirect_dma source(%arg5 : memref<80x16xf32, #tpu.memory_space<vmem>>) target(%dma_start3A_143 : memref<10112x16xf32, #tpu.memory_space<vmem_shared>>) offsets(%dma_start3A_140 : memref<80xi32, #tpu.memory_space<vmem>>) semaphore(%arg8 : memref<!tpu.dma_semaphore, #tpu.memory_space<semaphore_mem>>) {add = true}
      } else {
      }
      %add3A_76 = arith.constant 1 : i32
      %add3A_77 = arith.addi %mul3A_64, %add3A_76 : i32
      %dma_wait3A_78 = arith.constant 0 : i32
      %dma_wait3A_79 = tpu.memref_slice %arg4[%add3A_77, %dma_wait3A_78] : memref<125x80xi32, #tpu.memory_space<vmem>> -> memref<1x80xi32, #tpu.memory_space<vmem>>
      %dma_wait3A_80 = tpu.memref_squeeze %dma_wait3A_79 : memref<1x80xi32, #tpu.memory_space<vmem>> -> memref<80xi32, #tpu.memory_space<vmem>>
      %dma_wait3A_81 = arith.constant 0 : i32
      %dma_wait3A_82 = arith.constant 0 : i32
      %dma_wait3A_83 = tpu.memref_slice %arg7[%dma_wait3A_81, %dma_wait3A_82] : memref<10112x16xf32, #tpu.memory_space<vmem_shared>> -> memref<10112x16xf32, #tpu.memory_space<vmem_shared>>
      tpu.wait_indirect_dma semaphore(%arg9 : memref<!tpu.dma_semaphore, #tpu.memory_space<semaphore_mem>>) src(%arg5 : memref<80x16xf32, #tpu.memory_space<vmem>>) dst(%dma_wait3A_83 : memref<10112x16xf32, #tpu.memory_space<vmem_shared>>)
      %add3A_84 = arith.constant 5 : i32
      %add3A_85 = arith.addi %add3A_77, %add3A_84 : i32
      %lt3A_86 = arith.constant 125 : i32
      %lt3A_87 = arith.cmpi slt, %add3A_85, %lt3A_86 : i32
      %convert_element_type3A_88 = arith.extui %lt3A_87 : i1 to i32
      %cond3A_89 = arith.constant 0 : i32
      %cond3A_90 = arith.cmpi ne, %convert_element_type3A_88, %cond3A_89 : i32
      scf.if %cond3A_90 {
        %add3A_136 = arith.constant 5 : i32
        %add3A_137 = arith.addi %add3A_77, %add3A_136 : i32
        %dma_start3A_138 = arith.constant 0 : i32
        %dma_start3A_139 = tpu.memref_slice %arg4[%add3A_137, %dma_start3A_138] : memref<125x80xi32, #tpu.memory_space<vmem>> -> memref<1x80xi32, #tpu.memory_space<vmem>>
        %dma_start3A_140 = tpu.memref_squeeze %dma_start3A_139 : memref<1x80xi32, #tpu.memory_space<vmem>> -> memref<80xi32, #tpu.memory_space<vmem>>
        %dma_start3A_141 = arith.constant 0 : i32
        %dma_start3A_142 = arith.constant 0 : i32
        %dma_start3A_143 = tpu.memref_slice %arg7[%dma_start3A_141, %dma_start3A_142] : memref<10112x16xf32, #tpu.memory_space<vmem_shared>> -> memref<10112x16xf32, #tpu.memory_space<vmem_shared>>
        tpu.enqueue_indirect_dma source(%arg5 : memref<80x16xf32, #tpu.memory_space<vmem>>) target(%dma_start3A_143 : memref<10112x16xf32, #tpu.memory_space<vmem_shared>>) offsets(%dma_start3A_140 : memref<80xi32, #tpu.memory_space<vmem>>) semaphore(%arg9 : memref<!tpu.dma_semaphore, #tpu.memory_space<semaphore_mem>>) {add = true}
      } else {
      }
      %add3A_91 = arith.constant 2 : i32
      %add3A_92 = arith.addi %mul3A_64, %add3A_91 : i32
      %dma_wait3A_93 = arith.constant 0 : i32
      %dma_wait3A_94 = tpu.memref_slice %arg4[%add3A_92, %dma_wait3A_93] : memref<125x80xi32, #tpu.memory_space<vmem>> -> memref<1x80xi32, #tpu.memory_space<vmem>>
      %dma_wait3A_95 = tpu.memref_squeeze %dma_wait3A_94 : memref<1x80xi32, #tpu.memory_space<vmem>> -> memref<80xi32, #tpu.memory_space<vmem>>
      %dma_wait3A_96 = arith.constant 0 : i32
      %dma_wait3A_97 = arith.constant 0 : i32
      %dma_wait3A_98 = tpu.memref_slice %arg7[%dma_wait3A_96, %dma_wait3A_97] : memref<10112x16xf32, #tpu.memory_space<vmem_shared>> -> memref<10112x16xf32, #tpu.memory_space<vmem_shared>>
      tpu.wait_indirect_dma semaphore(%arg10 : memref<!tpu.dma_semaphore, #tpu.memory_space<semaphore_mem>>) src(%arg5 : memref<80x16xf32, #tpu.memory_space<vmem>>) dst(%dma_wait3A_98 : memref<10112x16xf32, #tpu.memory_space<vmem_shared>>)
      %add3A_99 = arith.constant 5 : i32
      %add3A_100 = arith.addi %add3A_92, %add3A_99 : i32
      %lt3A_101 = arith.constant 125 : i32
      %lt3A_102 = arith.cmpi slt, %add3A_100, %lt3A_101 : i32
      %convert_element_type3A_103 = arith.extui %lt3A_102 : i1 to i32
      %cond3A_104 = arith.constant 0 : i32
      %cond3A_105 = arith.cmpi ne, %convert_element_type3A_103, %cond3A_104 : i32
      scf.if %cond3A_105 {
        %add3A_136 = arith.constant 5 : i32
        %add3A_137 = arith.addi %add3A_92, %add3A_136 : i32
        %dma_start3A_138 = arith.constant 0 : i32
        %dma_start3A_139 = tpu.memref_slice %arg4[%add3A_137, %dma_start3A_138] : memref<125x80xi32, #tpu.memory_space<vmem>> -> memref<1x80xi32, #tpu.memory_space<vmem>>
        %dma_start3A_140 = tpu.memref_squeeze %dma_start3A_139 : memref<1x80xi32, #tpu.memory_space<vmem>> -> memref<80xi32, #tpu.memory_space<vmem>>
        %dma_start3A_141 = arith.constant 0 : i32
        %dma_start3A_142 = arith.constant 0 : i32
        %dma_start3A_143 = tpu.memref_slice %arg7[%dma_start3A_141, %dma_start3A_142] : memref<10112x16xf32, #tpu.memory_space<vmem_shared>> -> memref<10112x16xf32, #tpu.memory_space<vmem_shared>>
        tpu.enqueue_indirect_dma source(%arg5 : memref<80x16xf32, #tpu.memory_space<vmem>>) target(%dma_start3A_143 : memref<10112x16xf32, #tpu.memory_space<vmem_shared>>) offsets(%dma_start3A_140 : memref<80xi32, #tpu.memory_space<vmem>>) semaphore(%arg10 : memref<!tpu.dma_semaphore, #tpu.memory_space<semaphore_mem>>) {add = true}
      } else {
      }
      %add3A_106 = arith.constant 3 : i32
      %add3A_107 = arith.addi %mul3A_64, %add3A_106 : i32
      %dma_wait3A_108 = arith.constant 0 : i32
      %dma_wait3A_109 = tpu.memref_slice %arg4[%add3A_107, %dma_wait3A_108] : memref<125x80xi32, #tpu.memory_space<vmem>> -> memref<1x80xi32, #tpu.memory_space<vmem>>
      %dma_wait3A_110 = tpu.memref_squeeze %dma_wait3A_109 : memref<1x80xi32, #tpu.memory_space<vmem>> -> memref<80xi32, #tpu.memory_space<vmem>>
      %dma_wait3A_111 = arith.constant 0 : i32
      %dma_wait3A_112 = arith.constant 0 : i32
      %dma_wait3A_113 = tpu.memref_slice %arg7[%dma_wait3A_111, %dma_wait3A_112] : memref<10112x16xf32, #tpu.memory_space<vmem_shared>> -> memref<10112x16xf32, #tpu.memory_space<vmem_shared>>
      tpu.wait_indirect_dma semaphore(%arg11 : memref<!tpu.dma_semaphore, #tpu.memory_space<semaphore_mem>>) src(%arg5 : memref<80x16xf32, #tpu.memory_space<vmem>>) dst(%dma_wait3A_113 : memref<10112x16xf32, #tpu.memory_space<vmem_shared>>)
      %add3A_114 = arith.constant 5 : i32
      %add3A_115 = arith.addi %add3A_107, %add3A_114 : i32
      %lt3A_116 = arith.constant 125 : i32
      %lt3A_117 = arith.cmpi slt, %add3A_115, %lt3A_116 : i32
      %convert_element_type3A_118 = arith.extui %lt3A_117 : i1 to i32
      %cond3A_119 = arith.constant 0 : i32
      %cond3A_120 = arith.cmpi ne, %convert_element_type3A_118, %cond3A_119 : i32
      scf.if %cond3A_120 {
        %add3A_136 = arith.constant 5 : i32
        %add3A_137 = arith.addi %add3A_107, %add3A_136 : i32
        %dma_start3A_138 = arith.constant 0 : i32
        %dma_start3A_139 = tpu.memref_slice %arg4[%add3A_137, %dma_start3A_138] : memref<125x80xi32, #tpu.memory_space<vmem>> -> memref<1x80xi32, #tpu.memory_space<vmem>>
        %dma_start3A_140 = tpu.memref_squeeze %dma_start3A_139 : memref<1x80xi32, #tpu.memory_space<vmem>> -> memref<80xi32, #tpu.memory_space<vmem>>
        %dma_start3A_141 = arith.constant 0 : i32
        %dma_start3A_142 = arith.constant 0 : i32
        %dma_start3A_143 = tpu.memref_slice %arg7[%dma_start3A_141, %dma_start3A_142] : memref<10112x16xf32, #tpu.memory_space<vmem_shared>> -> memref<10112x16xf32, #tpu.memory_space<vmem_shared>>
        tpu.enqueue_indirect_dma source(%arg5 : memref<80x16xf32, #tpu.memory_space<vmem>>) target(%dma_start3A_143 : memref<10112x16xf32, #tpu.memory_space<vmem_shared>>) offsets(%dma_start3A_140 : memref<80xi32, #tpu.memory_space<vmem>>) semaphore(%arg11 : memref<!tpu.dma_semaphore, #tpu.memory_space<semaphore_mem>>) {add = true}
      } else {
      }
      %add3A_121 = arith.constant 4 : i32
      %add3A_122 = arith.addi %mul3A_64, %add3A_121 : i32
      %dma_wait3A_123 = arith.constant 0 : i32
      %dma_wait3A_124 = tpu.memref_slice %arg4[%add3A_122, %dma_wait3A_123] : memref<125x80xi32, #tpu.memory_space<vmem>> -> memref<1x80xi32, #tpu.memory_space<vmem>>
      %dma_wait3A_125 = tpu.memref_squeeze %dma_wait3A_124 : memref<1x80xi32, #tpu.memory_space<vmem>> -> memref<80xi32, #tpu.memory_space<vmem>>
      %dma_wait3A_126 = arith.constant 0 : i32
      %dma_wait3A_127 = arith.constant 0 : i32
      %dma_wait3A_128 = tpu.memref_slice %arg7[%dma_wait3A_126, %dma_wait3A_127] : memref<10112x16xf32, #tpu.memory_space<vmem_shared>> -> memref<10112x16xf32, #tpu.memory_space<vmem_shared>>
      tpu.wait_indirect_dma semaphore(%arg12 : memref<!tpu.dma_semaphore, #tpu.memory_space<semaphore_mem>>) src(%arg5 : memref<80x16xf32, #tpu.memory_space<vmem>>) dst(%dma_wait3A_128 : memref<10112x16xf32, #tpu.memory_space<vmem_shared>>)
      %add3A_129 = arith.constant 5 : i32
      %add3A_130 = arith.addi %add3A_122, %add3A_129 : i32
      %lt3A_131 = arith.constant 125 : i32
      %lt3A_132 = arith.cmpi slt, %add3A_130, %lt3A_131 : i32
      %convert_element_type3A_133 = arith.extui %lt3A_132 : i1 to i32
      %cond3A_134 = arith.constant 0 : i32
      %cond3A_135 = arith.cmpi ne, %convert_element_type3A_133, %cond3A_134 : i32
      scf.if %cond3A_135 {
        %add3A_136 = arith.constant 5 : i32
        %add3A_137 = arith.addi %add3A_122, %add3A_136 : i32
        %dma_start3A_138 = arith.constant 0 : i32
        %dma_start3A_139 = tpu.memref_slice %arg4[%add3A_137, %dma_start3A_138] : memref<125x80xi32, #tpu.memory_space<vmem>> -> memref<1x80xi32, #tpu.memory_space<vmem>>
        %dma_start3A_140 = tpu.memref_squeeze %dma_start3A_139 : memref<1x80xi32, #tpu.memory_space<vmem>> -> memref<80xi32, #tpu.memory_space<vmem>>
        %dma_start3A_141 = arith.constant 0 : i32
        %dma_start3A_142 = arith.constant 0 : i32
        %dma_start3A_143 = tpu.memref_slice %arg7[%dma_start3A_141, %dma_start3A_142] : memref<10112x16xf32, #tpu.memory_space<vmem_shared>> -> memref<10112x16xf32, #tpu.memory_space<vmem_shared>>
        tpu.enqueue_indirect_dma source(%arg5 : memref<80x16xf32, #tpu.memory_space<vmem>>) target(%dma_start3A_143 : memref<10112x16xf32, #tpu.memory_space<vmem_shared>>) offsets(%dma_start3A_140 : memref<80xi32, #tpu.memory_space<vmem>>) semaphore(%arg12 : memref<!tpu.dma_semaphore, #tpu.memory_space<semaphore_mem>>) {add = true}
      } else {
      }
    }
    %scan3A_56 = arith.constant 25 : i32
    %barrier3A_57 = arith.constant 0 : index
    tpu.barrier barrier_id(%barrier3A_57)
    %mul3A_58 = arith.constant 632 : i32
    %mul3A_59 = arith.muli %arg1, %mul3A_58 : i32
    %mul3A_60 = arith.constant 632 : i32
    %mul3A_61 = arith.muli %arg1, %mul3A_60 : i32
    "tpu.region"() ({
      %run_scoped3A = tpu.sem_alloc : memref<!tpu.dma_semaphore, #tpu.memory_space<semaphore_mem>>
      %dma_start3A_62 = arith.constant 0 : i32
      %dma_start3A_63 = tpu.memref_slice %arg3[%arg0, %mul3A_61, %dma_start3A_62] : memref<2x10112x16xf32, #tpu.memory_space<hbm>> -> memref<1x632x16xf32, #tpu.memory_space<hbm>>
      %dma_start3A_64 = tpu.memref_squeeze %dma_start3A_63 : memref<1x632x16xf32, #tpu.memory_space<hbm>> -> memref<632x16xf32, #tpu.memory_space<hbm>>
      %dma_start3A_65 = arith.constant 0 : i32
      %dma_start3A_66 = tpu.memref_slice %arg7[%mul3A_59, %dma_start3A_65] : memref<10112x16xf32, #tpu.memory_space<vmem_shared>> -> memref<632x16xf32, #tpu.memory_space<vmem_shared>>
      tpu.enqueue_dma source(%dma_start3A_66 : memref<632x16xf32, #tpu.memory_space<vmem_shared>>) target(%dma_start3A_64 : memref<632x16xf32, #tpu.memory_space<hbm>>) target_semaphore(%run_scoped3A : memref<!tpu.dma_semaphore, #tpu.memory_space<semaphore_mem>>)
      %dma_wait3A = arith.constant 0 : i32
      %dma_wait3A_67 = tpu.memref_slice %arg3[%arg0, %mul3A_61, %dma_wait3A] : memref<2x10112x16xf32, #tpu.memory_space<hbm>> -> memref<1x632x16xf32, #tpu.memory_space<hbm>>
      %dma_wait3A_68 = tpu.memref_squeeze %dma_wait3A_67 : memref<1x632x16xf32, #tpu.memory_space<hbm>> -> memref<632x16xf32, #tpu.memory_space<hbm>>
      %dma_wait3A_69 = arith.constant 0 : i32
      %dma_wait3A_70 = tpu.memref_slice %arg7[%mul3A_59, %dma_wait3A_69] : memref<10112x16xf32, #tpu.memory_space<vmem_shared>> -> memref<632x16xf32, #tpu.memory_space<vmem_shared>>
      tpu.wait_dma2 semaphore(%run_scoped3A : memref<!tpu.dma_semaphore, #tpu.memory_space<semaphore_mem>>) src(%dma_wait3A_70 : memref<632x16xf32, #tpu.memory_space<vmem_shared>>) dst(%dma_wait3A_68 : memref<632x16xf32, #tpu.memory_space<hbm>>)
      tpu.yield
    }) : () -> ()
    return
  }
}

#map = affine_map<(d0, d1) -> (0, 0)>
#map1 = affine_map<(d0, d1) -> (0, 0, 0)>
module attributes {stable_mosaic.version = 14 : i64} {
  func.func @k(%arg0: i32, %arg1: i32, %arg2: memref<10000x32xbf16, #tpu.memory_space<hbm>>, %arg3: memref<32x125x80xi32, #tpu.memory_space<hbm>>, %arg4: memref<32x125x80xi32, #tpu.memory_space<hbm>>, %arg5: memref<2x10112x32xbf16, #tpu.memory_space<hbm>>, %arg6: memref<125x80xi32, #tpu.memory_space<vmem>>, %arg7: memref<125x80xi32, #tpu.memory_space<vmem>>, %arg8: memref<10x80x32xbf16, #tpu.memory_space<vmem>>, %arg9: memref<632x32xbf16, #tpu.memory_space<vmem>>, %arg10: memref<10112x32xbf16, #tpu.memory_space<vmem_shared>>, %arg11: memref<!tpu.dma_semaphore, #tpu.memory_space<semaphore_mem>>, %arg12: memref<!tpu.dma_semaphore, #tpu.memory_space<semaphore_mem>>, %arg13: memref<!tpu.dma_semaphore, #tpu.memory_space<semaphore_mem>>, %arg14: memref<!tpu.dma_semaphore, #tpu.memory_space<semaphore_mem>>, %arg15: memref<!tpu.dma_semaphore, #tpu.memory_space<semaphore_mem>>, %arg16: memref<!tpu.dma_semaphore, #tpu.memory_space<semaphore_mem>>, %arg17: memref<!tpu.dma_semaphore, #tpu.memory_space<semaphore_mem>>, %arg18: memref<!tpu.dma_semaphore, #tpu.memory_space<semaphore_mem>>, %arg19: memref<!tpu.dma_semaphore, #tpu.memory_space<semaphore_mem>>, %arg20: memref<!tpu.dma_semaphore, #tpu.memory_space<semaphore_mem>>) attributes {dimension_semantics = [#tpu.dimension_semantics<core_parallel>, #tpu.dimension_semantics<subcore_parallel>], iteration_bounds = array<i64: 2, 16>, scalar_prefetch = 0 : i64, scratch_operands = 15 : i64, tpu.core_type = #tpu.core_type<sc_vector_subcore>, window_params = [{transform_indices = #map}, {transform_indices = #map1}, {transform_indices = #map1}, {transform_indices = #map1}]} {
    %mul3A = arith.constant 16 : i32
    %mul3A_0 = arith.muli %arg0, %mul3A : i32
    %add3A = arith.addi %mul3A_0, %arg1 : i32
    %broadcast_in_dim3A = arith.constant 0.000000e+00 : bf16
    %broadcast_in_dim3A_1 = vector.broadcast %broadcast_in_dim3A : bf16 to vector<32xbf16>
    %scan3A = arith.constant 0 : i32
    %scan3A_2 = arith.constant 0 : i32
    %scan3A_3 = arith.constant 632 : i32
    %scan3A_4 = arith.addi %scan3A_2, %scan3A_3 : i32
    %scan3A_5 = arith.constant 1 : i32
    scf.for %scan3A_147 = %scan3A_2 to %scan3A_4 step %scan3A_5  : i32 {
      %swap3A = arith.index_cast %scan3A_147 : i32 to index
      %swap3A_148 = arith.constant 0 : index
      %swap3A_149 = tpu.vector_load %arg9[%swap3A, %swap3A_148] {strides = array<i32>} : memref<632x32xbf16, #tpu.memory_space<vmem>>, vector<1x32xbf16>,
      %swap3A_150 = vector.shape_cast %swap3A_149 : vector<1x32xbf16> to vector<32xbf16>
      %swap3A_151 = vector.shape_cast %broadcast_in_dim3A_1 : vector<32xbf16> to vector<1x32xbf16>
      tpu.vector_store %arg9[%swap3A, %swap3A_148], %swap3A_151 {strides = array<i32>} : memref<632x32xbf16, #tpu.memory_space<vmem>>, vector<1x32xbf16>,
    }
    %scan3A_6 = arith.constant 632 : i32
    %mul3A_7 = arith.constant 632 : i32
    %mul3A_8 = arith.muli %arg1, %mul3A_7 : i32
    "tpu.region"() ({
      %run_scoped3A = tpu.sem_alloc : memref<!tpu.dma_semaphore, #tpu.memory_space<semaphore_mem>>
      %dma_start3A_147 = arith.constant 0 : i32
      %dma_start3A_148 = tpu.memref_slice %arg10[%mul3A_8, %dma_start3A_147] : memref<10112x32xbf16, #tpu.memory_space<vmem_shared>> -> memref<632x32xbf16, #tpu.memory_space<vmem_shared>>
      %dma_start3A_149 = arith.constant 0 : i32
      %dma_start3A_150 = tpu.memref_slice %arg10[%mul3A_8, %dma_start3A_149] : memref<10112x32xbf16, #tpu.memory_space<vmem_shared>> -> memref<632x32xbf16, #tpu.memory_space<vmem_shared>>
      tpu.enqueue_dma source(%arg9 : memref<632x32xbf16, #tpu.memory_space<vmem>>) target(%dma_start3A_150 : memref<632x32xbf16, #tpu.memory_space<vmem_shared>>) target_semaphore(%run_scoped3A : memref<!tpu.dma_semaphore, #tpu.memory_space<semaphore_mem>>)
      %dma_wait3A_151 = arith.constant 0 : i32
      %dma_wait3A_152 = tpu.memref_slice %arg10[%mul3A_8, %dma_wait3A_151] : memref<10112x32xbf16, #tpu.memory_space<vmem_shared>> -> memref<632x32xbf16, #tpu.memory_space<vmem_shared>>
      %dma_wait3A_153 = arith.constant 0 : i32
      %dma_wait3A_154 = tpu.memref_slice %arg10[%mul3A_8, %dma_wait3A_153] : memref<10112x32xbf16, #tpu.memory_space<vmem_shared>> -> memref<632x32xbf16, #tpu.memory_space<vmem_shared>>
      tpu.wait_dma2 semaphore(%run_scoped3A : memref<!tpu.dma_semaphore, #tpu.memory_space<semaphore_mem>>) src(%arg9 : memref<632x32xbf16, #tpu.memory_space<vmem>>) dst(%dma_wait3A_154 : memref<632x32xbf16, #tpu.memory_space<vmem_shared>>)
      tpu.yield
    }) : () -> ()
    "tpu.region"() ({
      %run_scoped3A = tpu.sem_alloc : memref<!tpu.dma_semaphore, #tpu.memory_space<semaphore_mem>>
      %dma_start3A_147 = arith.constant 0 : i32
      %dma_start3A_148 = arith.constant 0 : i32
      %dma_start3A_149 = tpu.memref_slice %arg3[%add3A, %dma_start3A_147, %dma_start3A_148] : memref<32x125x80xi32, #tpu.memory_space<hbm>> -> memref<1x125x80xi32, #tpu.memory_space<hbm>>
      %dma_start3A_150 = tpu.memref_squeeze %dma_start3A_149 : memref<1x125x80xi32, #tpu.memory_space<hbm>> -> memref<125x80xi32, #tpu.memory_space<hbm>>
      %dma_start3A_151 = arith.constant 0 : i32
      %dma_start3A_152 = arith.constant 0 : i32
      %dma_start3A_153 = tpu.memref_slice %arg3[%add3A, %dma_start3A_151, %dma_start3A_152] : memref<32x125x80xi32, #tpu.memory_space<hbm>> -> memref<1x125x80xi32, #tpu.memory_space<hbm>>
      %dma_start3A_154 = tpu.memref_squeeze %dma_start3A_153 : memref<1x125x80xi32, #tpu.memory_space<hbm>> -> memref<125x80xi32, #tpu.memory_space<hbm>>
      tpu.enqueue_dma source(%dma_start3A_154 : memref<125x80xi32, #tpu.memory_space<hbm>>) target(%arg6 : memref<125x80xi32, #tpu.memory_space<vmem>>) target_semaphore(%run_scoped3A : memref<!tpu.dma_semaphore, #tpu.memory_space<semaphore_mem>>)
      %dma_wait3A_155 = arith.constant 0 : i32
      %dma_wait3A_156 = arith.constant 0 : i32
      %dma_wait3A_157 = tpu.memref_slice %arg3[%add3A, %dma_wait3A_155, %dma_wait3A_156] : memref<32x125x80xi32, #tpu.memory_space<hbm>> -> memref<1x125x80xi32, #tpu.memory_space<hbm>>
      %dma_wait3A_158 = tpu.memref_squeeze %dma_wait3A_157 : memref<1x125x80xi32, #tpu.memory_space<hbm>> -> memref<125x80xi32, #tpu.memory_space<hbm>>
      %dma_wait3A_159 = arith.constant 0 : i32
      %dma_wait3A_160 = arith.constant 0 : i32
      %dma_wait3A_161 = tpu.memref_slice %arg3[%add3A, %dma_wait3A_159, %dma_wait3A_160] : memref<32x125x80xi32, #tpu.memory_space<hbm>> -> memref<1x125x80xi32, #tpu.memory_space<hbm>>
      %dma_wait3A_162 = tpu.memref_squeeze %dma_wait3A_161 : memref<1x125x80xi32, #tpu.memory_space<hbm>> -> memref<125x80xi32, #tpu.memory_space<hbm>>
      tpu.wait_dma2 semaphore(%run_scoped3A : memref<!tpu.dma_semaphore, #tpu.memory_space<semaphore_mem>>) src(%dma_wait3A_162 : memref<125x80xi32, #tpu.memory_space<hbm>>) dst(%arg6 : memref<125x80xi32, #tpu.memory_space<vmem>>)
      tpu.yield
    }) : () -> ()
    "tpu.region"() ({
      %run_scoped3A = tpu.sem_alloc : memref<!tpu.dma_semaphore, #tpu.memory_space<semaphore_mem>>
      %dma_start3A_147 = arith.constant 0 : i32
      %dma_start3A_148 = arith.constant 0 : i32
      %dma_start3A_149 = tpu.memref_slice %arg4[%add3A, %dma_start3A_147, %dma_start3A_148] : memref<32x125x80xi32, #tpu.memory_space<hbm>> -> memref<1x125x80xi32, #tpu.memory_space<hbm>>
      %dma_start3A_150 = tpu.memref_squeeze %dma_start3A_149 : memref<1x125x80xi32, #tpu.memory_space<hbm>> -> memref<125x80xi32, #tpu.memory_space<hbm>>
      %dma_start3A_151 = arith.constant 0 : i32
      %dma_start3A_152 = arith.constant 0 : i32
      %dma_start3A_153 = tpu.memref_slice %arg4[%add3A, %dma_start3A_151, %dma_start3A_152] : memref<32x125x80xi32, #tpu.memory_space<hbm>> -> memref<1x125x80xi32, #tpu.memory_space<hbm>>
      %dma_start3A_154 = tpu.memref_squeeze %dma_start3A_153 : memref<1x125x80xi32, #tpu.memory_space<hbm>> -> memref<125x80xi32, #tpu.memory_space<hbm>>
      tpu.enqueue_dma source(%dma_start3A_154 : memref<125x80xi32, #tpu.memory_space<hbm>>) target(%arg7 : memref<125x80xi32, #tpu.memory_space<vmem>>) target_semaphore(%run_scoped3A : memref<!tpu.dma_semaphore, #tpu.memory_space<semaphore_mem>>)
      %dma_wait3A_155 = arith.constant 0 : i32
      %dma_wait3A_156 = arith.constant 0 : i32
      %dma_wait3A_157 = tpu.memref_slice %arg4[%add3A, %dma_wait3A_155, %dma_wait3A_156] : memref<32x125x80xi32, #tpu.memory_space<hbm>> -> memref<1x125x80xi32, #tpu.memory_space<hbm>>
      %dma_wait3A_158 = tpu.memref_squeeze %dma_wait3A_157 : memref<1x125x80xi32, #tpu.memory_space<hbm>> -> memref<125x80xi32, #tpu.memory_space<hbm>>
      %dma_wait3A_159 = arith.constant 0 : i32
      %dma_wait3A_160 = arith.constant 0 : i32
      %dma_wait3A_161 = tpu.memref_slice %arg4[%add3A, %dma_wait3A_159, %dma_wait3A_160] : memref<32x125x80xi32, #tpu.memory_space<hbm>> -> memref<1x125x80xi32, #tpu.memory_space<hbm>>
      %dma_wait3A_162 = tpu.memref_squeeze %dma_wait3A_161 : memref<1x125x80xi32, #tpu.memory_space<hbm>> -> memref<125x80xi32, #tpu.memory_space<hbm>>
      tpu.wait_dma2 semaphore(%run_scoped3A : memref<!tpu.dma_semaphore, #tpu.memory_space<semaphore_mem>>) src(%dma_wait3A_162 : memref<125x80xi32, #tpu.memory_space<hbm>>) dst(%arg7 : memref<125x80xi32, #tpu.memory_space<vmem>>)
      tpu.yield
    }) : () -> ()
    %barrier3A = arith.constant 0 : index
    tpu.barrier barrier_id(%barrier3A)
    %dma_start3A = arith.constant 0 : i32
    %dma_start3A_9 = arith.constant 0 : i32
    %dma_start3A_10 = arith.constant 0 : i32
    %dma_start3A_11 = arith.constant 0 : i32
    %dma_start3A_12 = tpu.memref_slice %arg8[%dma_start3A_9, %dma_start3A_10, %dma_start3A_11] : memref<10x80x32xbf16, #tpu.memory_space<vmem>> -> memref<1x80x32xbf16, #tpu.memory_space<vmem>>
    %dma_start3A_13 = tpu.memref_squeeze %dma_start3A_12 : memref<1x80x32xbf16, #tpu.memory_space<vmem>> -> memref<80x32xbf16, #tpu.memory_space<vmem>>
    %dma_start3A_14 = arith.constant 0 : i32
    %dma_start3A_15 = tpu.memref_slice %arg6[%dma_start3A, %dma_start3A_14] : memref<125x80xi32, #tpu.memory_space<vmem>> -> memref<1x80xi32, #tpu.memory_space<vmem>>
    %dma_start3A_16 = tpu.memref_squeeze %dma_start3A_15 : memref<1x80xi32, #tpu.memory_space<vmem>> -> memref<80xi32, #tpu.memory_space<vmem>>
    %dma_start3A_17 = arith.constant 0 : i32
    %dma_start3A_18 = arith.constant 0 : i32
    %dma_start3A_19 = tpu.memref_slice %arg2[%dma_start3A_17, %dma_start3A_18] : memref<10000x32xbf16, #tpu.memory_space<hbm>> -> memref<10000x32xbf16, #tpu.memory_space<hbm>>
    tpu.enqueue_indirect_dma source(%dma_start3A_19 : memref<10000x32xbf16, #tpu.memory_space<hbm>>) target(%dma_start3A_13 : memref<80x32xbf16, #tpu.memory_space<vmem>>) offsets(%dma_start3A_16 : memref<80xi32, #tpu.memory_space<vmem>>) semaphore(%arg11 : memref<!tpu.dma_semaphore, #tpu.memory_space<semaphore_mem>>)
    %dma_start3A_20 = arith.constant 1 : i32
    %dma_start3A_21 = arith.constant 1 : i32
    %dma_start3A_22 = arith.constant 0 : i32
    %dma_start3A_23 = arith.constant 0 : i32
    %dma_start3A_24 = tpu.memref_slice %arg8[%dma_start3A_21, %dma_start3A_22, %dma_start3A_23] : memref<10x80x32xbf16, #tpu.memory_space<vmem>> -> memref<1x80x32xbf16, #tpu.memory_space<vmem>>
    %dma_start3A_25 = tpu.memref_squeeze %dma_start3A_24 : memref<1x80x32xbf16, #tpu.memory_space<vmem>> -> memref<80x32xbf16, #tpu.memory_space<vmem>>
    %dma_start3A_26 = arith.constant 0 : i32
    %dma_start3A_27 = tpu.memref_slice %arg6[%dma_start3A_20, %dma_start3A_26] : memref<125x80xi32, #tpu.memory_space<vmem>> -> memref<1x80xi32, #tpu.memory_space<vmem>>
    %dma_start3A_28 = tpu.memref_squeeze %dma_start3A_27 : memref<1x80xi32, #tpu.memory_space<vmem>> -> memref<80xi32, #tpu.memory_space<vmem>>
    %dma_start3A_29 = arith.constant 0 : i32
    %dma_start3A_30 = arith.constant 0 : i32
    %dma_start3A_31 = tpu.memref_slice %arg2[%dma_start3A_29, %dma_start3A_30] : memref<10000x32xbf16, #tpu.memory_space<hbm>> -> memref<10000x32xbf16, #tpu.memory_space<hbm>>
    tpu.enqueue_indirect_dma source(%dma_start3A_31 : memref<10000x32xbf16, #tpu.memory_space<hbm>>) target(%dma_start3A_25 : memref<80x32xbf16, #tpu.memory_space<vmem>>) offsets(%dma_start3A_28 : memref<80xi32, #tpu.memory_space<vmem>>) semaphore(%arg12 : memref<!tpu.dma_semaphore, #tpu.memory_space<semaphore_mem>>)
    %dma_start3A_32 = arith.constant 2 : i32
    %dma_start3A_33 = arith.constant 2 : i32
    %dma_start3A_34 = arith.constant 0 : i32
    %dma_start3A_35 = arith.constant 0 : i32
    %dma_start3A_36 = tpu.memref_slice %arg8[%dma_start3A_33, %dma_start3A_34, %dma_start3A_35] : memref<10x80x32xbf16, #tpu.memory_space<vmem>> -> memref<1x80x32xbf16, #tpu.memory_space<vmem>>
    %dma_start3A_37 = tpu.memref_squeeze %dma_start3A_36 : memref<1x80x32xbf16, #tpu.memory_space<vmem>> -> memref<80x32xbf16, #tpu.memory_space<vmem>>
    %dma_start3A_38 = arith.constant 0 : i32
    %dma_start3A_39 = tpu.memref_slice %arg6[%dma_start3A_32, %dma_start3A_38] : memref<125x80xi32, #tpu.memory_space<vmem>> -> memref<1x80xi32, #tpu.memory_space<vmem>>
    %dma_start3A_40 = tpu.memref_squeeze %dma_start3A_39 : memref<1x80xi32, #tpu.memory_space<vmem>> -> memref<80xi32, #tpu.memory_space<vmem>>
    %dma_start3A_41 = arith.constant 0 : i32
    %dma_start3A_42 = arith.constant 0 : i32
    %dma_start3A_43 = tpu.memref_slice %arg2[%dma_start3A_41, %dma_start3A_42] : memref<10000x32xbf16, #tpu.memory_space<hbm>> -> memref<10000x32xbf16, #tpu.memory_space<hbm>>
    tpu.enqueue_indirect_dma source(%dma_start3A_43 : memref<10000x32xbf16, #tpu.memory_space<hbm>>) target(%dma_start3A_37 : memref<80x32xbf16, #tpu.memory_space<vmem>>) offsets(%dma_start3A_40 : memref<80xi32, #tpu.memory_space<vmem>>) semaphore(%arg13 : memref<!tpu.dma_semaphore, #tpu.memory_space<semaphore_mem>>)
    %dma_start3A_44 = arith.constant 3 : i32
    %dma_start3A_45 = arith.constant 3 : i32
    %dma_start3A_46 = arith.constant 0 : i32
    %dma_start3A_47 = arith.constant 0 : i32
    %dma_start3A_48 = tpu.memref_slice %arg8[%dma_start3A_45, %dma_start3A_46, %dma_start3A_47] : memref<10x80x32xbf16, #tpu.memory_space<vmem>> -> memref<1x80x32xbf16, #tpu.memory_space<vmem>>
    %dma_start3A_49 = tpu.memref_squeeze %dma_start3A_48 : memref<1x80x32xbf16, #tpu.memory_space<vmem>> -> memref<80x32xbf16, #tpu.memory_space<vmem>>
    %dma_start3A_50 = arith.constant 0 : i32
    %dma_start3A_51 = tpu.memref_slice %arg6[%dma_start3A_44, %dma_start3A_50] : memref<125x80xi32, #tpu.memory_space<vmem>> -> memref<1x80xi32, #tpu.memory_space<vmem>>
    %dma_start3A_52 = tpu.memref_squeeze %dma_start3A_51 : memref<1x80xi32, #tpu.memory_space<vmem>> -> memref<80xi32, #tpu.memory_space<vmem>>
    %dma_start3A_53 = arith.constant 0 : i32
    %dma_start3A_54 = arith.constant 0 : i32
    %dma_start3A_55 = tpu.memref_slice %arg2[%dma_start3A_53, %dma_start3A_54] : memref<10000x32xbf16, #tpu.memory_space<hbm>> -> memref<10000x32xbf16, #tpu.memory_space<hbm>>
    tpu.enqueue_indirect_dma source(%dma_start3A_55 : memref<10000x32xbf16, #tpu.memory_space<hbm>>) target(%dma_start3A_49 : memref<80x32xbf16, #tpu.memory_space<vmem>>) offsets(%dma_start3A_52 : memref<80xi32, #tpu.memory_space<vmem>>) semaphore(%arg14 : memref<!tpu.dma_semaphore, #tpu.memory_space<semaphore_mem>>)
    %dma_start3A_56 = arith.constant 4 : i32
    %dma_start3A_57 = arith.constant 4 : i32
    %dma_start3A_58 = arith.constant 0 : i32
    %dma_start3A_59 = arith.constant 0 : i32
    %dma_start3A_60 = tpu.memref_slice %arg8[%dma_start3A_57, %dma_start3A_58, %dma_start3A_59] : memref<10x80x32xbf16, #tpu.memory_space<vmem>> -> memref<1x80x32xbf16, #tpu.memory_space<vmem>>
    %dma_start3A_61 = tpu.memref_squeeze %dma_start3A_60 : memref<1x80x32xbf16, #tpu.memory_space<vmem>> -> memref<80x32xbf16, #tpu.memory_space<vmem>>
    %dma_start3A_62 = arith.constant 0 : i32
    %dma_start3A_63 = tpu.memref_slice %arg6[%dma_start3A_56, %dma_start3A_62] : memref<125x80xi32, #tpu.memory_space<vmem>> -> memref<1x80xi32, #tpu.memory_space<vmem>>
    %dma_start3A_64 = tpu.memref_squeeze %dma_start3A_63 : memref<1x80xi32, #tpu.memory_space<vmem>> -> memref<80xi32, #tpu.memory_space<vmem>>
    %dma_start3A_65 = arith.constant 0 : i32
    %dma_start3A_66 = arith.constant 0 : i32
    %dma_start3A_67 = tpu.memref_slice %arg2[%dma_start3A_65, %dma_start3A_66] : memref<10000x32xbf16, #tpu.memory_space<hbm>> -> memref<10000x32xbf16, #tpu.memory_space<hbm>>
    tpu.enqueue_indirect_dma source(%dma_start3A_67 : memref<10000x32xbf16, #tpu.memory_space<hbm>>) target(%dma_start3A_61 : memref<80x32xbf16, #tpu.memory_space<vmem>>) offsets(%dma_start3A_64 : memref<80xi32, #tpu.memory_space<vmem>>) semaphore(%arg15 : memref<!tpu.dma_semaphore, #tpu.memory_space<semaphore_mem>>)
    %scan3A_68 = arith.constant 0 : i32
    %scan3A_69 = arith.constant 0 : i32
    %scan3A_70 = arith.constant 25 : i32
    %scan3A_71 = arith.addi %scan3A_69, %scan3A_70 : i32
    %scan3A_72 = arith.constant 1 : i32
    scf.for %scan3A_147 = %scan3A_69 to %scan3A_71 step %scan3A_72  : i32 {
      %mul3A_148 = arith.constant 5 : i32
      %mul3A_149 = arith.muli %mul3A_148, %scan3A_147 : i32
      %add3A_150 = arith.constant 0 : i32
      %add3A_151 = arith.addi %mul3A_149, %add3A_150 : i32
      %rem3A_152 = arith.constant 10 : i32
      %rem3A_153 = arith.remsi %add3A_151, %rem3A_152 : i32
      %add3A_154 = arith.constant 5 : i32
      %add3A_155 = arith.addi %add3A_151, %add3A_154 : i32
      %rem3A_156 = arith.constant 10 : i32
      %rem3A_157 = arith.remsi %add3A_155, %rem3A_156 : i32
      %dma_wait3A_158 = arith.constant 0 : i32
      %dma_wait3A_159 = arith.constant 0 : i32
      %dma_wait3A_160 = tpu.memref_slice %arg8[%rem3A_153, %dma_wait3A_158, %dma_wait3A_159] : memref<10x80x32xbf16, #tpu.memory_space<vmem>> -> memref<1x80x32xbf16, #tpu.memory_space<vmem>>
      %dma_wait3A_161 = tpu.memref_squeeze %dma_wait3A_160 : memref<1x80x32xbf16, #tpu.memory_space<vmem>> -> memref<80x32xbf16, #tpu.memory_space<vmem>>
      %dma_wait3A_162 = arith.constant 0 : i32
      %dma_wait3A_163 = tpu.memref_slice %arg6[%add3A_151, %dma_wait3A_162] : memref<125x80xi32, #tpu.memory_space<vmem>> -> memref<1x80xi32, #tpu.memory_space<vmem>>
      %dma_wait3A_164 = tpu.memref_squeeze %dma_wait3A_163 : memref<1x80xi32, #tpu.memory_space<vmem>> -> memref<80xi32, #tpu.memory_space<vmem>>
      %dma_wait3A_165 = arith.constant 0 : i32
      %dma_wait3A_166 = arith.constant 0 : i32
      %dma_wait3A_167 = tpu.memref_slice %arg2[%dma_wait3A_165, %dma_wait3A_166] : memref<10000x32xbf16, #tpu.memory_space<hbm>> -> memref<10000x32xbf16, #tpu.memory_space<hbm>>
      tpu.wait_indirect_dma semaphore(%arg11 : memref<!tpu.dma_semaphore, #tpu.memory_space<semaphore_mem>>) src(%dma_wait3A_167 : memref<10000x32xbf16, #tpu.memory_space<hbm>>) dst(%dma_wait3A_161 : memref<80x32xbf16, #tpu.memory_space<vmem>>)
      %ge3A = arith.constant 1 : i32
      %ge3A_168 = arith.cmpi sge, %scan3A_147, %ge3A : i32
      %convert_element_type3A = arith.extui %ge3A_168 : i1 to i32
      %cond3A = arith.constant 0 : i32
      %cond3A_169 = arith.cmpi ne, %convert_element_type3A, %cond3A : i32
      scf.if %cond3A_169 {
        %sub3A = arith.constant 5 : i32
        %sub3A_346 = arith.subi %add3A_151, %sub3A : i32
        %dma_wait3A_347 = arith.constant 0 : i32
        %dma_wait3A_348 = arith.constant 0 : i32
        %dma_wait3A_349 = tpu.memref_slice %arg8[%rem3A_157, %dma_wait3A_347, %dma_wait3A_348] : memref<10x80x32xbf16, #tpu.memory_space<vmem>> -> memref<1x80x32xbf16, #tpu.memory_space<vmem>>
        %dma_wait3A_350 = tpu.memref_squeeze %dma_wait3A_349 : memref<1x80x32xbf16, #tpu.memory_space<vmem>> -> memref<80x32xbf16, #tpu.memory_space<vmem>>
        %dma_wait3A_351 = arith.constant 0 : i32
        %dma_wait3A_352 = tpu.memref_slice %arg7[%sub3A_346, %dma_wait3A_351] : memref<125x80xi32, #tpu.memory_space<vmem>> -> memref<1x80xi32, #tpu.memory_space<vmem>>
        %dma_wait3A_353 = tpu.memref_squeeze %dma_wait3A_352 : memref<1x80xi32, #tpu.memory_space<vmem>> -> memref<80xi32, #tpu.memory_space<vmem>>
        %dma_wait3A_354 = arith.constant 0 : i32
        %dma_wait3A_355 = arith.constant 0 : i32
        %dma_wait3A_356 = tpu.memref_slice %arg10[%dma_wait3A_354, %dma_wait3A_355] : memref<10112x32xbf16, #tpu.memory_space<vmem_shared>> -> memref<10112x32xbf16, #tpu.memory_space<vmem_shared>>
        tpu.wait_indirect_dma semaphore(%arg16 : memref<!tpu.dma_semaphore, #tpu.memory_space<semaphore_mem>>) src(%dma_wait3A_350 : memref<80x32xbf16, #tpu.memory_space<vmem>>) dst(%dma_wait3A_356 : memref<10112x32xbf16, #tpu.memory_space<vmem_shared>>)
      } else {
      }
      %add3A_170 = arith.constant 5 : i32
      %add3A_171 = arith.addi %add3A_151, %add3A_170 : i32
      %lt3A = arith.constant 125 : i32
      %lt3A_172 = arith.cmpi slt, %add3A_171, %lt3A : i32
      %convert_element_type3A_173 = arith.extui %lt3A_172 : i1 to i32
      %cond3A_174 = arith.constant 0 : i32
      %cond3A_175 = arith.cmpi ne, %convert_element_type3A_173, %cond3A_174 : i32
      scf.if %cond3A_175 {
        %add3A_346 = arith.constant 5 : i32
        %add3A_347 = arith.addi %add3A_151, %add3A_346 : i32
        %dma_start3A_348 = arith.constant 0 : i32
        %dma_start3A_349 = arith.constant 0 : i32
        %dma_start3A_350 = tpu.memref_slice %arg8[%rem3A_157, %dma_start3A_348, %dma_start3A_349] : memref<10x80x32xbf16, #tpu.memory_space<vmem>> -> memref<1x80x32xbf16, #tpu.memory_space<vmem>>
        %dma_start3A_351 = tpu.memref_squeeze %dma_start3A_350 : memref<1x80x32xbf16, #tpu.memory_space<vmem>> -> memref<80x32xbf16, #tpu.memory_space<vmem>>
        %dma_start3A_352 = arith.constant 0 : i32
        %dma_start3A_353 = tpu.memref_slice %arg6[%add3A_347, %dma_start3A_352] : memref<125x80xi32, #tpu.memory_space<vmem>> -> memref<1x80xi32, #tpu.memory_space<vmem>>
        %dma_start3A_354 = tpu.memref_squeeze %dma_start3A_353 : memref<1x80xi32, #tpu.memory_space<vmem>> -> memref<80xi32, #tpu.memory_space<vmem>>
        %dma_start3A_355 = arith.constant 0 : i32
        %dma_start3A_356 = arith.constant 0 : i32
        %dma_start3A_357 = tpu.memref_slice %arg2[%dma_start3A_355, %dma_start3A_356] : memref<10000x32xbf16, #tpu.memory_space<hbm>> -> memref<10000x32xbf16, #tpu.memory_space<hbm>>
        tpu.enqueue_indirect_dma source(%dma_start3A_357 : memref<10000x32xbf16, #tpu.memory_space<hbm>>) target(%dma_start3A_351 : memref<80x32xbf16, #tpu.memory_space<vmem>>) offsets(%dma_start3A_354 : memref<80xi32, #tpu.memory_space<vmem>>) semaphore(%arg11 : memref<!tpu.dma_semaphore, #tpu.memory_space<semaphore_mem>>)
      } else {
      }
      %dma_start3A_176 = arith.constant 0 : i32
      %dma_start3A_177 = arith.constant 0 : i32
      %dma_start3A_178 = tpu.memref_slice %arg8[%rem3A_153, %dma_start3A_176, %dma_start3A_177] : memref<10x80x32xbf16, #tpu.memory_space<vmem>> -> memref<1x80x32xbf16, #tpu.memory_space<vmem>>
      %dma_start3A_179 = tpu.memref_squeeze %dma_start3A_178 : memref<1x80x32xbf16, #tpu.memory_space<vmem>> -> memref<80x32xbf16, #tpu.memory_space<vmem>>
      %dma_start3A_180 = arith.constant 0 : i32
      %dma_start3A_181 = tpu.memref_slice %arg7[%add3A_151, %dma_start3A_180] : memref<125x80xi32, #tpu.memory_space<vmem>> -> memref<1x80xi32, #tpu.memory_space<vmem>>
      %dma_start3A_182 = tpu.memref_squeeze %dma_start3A_181 : memref<1x80xi32, #tpu.memory_space<vmem>> -> memref<80xi32, #tpu.memory_space<vmem>>
      %dma_start3A_183 = arith.constant 0 : i32
      %dma_start3A_184 = arith.constant 0 : i32
      %dma_start3A_185 = tpu.memref_slice %arg10[%dma_start3A_183, %dma_start3A_184] : memref<10112x32xbf16, #tpu.memory_space<vmem_shared>> -> memref<10112x32xbf16, #tpu.memory_space<vmem_shared>>
      tpu.enqueue_indirect_dma source(%dma_start3A_179 : memref<80x32xbf16, #tpu.memory_space<vmem>>) target(%dma_start3A_185 : memref<10112x32xbf16, #tpu.memory_space<vmem_shared>>) offsets(%dma_start3A_182 : memref<80xi32, #tpu.memory_space<vmem>>) semaphore(%arg16 : memref<!tpu.dma_semaphore, #tpu.memory_space<semaphore_mem>>) {add = true}
      %add3A_186 = arith.constant 1 : i32
      %add3A_187 = arith.addi %mul3A_149, %add3A_186 : i32
      %rem3A_188 = arith.constant 10 : i32
      %rem3A_189 = arith.remsi %add3A_187, %rem3A_188 : i32
      %add3A_190 = arith.constant 5 : i32
      %add3A_191 = arith.addi %add3A_187, %add3A_190 : i32
      %rem3A_192 = arith.constant 10 : i32
      %rem3A_193 = arith.remsi %add3A_191, %rem3A_192 : i32
      %dma_wait3A_194 = arith.constant 0 : i32
      %dma_wait3A_195 = arith.constant 0 : i32
      %dma_wait3A_196 = tpu.memref_slice %arg8[%rem3A_189, %dma_wait3A_194, %dma_wait3A_195] : memref<10x80x32xbf16, #tpu.memory_space<vmem>> -> memref<1x80x32xbf16, #tpu.memory_space<vmem>>
      %dma_wait3A_197 = tpu.memref_squeeze %dma_wait3A_196 : memref<1x80x32xbf16, #tpu.memory_space<vmem>> -> memref<80x32xbf16, #tpu.memory_space<vmem>>
      %dma_wait3A_198 = arith.constant 0 : i32
      %dma_wait3A_199 = tpu.memref_slice %arg6[%add3A_187, %dma_wait3A_198] : memref<125x80xi32, #tpu.memory_space<vmem>> -> memref<1x80xi32, #tpu.memory_space<vmem>>
      %dma_wait3A_200 = tpu.memref_squeeze %dma_wait3A_199 : memref<1x80xi32, #tpu.memory_space<vmem>> -> memref<80xi32, #tpu.memory_space<vmem>>
      %dma_wait3A_201 = arith.constant 0 : i32
      %dma_wait3A_202 = arith.constant 0 : i32
      %dma_wait3A_203 = tpu.memref_slice %arg2[%dma_wait3A_201, %dma_wait3A_202] : memref<10000x32xbf16, #tpu.memory_space<hbm>> -> memref<10000x32xbf16, #tpu.memory_space<hbm>>
      tpu.wait_indirect_dma semaphore(%arg12 : memref<!tpu.dma_semaphore, #tpu.memory_space<semaphore_mem>>) src(%dma_wait3A_203 : memref<10000x32xbf16, #tpu.memory_space<hbm>>) dst(%dma_wait3A_197 : memref<80x32xbf16, #tpu.memory_space<vmem>>)
      %ge3A_204 = arith.constant 1 : i32
      %ge3A_205 = arith.cmpi sge, %scan3A_147, %ge3A_204 : i32
      %convert_element_type3A_206 = arith.extui %ge3A_205 : i1 to i32
      %cond3A_207 = arith.constant 0 : i32
      %cond3A_208 = arith.cmpi ne, %convert_element_type3A_206, %cond3A_207 : i32
      scf.if %cond3A_208 {
        %sub3A = arith.constant 5 : i32
        %sub3A_346 = arith.subi %add3A_187, %sub3A : i32
        %dma_wait3A_347 = arith.constant 0 : i32
        %dma_wait3A_348 = arith.constant 0 : i32
        %dma_wait3A_349 = tpu.memref_slice %arg8[%rem3A_193, %dma_wait3A_347, %dma_wait3A_348] : memref<10x80x32xbf16, #tpu.memory_space<vmem>> -> memref<1x80x32xbf16, #tpu.memory_space<vmem>>
        %dma_wait3A_350 = tpu.memref_squeeze %dma_wait3A_349 : memref<1x80x32xbf16, #tpu.memory_space<vmem>> -> memref<80x32xbf16, #tpu.memory_space<vmem>>
        %dma_wait3A_351 = arith.constant 0 : i32
        %dma_wait3A_352 = tpu.memref_slice %arg7[%sub3A_346, %dma_wait3A_351] : memref<125x80xi32, #tpu.memory_space<vmem>> -> memref<1x80xi32, #tpu.memory_space<vmem>>
        %dma_wait3A_353 = tpu.memref_squeeze %dma_wait3A_352 : memref<1x80xi32, #tpu.memory_space<vmem>> -> memref<80xi32, #tpu.memory_space<vmem>>
        %dma_wait3A_354 = arith.constant 0 : i32
        %dma_wait3A_355 = arith.constant 0 : i32
        %dma_wait3A_356 = tpu.memref_slice %arg10[%dma_wait3A_354, %dma_wait3A_355] : memref<10112x32xbf16, #tpu.memory_space<vmem_shared>> -> memref<10112x32xbf16, #tpu.memory_space<vmem_shared>>
        tpu.wait_indirect_dma semaphore(%arg17 : memref<!tpu.dma_semaphore, #tpu.memory_space<semaphore_mem>>) src(%dma_wait3A_350 : memref<80x32xbf16, #tpu.memory_space<vmem>>) dst(%dma_wait3A_356 : memref<10112x32xbf16, #tpu.memory_space<vmem_shared>>)
      } else {
      }
      %add3A_209 = arith.constant 5 : i32
      %add3A_210 = arith.addi %add3A_187, %add3A_209 : i32
      %lt3A_211 = arith.constant 125 : i32
      %lt3A_212 = arith.cmpi slt, %add3A_210, %lt3A_211 : i32
      %convert_element_type3A_213 = arith.extui %lt3A_212 : i1 to i32
      %cond3A_214 = arith.constant 0 : i32
      %cond3A_215 = arith.cmpi ne, %convert_element_type3A_213, %cond3A_214 : i32
      scf.if %cond3A_215 {
        %add3A_346 = arith.constant 5 : i32
        %add3A_347 = arith.addi %add3A_187, %add3A_346 : i32
        %dma_start3A_348 = arith.constant 0 : i32
        %dma_start3A_349 = arith.constant 0 : i32
        %dma_start3A_350 = tpu.memref_slice %arg8[%rem3A_193, %dma_start3A_348, %dma_start3A_349] : memref<10x80x32xbf16, #tpu.memory_space<vmem>> -> memref<1x80x32xbf16, #tpu.memory_space<vmem>>
        %dma_start3A_351 = tpu.memref_squeeze %dma_start3A_350 : memref<1x80x32xbf16, #tpu.memory_space<vmem>> -> memref<80x32xbf16, #tpu.memory_space<vmem>>
        %dma_start3A_352 = arith.constant 0 : i32
        %dma_start3A_353 = tpu.memref_slice %arg6[%add3A_347, %dma_start3A_352] : memref<125x80xi32, #tpu.memory_space<vmem>> -> memref<1x80xi32, #tpu.memory_space<vmem>>
        %dma_start3A_354 = tpu.memref_squeeze %dma_start3A_353 : memref<1x80xi32, #tpu.memory_space<vmem>> -> memref<80xi32, #tpu.memory_space<vmem>>
        %dma_start3A_355 = arith.constant 0 : i32
        %dma_start3A_356 = arith.constant 0 : i32
        %dma_start3A_357 = tpu.memref_slice %arg2[%dma_start3A_355, %dma_start3A_356] : memref<10000x32xbf16, #tpu.memory_space<hbm>> -> memref<10000x32xbf16, #tpu.memory_space<hbm>>
        tpu.enqueue_indirect_dma source(%dma_start3A_357 : memref<10000x32xbf16, #tpu.memory_space<hbm>>) target(%dma_start3A_351 : memref<80x32xbf16, #tpu.memory_space<vmem>>) offsets(%dma_start3A_354 : memref<80xi32, #tpu.memory_space<vmem>>) semaphore(%arg12 : memref<!tpu.dma_semaphore, #tpu.memory_space<semaphore_mem>>)
      } else {
      }
      %dma_start3A_216 = arith.constant 0 : i32
      %dma_start3A_217 = arith.constant 0 : i32
      %dma_start3A_218 = tpu.memref_slice %arg8[%rem3A_189, %dma_start3A_216, %dma_start3A_217] : memref<10x80x32xbf16, #tpu.memory_space<vmem>> -> memref<1x80x32xbf16, #tpu.memory_space<vmem>>
      %dma_start3A_219 = tpu.memref_squeeze %dma_start3A_218 : memref<1x80x32xbf16, #tpu.memory_space<vmem>> -> memref<80x32xbf16, #tpu.memory_space<vmem>>
      %dma_start3A_220 = arith.constant 0 : i32
      %dma_start3A_221 = tpu.memref_slice %arg7[%add3A_187, %dma_start3A_220] : memref<125x80xi32, #tpu.memory_space<vmem>> -> memref<1x80xi32, #tpu.memory_space<vmem>>
      %dma_start3A_222 = tpu.memref_squeeze %dma_start3A_221 : memref<1x80xi32, #tpu.memory_space<vmem>> -> memref<80xi32, #tpu.memory_space<vmem>>
      %dma_start3A_223 = arith.constant 0 : i32
      %dma_start3A_224 = arith.constant 0 : i32
      %dma_start3A_225 = tpu.memref_slice %arg10[%dma_start3A_223, %dma_start3A_224] : memref<10112x32xbf16, #tpu.memory_space<vmem_shared>> -> memref<10112x32xbf16, #tpu.memory_space<vmem_shared>>
      tpu.enqueue_indirect_dma source(%dma_start3A_219 : memref<80x32xbf16, #tpu.memory_space<vmem>>) target(%dma_start3A_225 : memref<10112x32xbf16, #tpu.memory_space<vmem_shared>>) offsets(%dma_start3A_222 : memref<80xi32, #tpu.memory_space<vmem>>) semaphore(%arg17 : memref<!tpu.dma_semaphore, #tpu.memory_space<semaphore_mem>>) {add = true}
      %add3A_226 = arith.constant 2 : i32
      %add3A_227 = arith.addi %mul3A_149, %add3A_226 : i32
      %rem3A_228 = arith.constant 10 : i32
      %rem3A_229 = arith.remsi %add3A_227, %rem3A_228 : i32
      %add3A_230 = arith.constant 5 : i32
      %add3A_231 = arith.addi %add3A_227, %add3A_230 : i32
      %rem3A_232 = arith.constant 10 : i32
      %rem3A_233 = arith.remsi %add3A_231, %rem3A_232 : i32
      %dma_wait3A_234 = arith.constant 0 : i32
      %dma_wait3A_235 = arith.constant 0 : i32
      %dma_wait3A_236 = tpu.memref_slice %arg8[%rem3A_229, %dma_wait3A_234, %dma_wait3A_235] : memref<10x80x32xbf16, #tpu.memory_space<vmem>> -> memref<1x80x32xbf16, #tpu.memory_space<vmem>>
      %dma_wait3A_237 = tpu.memref_squeeze %dma_wait3A_236 : memref<1x80x32xbf16, #tpu.memory_space<vmem>> -> memref<80x32xbf16, #tpu.memory_space<vmem>>
      %dma_wait3A_238 = arith.constant 0 : i32
      %dma_wait3A_239 = tpu.memref_slice %arg6[%add3A_227, %dma_wait3A_238] : memref<125x80xi32, #tpu.memory_space<vmem>> -> memref<1x80xi32, #tpu.memory_space<vmem>>
      %dma_wait3A_240 = tpu.memref_squeeze %dma_wait3A_239 : memref<1x80xi32, #tpu.memory_space<vmem>> -> memref<80xi32, #tpu.memory_space<vmem>>
      %dma_wait3A_241 = arith.constant 0 : i32
      %dma_wait3A_242 = arith.constant 0 : i32
      %dma_wait3A_243 = tpu.memref_slice %arg2[%dma_wait3A_241, %dma_wait3A_242] : memref<10000x32xbf16, #tpu.memory_space<hbm>> -> memref<10000x32xbf16, #tpu.memory_space<hbm>>
      tpu.wait_indirect_dma semaphore(%arg13 : memref<!tpu.dma_semaphore, #tpu.memory_space<semaphore_mem>>) src(%dma_wait3A_243 : memref<10000x32xbf16, #tpu.memory_space<hbm>>) dst(%dma_wait3A_237 : memref<80x32xbf16, #tpu.memory_space<vmem>>)
      %ge3A_244 = arith.constant 1 : i32
      %ge3A_245 = arith.cmpi sge, %scan3A_147, %ge3A_244 : i32
      %convert_element_type3A_246 = arith.extui %ge3A_245 : i1 to i32
      %cond3A_247 = arith.constant 0 : i32
      %cond3A_248 = arith.cmpi ne, %convert_element_type3A_246, %cond3A_247 : i32
      scf.if %cond3A_248 {
        %sub3A = arith.constant 5 : i32
        %sub3A_346 = arith.subi %add3A_227, %sub3A : i32
        %dma_wait3A_347 = arith.constant 0 : i32
        %dma_wait3A_348 = arith.constant 0 : i32
        %dma_wait3A_349 = tpu.memref_slice %arg8[%rem3A_233, %dma_wait3A_347, %dma_wait3A_348] : memref<10x80x32xbf16, #tpu.memory_space<vmem>> -> memref<1x80x32xbf16, #tpu.memory_space<vmem>>
        %dma_wait3A_350 = tpu.memref_squeeze %dma_wait3A_349 : memref<1x80x32xbf16, #tpu.memory_space<vmem>> -> memref<80x32xbf16, #tpu.memory_space<vmem>>
        %dma_wait3A_351 = arith.constant 0 : i32
        %dma_wait3A_352 = tpu.memref_slice %arg7[%sub3A_346, %dma_wait3A_351] : memref<125x80xi32, #tpu.memory_space<vmem>> -> memref<1x80xi32, #tpu.memory_space<vmem>>
        %dma_wait3A_353 = tpu.memref_squeeze %dma_wait3A_352 : memref<1x80xi32, #tpu.memory_space<vmem>> -> memref<80xi32, #tpu.memory_space<vmem>>
        %dma_wait3A_354 = arith.constant 0 : i32
        %dma_wait3A_355 = arith.constant 0 : i32
        %dma_wait3A_356 = tpu.memref_slice %arg10[%dma_wait3A_354, %dma_wait3A_355] : memref<10112x32xbf16, #tpu.memory_space<vmem_shared>> -> memref<10112x32xbf16, #tpu.memory_space<vmem_shared>>
        tpu.wait_indirect_dma semaphore(%arg18 : memref<!tpu.dma_semaphore, #tpu.memory_space<semaphore_mem>>) src(%dma_wait3A_350 : memref<80x32xbf16, #tpu.memory_space<vmem>>) dst(%dma_wait3A_356 : memref<10112x32xbf16, #tpu.memory_space<vmem_shared>>)
      } else {
      }
      %add3A_249 = arith.constant 5 : i32
      %add3A_250 = arith.addi %add3A_227, %add3A_249 : i32
      %lt3A_251 = arith.constant 125 : i32
      %lt3A_252 = arith.cmpi slt, %add3A_250, %lt3A_251 : i32
      %convert_element_type3A_253 = arith.extui %lt3A_252 : i1 to i32
      %cond3A_254 = arith.constant 0 : i32
      %cond3A_255 = arith.cmpi ne, %convert_element_type3A_253, %cond3A_254 : i32
      scf.if %cond3A_255 {
        %add3A_346 = arith.constant 5 : i32
        %add3A_347 = arith.addi %add3A_227, %add3A_346 : i32
        %dma_start3A_348 = arith.constant 0 : i32
        %dma_start3A_349 = arith.constant 0 : i32
        %dma_start3A_350 = tpu.memref_slice %arg8[%rem3A_233, %dma_start3A_348, %dma_start3A_349] : memref<10x80x32xbf16, #tpu.memory_space<vmem>> -> memref<1x80x32xbf16, #tpu.memory_space<vmem>>
        %dma_start3A_351 = tpu.memref_squeeze %dma_start3A_350 : memref<1x80x32xbf16, #tpu.memory_space<vmem>> -> memref<80x32xbf16, #tpu.memory_space<vmem>>
        %dma_start3A_352 = arith.constant 0 : i32
        %dma_start3A_353 = tpu.memref_slice %arg6[%add3A_347, %dma_start3A_352] : memref<125x80xi32, #tpu.memory_space<vmem>> -> memref<1x80xi32, #tpu.memory_space<vmem>>
        %dma_start3A_354 = tpu.memref_squeeze %dma_start3A_353 : memref<1x80xi32, #tpu.memory_space<vmem>> -> memref<80xi32, #tpu.memory_space<vmem>>
        %dma_start3A_355 = arith.constant 0 : i32
        %dma_start3A_356 = arith.constant 0 : i32
        %dma_start3A_357 = tpu.memref_slice %arg2[%dma_start3A_355, %dma_start3A_356] : memref<10000x32xbf16, #tpu.memory_space<hbm>> -> memref<10000x32xbf16, #tpu.memory_space<hbm>>
        tpu.enqueue_indirect_dma source(%dma_start3A_357 : memref<10000x32xbf16, #tpu.memory_space<hbm>>) target(%dma_start3A_351 : memref<80x32xbf16, #tpu.memory_space<vmem>>) offsets(%dma_start3A_354 : memref<80xi32, #tpu.memory_space<vmem>>) semaphore(%arg13 : memref<!tpu.dma_semaphore, #tpu.memory_space<semaphore_mem>>)
      } else {
      }
      %dma_start3A_256 = arith.constant 0 : i32
      %dma_start3A_257 = arith.constant 0 : i32
      %dma_start3A_258 = tpu.memref_slice %arg8[%rem3A_229, %dma_start3A_256, %dma_start3A_257] : memref<10x80x32xbf16, #tpu.memory_space<vmem>> -> memref<1x80x32xbf16, #tpu.memory_space<vmem>>
      %dma_start3A_259 = tpu.memref_squeeze %dma_start3A_258 : memref<1x80x32xbf16, #tpu.memory_space<vmem>> -> memref<80x32xbf16, #tpu.memory_space<vmem>>
      %dma_start3A_260 = arith.constant 0 : i32
      %dma_start3A_261 = tpu.memref_slice %arg7[%add3A_227, %dma_start3A_260] : memref<125x80xi32, #tpu.memory_space<vmem>> -> memref<1x80xi32, #tpu.memory_space<vmem>>
      %dma_start3A_262 = tpu.memref_squeeze %dma_start3A_261 : memref<1x80xi32, #tpu.memory_space<vmem>> -> memref<80xi32, #tpu.memory_space<vmem>>
      %dma_start3A_263 = arith.constant 0 : i32
      %dma_start3A_264 = arith.constant 0 : i32
      %dma_start3A_265 = tpu.memref_slice %arg10[%dma_start3A_263, %dma_start3A_264] : memref<10112x32xbf16, #tpu.memory_space<vmem_shared>> -> memref<10112x32xbf16, #tpu.memory_space<vmem_shared>>
      tpu.enqueue_indirect_dma source(%dma_start3A_259 : memref<80x32xbf16, #tpu.memory_space<vmem>>) target(%dma_start3A_265 : memref<10112x32xbf16, #tpu.memory_space<vmem_shared>>) offsets(%dma_start3A_262 : memref<80xi32, #tpu.memory_space<vmem>>) semaphore(%arg18 : memref<!tpu.dma_semaphore, #tpu.memory_space<semaphore_mem>>) {add = true}
      %add3A_266 = arith.constant 3 : i32
      %add3A_267 = arith.addi %mul3A_149, %add3A_266 : i32
      %rem3A_268 = arith.constant 10 : i32
      %rem3A_269 = arith.remsi %add3A_267, %rem3A_268 : i32
      %add3A_270 = arith.constant 5 : i32
      %add3A_271 = arith.addi %add3A_267, %add3A_270 : i32
      %rem3A_272 = arith.constant 10 : i32
      %rem3A_273 = arith.remsi %add3A_271, %rem3A_272 : i32
      %dma_wait3A_274 = arith.constant 0 : i32
      %dma_wait3A_275 = arith.constant 0 : i32
      %dma_wait3A_276 = tpu.memref_slice %arg8[%rem3A_269, %dma_wait3A_274, %dma_wait3A_275] : memref<10x80x32xbf16, #tpu.memory_space<vmem>> -> memref<1x80x32xbf16, #tpu.memory_space<vmem>>
      %dma_wait3A_277 = tpu.memref_squeeze %dma_wait3A_276 : memref<1x80x32xbf16, #tpu.memory_space<vmem>> -> memref<80x32xbf16, #tpu.memory_space<vmem>>
      %dma_wait3A_278 = arith.constant 0 : i32
      %dma_wait3A_279 = tpu.memref_slice %arg6[%add3A_267, %dma_wait3A_278] : memref<125x80xi32, #tpu.memory_space<vmem>> -> memref<1x80xi32, #tpu.memory_space<vmem>>
      %dma_wait3A_280 = tpu.memref_squeeze %dma_wait3A_279 : memref<1x80xi32, #tpu.memory_space<vmem>> -> memref<80xi32, #tpu.memory_space<vmem>>
      %dma_wait3A_281 = arith.constant 0 : i32
      %dma_wait3A_282 = arith.constant 0 : i32
      %dma_wait3A_283 = tpu.memref_slice %arg2[%dma_wait3A_281, %dma_wait3A_282] : memref<10000x32xbf16, #tpu.memory_space<hbm>> -> memref<10000x32xbf16, #tpu.memory_space<hbm>>
      tpu.wait_indirect_dma semaphore(%arg14 : memref<!tpu.dma_semaphore, #tpu.memory_space<semaphore_mem>>) src(%dma_wait3A_283 : memref<10000x32xbf16, #tpu.memory_space<hbm>>) dst(%dma_wait3A_277 : memref<80x32xbf16, #tpu.memory_space<vmem>>)
      %ge3A_284 = arith.constant 1 : i32
      %ge3A_285 = arith.cmpi sge, %scan3A_147, %ge3A_284 : i32
      %convert_element_type3A_286 = arith.extui %ge3A_285 : i1 to i32
      %cond3A_287 = arith.constant 0 : i32
      %cond3A_288 = arith.cmpi ne, %convert_element_type3A_286, %cond3A_287 : i32
      scf.if %cond3A_288 {
        %sub3A = arith.constant 5 : i32
        %sub3A_346 = arith.subi %add3A_267, %sub3A : i32
        %dma_wait3A_347 = arith.constant 0 : i32
        %dma_wait3A_348 = arith.constant 0 : i32
        %dma_wait3A_349 = tpu.memref_slice %arg8[%rem3A_273, %dma_wait3A_347, %dma_wait3A_348] : memref<10x80x32xbf16, #tpu.memory_space<vmem>> -> memref<1x80x32xbf16, #tpu.memory_space<vmem>>
        %dma_wait3A_350 = tpu.memref_squeeze %dma_wait3A_349 : memref<1x80x32xbf16, #tpu.memory_space<vmem>> -> memref<80x32xbf16, #tpu.memory_space<vmem>>
        %dma_wait3A_351 = arith.constant 0 : i32
        %dma_wait3A_352 = tpu.memref_slice %arg7[%sub3A_346, %dma_wait3A_351] : memref<125x80xi32, #tpu.memory_space<vmem>> -> memref<1x80xi32, #tpu.memory_space<vmem>>
        %dma_wait3A_353 = tpu.memref_squeeze %dma_wait3A_352 : memref<1x80xi32, #tpu.memory_space<vmem>> -> memref<80xi32, #tpu.memory_space<vmem>>
        %dma_wait3A_354 = arith.constant 0 : i32
        %dma_wait3A_355 = arith.constant 0 : i32
        %dma_wait3A_356 = tpu.memref_slice %arg10[%dma_wait3A_354, %dma_wait3A_355] : memref<10112x32xbf16, #tpu.memory_space<vmem_shared>> -> memref<10112x32xbf16, #tpu.memory_space<vmem_shared>>
        tpu.wait_indirect_dma semaphore(%arg19 : memref<!tpu.dma_semaphore, #tpu.memory_space<semaphore_mem>>) src(%dma_wait3A_350 : memref<80x32xbf16, #tpu.memory_space<vmem>>) dst(%dma_wait3A_356 : memref<10112x32xbf16, #tpu.memory_space<vmem_shared>>)
      } else {
      }
      %add3A_289 = arith.constant 5 : i32
      %add3A_290 = arith.addi %add3A_267, %add3A_289 : i32
      %lt3A_291 = arith.constant 125 : i32
      %lt3A_292 = arith.cmpi slt, %add3A_290, %lt3A_291 : i32
      %convert_element_type3A_293 = arith.extui %lt3A_292 : i1 to i32
      %cond3A_294 = arith.constant 0 : i32
      %cond3A_295 = arith.cmpi ne, %convert_element_type3A_293, %cond3A_294 : i32
      scf.if %cond3A_295 {
        %add3A_346 = arith.constant 5 : i32
        %add3A_347 = arith.addi %add3A_267, %add3A_346 : i32
        %dma_start3A_348 = arith.constant 0 : i32
        %dma_start3A_349 = arith.constant 0 : i32
        %dma_start3A_350 = tpu.memref_slice %arg8[%rem3A_273, %dma_start3A_348, %dma_start3A_349] : memref<10x80x32xbf16, #tpu.memory_space<vmem>> -> memref<1x80x32xbf16, #tpu.memory_space<vmem>>
        %dma_start3A_351 = tpu.memref_squeeze %dma_start3A_350 : memref<1x80x32xbf16, #tpu.memory_space<vmem>> -> memref<80x32xbf16, #tpu.memory_space<vmem>>
        %dma_start3A_352 = arith.constant 0 : i32
        %dma_start3A_353 = tpu.memref_slice %arg6[%add3A_347, %dma_start3A_352] : memref<125x80xi32, #tpu.memory_space<vmem>> -> memref<1x80xi32, #tpu.memory_space<vmem>>
        %dma_start3A_354 = tpu.memref_squeeze %dma_start3A_353 : memref<1x80xi32, #tpu.memory_space<vmem>> -> memref<80xi32, #tpu.memory_space<vmem>>
        %dma_start3A_355 = arith.constant 0 : i32
        %dma_start3A_356 = arith.constant 0 : i32
        %dma_start3A_357 = tpu.memref_slice %arg2[%dma_start3A_355, %dma_start3A_356] : memref<10000x32xbf16, #tpu.memory_space<hbm>> -> memref<10000x32xbf16, #tpu.memory_space<hbm>>
        tpu.enqueue_indirect_dma source(%dma_start3A_357 : memref<10000x32xbf16, #tpu.memory_space<hbm>>) target(%dma_start3A_351 : memref<80x32xbf16, #tpu.memory_space<vmem>>) offsets(%dma_start3A_354 : memref<80xi32, #tpu.memory_space<vmem>>) semaphore(%arg14 : memref<!tpu.dma_semaphore, #tpu.memory_space<semaphore_mem>>)
      } else {
      }
      %dma_start3A_296 = arith.constant 0 : i32
      %dma_start3A_297 = arith.constant 0 : i32
      %dma_start3A_298 = tpu.memref_slice %arg8[%rem3A_269, %dma_start3A_296, %dma_start3A_297] : memref<10x80x32xbf16, #tpu.memory_space<vmem>> -> memref<1x80x32xbf16, #tpu.memory_space<vmem>>
      %dma_start3A_299 = tpu.memref_squeeze %dma_start3A_298 : memref<1x80x32xbf16, #tpu.memory_space<vmem>> -> memref<80x32xbf16, #tpu.memory_space<vmem>>
      %dma_start3A_300 = arith.constant 0 : i32
      %dma_start3A_301 = tpu.memref_slice %arg7[%add3A_267, %dma_start3A_300] : memref<125x80xi32, #tpu.memory_space<vmem>> -> memref<1x80xi32, #tpu.memory_space<vmem>>
      %dma_start3A_302 = tpu.memref_squeeze %dma_start3A_301 : memref<1x80xi32, #tpu.memory_space<vmem>> -> memref<80xi32, #tpu.memory_space<vmem>>
      %dma_start3A_303 = arith.constant 0 : i32
      %dma_start3A_304 = arith.constant 0 : i32
      %dma_start3A_305 = tpu.memref_slice %arg10[%dma_start3A_303, %dma_start3A_304] : memref<10112x32xbf16, #tpu.memory_space<vmem_shared>> -> memref<10112x32xbf16, #tpu.memory_space<vmem_shared>>
      tpu.enqueue_indirect_dma source(%dma_start3A_299 : memref<80x32xbf16, #tpu.memory_space<vmem>>) target(%dma_start3A_305 : memref<10112x32xbf16, #tpu.memory_space<vmem_shared>>) offsets(%dma_start3A_302 : memref<80xi32, #tpu.memory_space<vmem>>) semaphore(%arg19 : memref<!tpu.dma_semaphore, #tpu.memory_space<semaphore_mem>>) {add = true}
      %add3A_306 = arith.constant 4 : i32
      %add3A_307 = arith.addi %mul3A_149, %add3A_306 : i32
      %rem3A_308 = arith.constant 10 : i32
      %rem3A_309 = arith.remsi %add3A_307, %rem3A_308 : i32
      %add3A_310 = arith.constant 5 : i32
      %add3A_311 = arith.addi %add3A_307, %add3A_310 : i32
      %rem3A_312 = arith.constant 10 : i32
      %rem3A_313 = arith.remsi %add3A_311, %rem3A_312 : i32
      %dma_wait3A_314 = arith.constant 0 : i32
      %dma_wait3A_315 = arith.constant 0 : i32
      %dma_wait3A_316 = tpu.memref_slice %arg8[%rem3A_309, %dma_wait3A_314, %dma_wait3A_315] : memref<10x80x32xbf16, #tpu.memory_space<vmem>> -> memref<1x80x32xbf16, #tpu.memory_space<vmem>>
      %dma_wait3A_317 = tpu.memref_squeeze %dma_wait3A_316 : memref<1x80x32xbf16, #tpu.memory_space<vmem>> -> memref<80x32xbf16, #tpu.memory_space<vmem>>
      %dma_wait3A_318 = arith.constant 0 : i32
      %dma_wait3A_319 = tpu.memref_slice %arg6[%add3A_307, %dma_wait3A_318] : memref<125x80xi32, #tpu.memory_space<vmem>> -> memref<1x80xi32, #tpu.memory_space<vmem>>
      %dma_wait3A_320 = tpu.memref_squeeze %dma_wait3A_319 : memref<1x80xi32, #tpu.memory_space<vmem>> -> memref<80xi32, #tpu.memory_space<vmem>>
      %dma_wait3A_321 = arith.constant 0 : i32
      %dma_wait3A_322 = arith.constant 0 : i32
      %dma_wait3A_323 = tpu.memref_slice %arg2[%dma_wait3A_321, %dma_wait3A_322] : memref<10000x32xbf16, #tpu.memory_space<hbm>> -> memref<10000x32xbf16, #tpu.memory_space<hbm>>
      tpu.wait_indirect_dma semaphore(%arg15 : memref<!tpu.dma_semaphore, #tpu.memory_space<semaphore_mem>>) src(%dma_wait3A_323 : memref<10000x32xbf16, #tpu.memory_space<hbm>>) dst(%dma_wait3A_317 : memref<80x32xbf16, #tpu.memory_space<vmem>>)
      %ge3A_324 = arith.constant 1 : i32
      %ge3A_325 = arith.cmpi sge, %scan3A_147, %ge3A_324 : i32
      %convert_element_type3A_326 = arith.extui %ge3A_325 : i1 to i32
      %cond3A_327 = arith.constant 0 : i32
      %cond3A_328 = arith.cmpi ne, %convert_element_type3A_326, %cond3A_327 : i32
      scf.if %cond3A_328 {
        %sub3A = arith.constant 5 : i32
        %sub3A_346 = arith.subi %add3A_307, %sub3A : i32
        %dma_wait3A_347 = arith.constant 0 : i32
        %dma_wait3A_348 = arith.constant 0 : i32
        %dma_wait3A_349 = tpu.memref_slice %arg8[%rem3A_313, %dma_wait3A_347, %dma_wait3A_348] : memref<10x80x32xbf16, #tpu.memory_space<vmem>> -> memref<1x80x32xbf16, #tpu.memory_space<vmem>>
        %dma_wait3A_350 = tpu.memref_squeeze %dma_wait3A_349 : memref<1x80x32xbf16, #tpu.memory_space<vmem>> -> memref<80x32xbf16, #tpu.memory_space<vmem>>
        %dma_wait3A_351 = arith.constant 0 : i32
        %dma_wait3A_352 = tpu.memref_slice %arg7[%sub3A_346, %dma_wait3A_351] : memref<125x80xi32, #tpu.memory_space<vmem>> -> memref<1x80xi32, #tpu.memory_space<vmem>>
        %dma_wait3A_353 = tpu.memref_squeeze %dma_wait3A_352 : memref<1x80xi32, #tpu.memory_space<vmem>> -> memref<80xi32, #tpu.memory_space<vmem>>
        %dma_wait3A_354 = arith.constant 0 : i32
        %dma_wait3A_355 = arith.constant 0 : i32
        %dma_wait3A_356 = tpu.memref_slice %arg10[%dma_wait3A_354, %dma_wait3A_355] : memref<10112x32xbf16, #tpu.memory_space<vmem_shared>> -> memref<10112x32xbf16, #tpu.memory_space<vmem_shared>>
        tpu.wait_indirect_dma semaphore(%arg20 : memref<!tpu.dma_semaphore, #tpu.memory_space<semaphore_mem>>) src(%dma_wait3A_350 : memref<80x32xbf16, #tpu.memory_space<vmem>>) dst(%dma_wait3A_356 : memref<10112x32xbf16, #tpu.memory_space<vmem_shared>>)
      } else {
      }
      %add3A_329 = arith.constant 5 : i32
      %add3A_330 = arith.addi %add3A_307, %add3A_329 : i32
      %lt3A_331 = arith.constant 125 : i32
      %lt3A_332 = arith.cmpi slt, %add3A_330, %lt3A_331 : i32
      %convert_element_type3A_333 = arith.extui %lt3A_332 : i1 to i32
      %cond3A_334 = arith.constant 0 : i32
      %cond3A_335 = arith.cmpi ne, %convert_element_type3A_333, %cond3A_334 : i32
      scf.if %cond3A_335 {
        %add3A_346 = arith.constant 5 : i32
        %add3A_347 = arith.addi %add3A_307, %add3A_346 : i32
        %dma_start3A_348 = arith.constant 0 : i32
        %dma_start3A_349 = arith.constant 0 : i32
        %dma_start3A_350 = tpu.memref_slice %arg8[%rem3A_313, %dma_start3A_348, %dma_start3A_349] : memref<10x80x32xbf16, #tpu.memory_space<vmem>> -> memref<1x80x32xbf16, #tpu.memory_space<vmem>>
        %dma_start3A_351 = tpu.memref_squeeze %dma_start3A_350 : memref<1x80x32xbf16, #tpu.memory_space<vmem>> -> memref<80x32xbf16, #tpu.memory_space<vmem>>
        %dma_start3A_352 = arith.constant 0 : i32
        %dma_start3A_353 = tpu.memref_slice %arg6[%add3A_347, %dma_start3A_352] : memref<125x80xi32, #tpu.memory_space<vmem>> -> memref<1x80xi32, #tpu.memory_space<vmem>>
        %dma_start3A_354 = tpu.memref_squeeze %dma_start3A_353 : memref<1x80xi32, #tpu.memory_space<vmem>> -> memref<80xi32, #tpu.memory_space<vmem>>
        %dma_start3A_355 = arith.constant 0 : i32
        %dma_start3A_356 = arith.constant 0 : i32
        %dma_start3A_357 = tpu.memref_slice %arg2[%dma_start3A_355, %dma_start3A_356] : memref<10000x32xbf16, #tpu.memory_space<hbm>> -> memref<10000x32xbf16, #tpu.memory_space<hbm>>
        tpu.enqueue_indirect_dma source(%dma_start3A_357 : memref<10000x32xbf16, #tpu.memory_space<hbm>>) target(%dma_start3A_351 : memref<80x32xbf16, #tpu.memory_space<vmem>>) offsets(%dma_start3A_354 : memref<80xi32, #tpu.memory_space<vmem>>) semaphore(%arg15 : memref<!tpu.dma_semaphore, #tpu.memory_space<semaphore_mem>>)
      } else {
      }
      %dma_start3A_336 = arith.constant 0 : i32
      %dma_start3A_337 = arith.constant 0 : i32
      %dma_start3A_338 = tpu.memref_slice %arg8[%rem3A_309, %dma_start3A_336, %dma_start3A_337] : memref<10x80x32xbf16, #tpu.memory_space<vmem>> -> memref<1x80x32xbf16, #tpu.memory_space<vmem>>
      %dma_start3A_339 = tpu.memref_squeeze %dma_start3A_338 : memref<1x80x32xbf16, #tpu.memory_space<vmem>> -> memref<80x32xbf16, #tpu.memory_space<vmem>>
      %dma_start3A_340 = arith.constant 0 : i32
      %dma_start3A_341 = tpu.memref_slice %arg7[%add3A_307, %dma_start3A_340] : memref<125x80xi32, #tpu.memory_space<vmem>> -> memref<1x80xi32, #tpu.memory_space<vmem>>
      %dma_start3A_342 = tpu.memref_squeeze %dma_start3A_341 : memref<1x80xi32, #tpu.memory_space<vmem>> -> memref<80xi32, #tpu.memory_space<vmem>>
      %dma_start3A_343 = arith.constant 0 : i32
      %dma_start3A_344 = arith.constant 0 : i32
      %dma_start3A_345 = tpu.memref_slice %arg10[%dma_start3A_343, %dma_start3A_344] : memref<10112x32xbf16, #tpu.memory_space<vmem_shared>> -> memref<10112x32xbf16, #tpu.memory_space<vmem_shared>>
      tpu.enqueue_indirect_dma source(%dma_start3A_339 : memref<80x32xbf16, #tpu.memory_space<vmem>>) target(%dma_start3A_345 : memref<10112x32xbf16, #tpu.memory_space<vmem_shared>>) offsets(%dma_start3A_342 : memref<80xi32, #tpu.memory_space<vmem>>) semaphore(%arg20 : memref<!tpu.dma_semaphore, #tpu.memory_space<semaphore_mem>>) {add = true}
    }
    %scan3A_73 = arith.constant 25 : i32
    %rem3A = arith.constant 120 : i32
    %rem3A_74 = arith.constant 10 : i32
    %rem3A_75 = arith.remsi %rem3A, %rem3A_74 : i32
    %dma_wait3A = arith.constant 120 : i32
    %dma_wait3A_76 = arith.constant 0 : i32
    %dma_wait3A_77 = arith.constant 0 : i32
    %dma_wait3A_78 = tpu.memref_slice %arg8[%rem3A_75, %dma_wait3A_76, %dma_wait3A_77] : memref<10x80x32xbf16, #tpu.memory_space<vmem>> -> memref<1x80x32xbf16, #tpu.memory_space<vmem>>
    %dma_wait3A_79 = tpu.memref_squeeze %dma_wait3A_78 : memref<1x80x32xbf16, #tpu.memory_space<vmem>> -> memref<80x32xbf16, #tpu.memory_space<vmem>>
    %dma_wait3A_80 = arith.constant 0 : i32
    %dma_wait3A_81 = tpu.memref_slice %arg7[%dma_wait3A, %dma_wait3A_80] : memref<125x80xi32, #tpu.memory_space<vmem>> -> memref<1x80xi32, #tpu.memory_space<vmem>>
    %dma_wait3A_82 = tpu.memref_squeeze %dma_wait3A_81 : memref<1x80xi32, #tpu.memory_space<vmem>> -> memref<80xi32, #tpu.memory_space<vmem>>
    %dma_wait3A_83 = arith.constant 0 : i32
    %dma_wait3A_84 = arith.constant 0 : i32
    %dma_wait3A_85 = tpu.memref_slice %arg10[%dma_wait3A_83, %dma_wait3A_84] : memref<10112x32xbf16, #tpu.memory_space<vmem_shared>> -> memref<10112x32xbf16, #tpu.memory_space<vmem_shared>>
    tpu.wait_indirect_dma semaphore(%arg16 : memref<!tpu.dma_semaphore, #tpu.memory_space<semaphore_mem>>) src(%dma_wait3A_79 : memref<80x32xbf16, #tpu.memory_space<vmem>>) dst(%dma_wait3A_85 : memref<10112x32xbf16, #tpu.memory_space<vmem_shared>>)
    %rem3A_86 = arith.constant 121 : i32
    %rem3A_87 = arith.constant 10 : i32
    %rem3A_88 = arith.remsi %rem3A_86, %rem3A_87 : i32
    %dma_wait3A_89 = arith.constant 121 : i32
    %dma_wait3A_90 = arith.constant 0 : i32
    %dma_wait3A_91 = arith.constant 0 : i32
    %dma_wait3A_92 = tpu.memref_slice %arg8[%rem3A_88, %dma_wait3A_90, %dma_wait3A_91] : memref<10x80x32xbf16, #tpu.memory_space<vmem>> -> memref<1x80x32xbf16, #tpu.memory_space<vmem>>
    %dma_wait3A_93 = tpu.memref_squeeze %dma_wait3A_92 : memref<1x80x32xbf16, #tpu.memory_space<vmem>> -> memref<80x32xbf16, #tpu.memory_space<vmem>>
    %dma_wait3A_94 = arith.constant 0 : i32
    %dma_wait3A_95 = tpu.memref_slice %arg7[%dma_wait3A_89, %dma_wait3A_94] : memref<125x80xi32, #tpu.memory_space<vmem>> -> memref<1x80xi32, #tpu.memory_space<vmem>>
    %dma_wait3A_96 = tpu.memref_squeeze %dma_wait3A_95 : memref<1x80xi32, #tpu.memory_space<vmem>> -> memref<80xi32, #tpu.memory_space<vmem>>
    %dma_wait3A_97 = arith.constant 0 : i32
    %dma_wait3A_98 = arith.constant 0 : i32
    %dma_wait3A_99 = tpu.memref_slice %arg10[%dma_wait3A_97, %dma_wait3A_98] : memref<10112x32xbf16, #tpu.memory_space<vmem_shared>> -> memref<10112x32xbf16, #tpu.memory_space<vmem_shared>>
    tpu.wait_indirect_dma semaphore(%arg17 : memref<!tpu.dma_semaphore, #tpu.memory_space<semaphore_mem>>) src(%dma_wait3A_93 : memref<80x32xbf16, #tpu.memory_space<vmem>>) dst(%dma_wait3A_99 : memref<10112x32xbf16, #tpu.memory_space<vmem_shared>>)
    %rem3A_100 = arith.constant 122 : i32
    %rem3A_101 = arith.constant 10 : i32
    %rem3A_102 = arith.remsi %rem3A_100, %rem3A_101 : i32
    %dma_wait3A_103 = arith.constant 122 : i32
    %dma_wait3A_104 = arith.constant 0 : i32
    %dma_wait3A_105 = arith.constant 0 : i32
    %dma_wait3A_106 = tpu.memref_slice %arg8[%rem3A_102, %dma_wait3A_104, %dma_wait3A_105] : memref<10x80x32xbf16, #tpu.memory_space<vmem>> -> memref<1x80x32xbf16, #tpu.memory_space<vmem>>
    %dma_wait3A_107 = tpu.memref_squeeze %dma_wait3A_106 : memref<1x80x32xbf16, #tpu.memory_space<vmem>> -> memref<80x32xbf16, #tpu.memory_space<vmem>>
    %dma_wait3A_108 = arith.constant 0 : i32
    %dma_wait3A_109 = tpu.memref_slice %arg7[%dma_wait3A_103, %dma_wait3A_108] : memref<125x80xi32, #tpu.memory_space<vmem>> -> memref<1x80xi32, #tpu.memory_space<vmem>>
    %dma_wait3A_110 = tpu.memref_squeeze %dma_wait3A_109 : memref<1x80xi32, #tpu.memory_space<vmem>> -> memref<80xi32, #tpu.memory_space<vmem>>
    %dma_wait3A_111 = arith.constant 0 : i32
    %dma_wait3A_112 = arith.constant 0 : i32
    %dma_wait3A_113 = tpu.memref_slice %arg10[%dma_wait3A_111, %dma_wait3A_112] : memref<10112x32xbf16, #tpu.memory_space<vmem_shared>> -> memref<10112x32xbf16, #tpu.memory_space<vmem_shared>>
    tpu.wait_indirect_dma semaphore(%arg18 : memref<!tpu.dma_semaphore, #tpu.memory_space<semaphore_mem>>) src(%dma_wait3A_107 : memref<80x32xbf16, #tpu.memory_space<vmem>>) dst(%dma_wait3A_113 : memref<10112x32xbf16, #tpu.memory_space<vmem_shared>>)
    %rem3A_114 = arith.constant 123 : i32
    %rem3A_115 = arith.constant 10 : i32
    %rem3A_116 = arith.remsi %rem3A_114, %rem3A_115 : i32
    %dma_wait3A_117 = arith.constant 123 : i32
    %dma_wait3A_118 = arith.constant 0 : i32
    %dma_wait3A_119 = arith.constant 0 : i32
    %dma_wait3A_120 = tpu.memref_slice %arg8[%rem3A_116, %dma_wait3A_118, %dma_wait3A_119] : memref<10x80x32xbf16, #tpu.memory_space<vmem>> -> memref<1x80x32xbf16, #tpu.memory_space<vmem>>
    %dma_wait3A_121 = tpu.memref_squeeze %dma_wait3A_120 : memref<1x80x32xbf16, #tpu.memory_space<vmem>> -> memref<80x32xbf16, #tpu.memory_space<vmem>>
    %dma_wait3A_122 = arith.constant 0 : i32
    %dma_wait3A_123 = tpu.memref_slice %arg7[%dma_wait3A_117, %dma_wait3A_122] : memref<125x80xi32, #tpu.memory_space<vmem>> -> memref<1x80xi32, #tpu.memory_space<vmem>>
    %dma_wait3A_124 = tpu.memref_squeeze %dma_wait3A_123 : memref<1x80xi32, #tpu.memory_space<vmem>> -> memref<80xi32, #tpu.memory_space<vmem>>
    %dma_wait3A_125 = arith.constant 0 : i32
    %dma_wait3A_126 = arith.constant 0 : i32
    %dma_wait3A_127 = tpu.memref_slice %arg10[%dma_wait3A_125, %dma_wait3A_126] : memref<10112x32xbf16, #tpu.memory_space<vmem_shared>> -> memref<10112x32xbf16, #tpu.memory_space<vmem_shared>>
    tpu.wait_indirect_dma semaphore(%arg19 : memref<!tpu.dma_semaphore, #tpu.memory_space<semaphore_mem>>) src(%dma_wait3A_121 : memref<80x32xbf16, #tpu.memory_space<vmem>>) dst(%dma_wait3A_127 : memref<10112x32xbf16, #tpu.memory_space<vmem_shared>>)
    %rem3A_128 = arith.constant 124 : i32
    %rem3A_129 = arith.constant 10 : i32
    %rem3A_130 = arith.remsi %rem3A_128, %rem3A_129 : i32
    %dma_wait3A_131 = arith.constant 124 : i32
    %dma_wait3A_132 = arith.constant 0 : i32
    %dma_wait3A_133 = arith.constant 0 : i32
    %dma_wait3A_134 = tpu.memref_slice %arg8[%rem3A_130, %dma_wait3A_132, %dma_wait3A_133] : memref<10x80x32xbf16, #tpu.memory_space<vmem>> -> memref<1x80x32xbf16, #tpu.memory_space<vmem>>
    %dma_wait3A_135 = tpu.memref_squeeze %dma_wait3A_134 : memref<1x80x32xbf16, #tpu.memory_space<vmem>> -> memref<80x32xbf16, #tpu.memory_space<vmem>>
    %dma_wait3A_136 = arith.constant 0 : i32
    %dma_wait3A_137 = tpu.memref_slice %arg7[%dma_wait3A_131, %dma_wait3A_136] : memref<125x80xi32, #tpu.memory_space<vmem>> -> memref<1x80xi32, #tpu.memory_space<vmem>>
    %dma_wait3A_138 = tpu.memref_squeeze %dma_wait3A_137 : memref<1x80xi32, #tpu.memory_space<vmem>> -> memref<80xi32, #tpu.memory_space<vmem>>
    %dma_wait3A_139 = arith.constant 0 : i32
    %dma_wait3A_140 = arith.constant 0 : i32
    %dma_wait3A_141 = tpu.memref_slice %arg10[%dma_wait3A_139, %dma_wait3A_140] : memref<10112x32xbf16, #tpu.memory_space<vmem_shared>> -> memref<10112x32xbf16, #tpu.memory_space<vmem_shared>>
    tpu.wait_indirect_dma semaphore(%arg20 : memref<!tpu.dma_semaphore, #tpu.memory_space<semaphore_mem>>) src(%dma_wait3A_135 : memref<80x32xbf16, #tpu.memory_space<vmem>>) dst(%dma_wait3A_141 : memref<10112x32xbf16, #tpu.memory_space<vmem_shared>>)
    %barrier3A_142 = arith.constant 0 : index
    tpu.barrier barrier_id(%barrier3A_142)
    %mul3A_143 = arith.constant 632 : i32
    %mul3A_144 = arith.muli %arg1, %mul3A_143 : i32
    %mul3A_145 = arith.constant 632 : i32
    %mul3A_146 = arith.muli %arg1, %mul3A_145 : i32
    "tpu.region"() ({
      %run_scoped3A = tpu.sem_alloc : memref<!tpu.dma_semaphore, #tpu.memory_space<semaphore_mem>>
      %dma_start3A_147 = arith.constant 0 : i32
      %dma_start3A_148 = tpu.memref_slice %arg5[%arg0, %mul3A_146, %dma_start3A_147] : memref<2x10112x32xbf16, #tpu.memory_space<hbm>> -> memref<1x632x32xbf16, #tpu.memory_space<hbm>>
      %dma_start3A_149 = tpu.memref_squeeze %dma_start3A_148 : memref<1x632x32xbf16, #tpu.memory_space<hbm>> -> memref<632x32xbf16, #tpu.memory_space<hbm>>
      %dma_start3A_150 = arith.constant 0 : i32
      %dma_start3A_151 = tpu.memref_slice %arg10[%mul3A_144, %dma_start3A_150] : memref<10112x32xbf16, #tpu.memory_space<vmem_shared>> -> memref<632x32xbf16, #tpu.memory_space<vmem_shared>>
      tpu.enqueue_dma source(%dma_start3A_151 : memref<632x32xbf16, #tpu.memory_space<vmem_shared>>) target(%dma_start3A_149 : memref<632x32xbf16, #tpu.memory_space<hbm>>) target_semaphore(%run_scoped3A : memref<!tpu.dma_semaphore, #tpu.memory_space<semaphore_mem>>)
      %dma_wait3A_152 = arith.constant 0 : i32
      %dma_wait3A_153 = tpu.memref_slice %arg5[%arg0, %mul3A_146, %dma_wait3A_152] : memref<2x10112x32xbf16, #tpu.memory_space<hbm>> -> memref<1x632x32xbf16, #tpu.memory_space<hbm>>
      %dma_wait3A_154 = tpu.memref_squeeze %dma_wait3A_153 : memref<1x632x32xbf16, #tpu.memory_space<hbm>> -> memref<632x32xbf16, #tpu.memory_space<hbm>>
      %dma_wait3A_155 = arith.constant 0 : i32
      %dma_wait3A_156 = tpu.memref_slice %arg10[%mul3A_144, %dma_wait3A_155] : memref<10112x32xbf16, #tpu.memory_space<vmem_shared>> -> memref<632x32xbf16, #tpu.memory_space<vmem_shared>>
      tpu.wait_dma2 semaphore(%run_scoped3A : memref<!tpu.dma_semaphore, #tpu.memory_space<semaphore_mem>>) src(%dma_wait3A_156 : memref<632x32xbf16, #tpu.memory_space<vmem_shared>>) dst(%dma_wait3A_154 : memref<632x32xbf16, #tpu.memory_space<hbm>>)
      tpu.yield
    }) : () -> ()
    return
  }
}

#map = affine_map<(d0, d1) -> (0, 0)>
#map1 = affine_map<(d0, d1) -> (0, 0, 0)>
module attributes {stable_mosaic.version = 14 : i64} {
  func.func @k(%arg0: i32, %arg1: i32, %arg2: memref<10000x64xbf16, #tpu.memory_space<hbm>>, %arg3: memref<32x125x80xi32, #tpu.memory_space<hbm>>, %arg4: memref<32x125x80xi32, #tpu.memory_space<hbm>>, %arg5: memref<2x10112x64xbf16, #tpu.memory_space<hbm>>, %arg6: memref<125x80xi32, #tpu.memory_space<vmem>>, %arg7: memref<125x80xi32, #tpu.memory_space<vmem>>, %arg8: memref<10x80x64xbf16, #tpu.memory_space<vmem>>, %arg9: memref<632x64xbf16, #tpu.memory_space<vmem>>, %arg10: memref<10112x64xbf16, #tpu.memory_space<vmem_shared>>, %arg11: memref<!tpu.dma_semaphore, #tpu.memory_space<semaphore_mem>>, %arg12: memref<!tpu.dma_semaphore, #tpu.memory_space<semaphore_mem>>, %arg13: memref<!tpu.dma_semaphore, #tpu.memory_space<semaphore_mem>>, %arg14: memref<!tpu.dma_semaphore, #tpu.memory_space<semaphore_mem>>, %arg15: memref<!tpu.dma_semaphore, #tpu.memory_space<semaphore_mem>>, %arg16: memref<!tpu.dma_semaphore, #tpu.memory_space<semaphore_mem>>, %arg17: memref<!tpu.dma_semaphore, #tpu.memory_space<semaphore_mem>>, %arg18: memref<!tpu.dma_semaphore, #tpu.memory_space<semaphore_mem>>, %arg19: memref<!tpu.dma_semaphore, #tpu.memory_space<semaphore_mem>>, %arg20: memref<!tpu.dma_semaphore, #tpu.memory_space<semaphore_mem>>) attributes {dimension_semantics = [#tpu.dimension_semantics<core_parallel>, #tpu.dimension_semantics<subcore_parallel>], iteration_bounds = array<i64: 2, 16>, scalar_prefetch = 0 : i64, scratch_operands = 15 : i64, tpu.core_type = #tpu.core_type<sc_vector_subcore>, window_params = [{transform_indices = #map}, {transform_indices = #map1}, {transform_indices = #map1}, {transform_indices = #map1}]} {
    %mul3A = arith.constant 16 : i32
    %mul3A_0 = arith.muli %arg0, %mul3A : i32
    %add3A = arith.addi %mul3A_0, %arg1 : i32
    %broadcast_in_dim3A = arith.constant 0.000000e+00 : bf16
    %broadcast_in_dim3A_1 = vector.broadcast %broadcast_in_dim3A : bf16 to vector<32xbf16>
    %scan3A = arith.constant 0 : i32
    %scan3A_2 = arith.constant 0 : i32
    %scan3A_3 = arith.constant 632 : i32
    %scan3A_4 = arith.addi %scan3A_2, %scan3A_3 : i32
    %scan3A_5 = arith.constant 1 : i32
    scf.for %scan3A_147 = %scan3A_2 to %scan3A_4 step %scan3A_5  : i32 {
      %swap3A = arith.index_cast %scan3A_147 : i32 to index
      %swap3A_148 = arith.constant 0 : index
      %swap3A_149 = tpu.vector_load %arg9[%swap3A, %swap3A_148] {strides = array<i32>} : memref<632x64xbf16, #tpu.memory_space<vmem>>, vector<1x32xbf16>,
      %swap3A_150 = vector.shape_cast %swap3A_149 : vector<1x32xbf16> to vector<32xbf16>
      %swap3A_151 = vector.shape_cast %broadcast_in_dim3A_1 : vector<32xbf16> to vector<1x32xbf16>
      tpu.vector_store %arg9[%swap3A, %swap3A_148], %swap3A_151 {strides = array<i32>} : memref<632x64xbf16, #tpu.memory_space<vmem>>, vector<1x32xbf16>,
      %swap3A_152 = arith.index_cast %scan3A_147 : i32 to index
      %swap3A_153 = arith.constant 32 : index
      %swap3A_154 = tpu.vector_load %arg9[%swap3A_152, %swap3A_153] {strides = array<i32>} : memref<632x64xbf16, #tpu.memory_space<vmem>>, vector<1x32xbf16>,
      %swap3A_155 = vector.shape_cast %swap3A_154 : vector<1x32xbf16> to vector<32xbf16>
      %swap3A_156 = vector.shape_cast %broadcast_in_dim3A_1 : vector<32xbf16> to vector<1x32xbf16>
      tpu.vector_store %arg9[%swap3A_152, %swap3A_153], %swap3A_156 {strides = array<i32>} : memref<632x64xbf16, #tpu.memory_space<vmem>>, vector<1x32xbf16>,
    }
    %scan3A_6 = arith.constant 632 : i32
    %mul3A_7 = arith.constant 632 : i32
    %mul3A_8 = arith.muli %arg1, %mul3A_7 : i32
    "tpu.region"() ({
      %run_scoped3A = tpu.sem_alloc : memref<!tpu.dma_semaphore, #tpu.memory_space<semaphore_mem>>
      %dma_start3A_147 = arith.constant 0 : i32
      %dma_start3A_148 = tpu.memref_slice %arg10[%mul3A_8, %dma_start3A_147] : memref<10112x64xbf16, #tpu.memory_space<vmem_shared>> -> memref<632x64xbf16, #tpu.memory_space<vmem_shared>>
      %dma_start3A_149 = arith.constant 0 : i32
      %dma_start3A_150 = tpu.memref_slice %arg10[%mul3A_8, %dma_start3A_149] : memref<10112x64xbf16, #tpu.memory_space<vmem_shared>> -> memref<632x64xbf16, #tpu.memory_space<vmem_shared>>
      tpu.enqueue_dma source(%arg9 : memref<632x64xbf16, #tpu.memory_space<vmem>>) target(%dma_start3A_150 : memref<632x64xbf16, #tpu.memory_space<vmem_shared>>) target_semaphore(%run_scoped3A : memref<!tpu.dma_semaphore, #tpu.memory_space<semaphore_mem>>)
      %dma_wait3A_151 = arith.constant 0 : i32
      %dma_wait3A_152 = tpu.memref_slice %arg10[%mul3A_8, %dma_wait3A_151] : memref<10112x64xbf16, #tpu.memory_space<vmem_shared>> -> memref<632x64xbf16, #tpu.memory_space<vmem_shared>>
      %dma_wait3A_153 = arith.constant 0 : i32
      %dma_wait3A_154 = tpu.memref_slice %arg10[%mul3A_8, %dma_wait3A_153] : memref<10112x64xbf16, #tpu.memory_space<vmem_shared>> -> memref<632x64xbf16, #tpu.memory_space<vmem_shared>>
      tpu.wait_dma2 semaphore(%run_scoped3A : memref<!tpu.dma_semaphore, #tpu.memory_space<semaphore_mem>>) src(%arg9 : memref<632x64xbf16, #tpu.memory_space<vmem>>) dst(%dma_wait3A_154 : memref<632x64xbf16, #tpu.memory_space<vmem_shared>>)
      tpu.yield
    }) : () -> ()
    "tpu.region"() ({
      %run_scoped3A = tpu.sem_alloc : memref<!tpu.dma_semaphore, #tpu.memory_space<semaphore_mem>>
      %dma_start3A_147 = arith.constant 0 : i32
      %dma_start3A_148 = arith.constant 0 : i32
      %dma_start3A_149 = tpu.memref_slice %arg3[%add3A, %dma_start3A_147, %dma_start3A_148] : memref<32x125x80xi32, #tpu.memory_space<hbm>> -> memref<1x125x80xi32, #tpu.memory_space<hbm>>
      %dma_start3A_150 = tpu.memref_squeeze %dma_start3A_149 : memref<1x125x80xi32, #tpu.memory_space<hbm>> -> memref<125x80xi32, #tpu.memory_space<hbm>>
      %dma_start3A_151 = arith.constant 0 : i32
      %dma_start3A_152 = arith.constant 0 : i32
      %dma_start3A_153 = tpu.memref_slice %arg3[%add3A, %dma_start3A_151, %dma_start3A_152] : memref<32x125x80xi32, #tpu.memory_space<hbm>> -> memref<1x125x80xi32, #tpu.memory_space<hbm>>
      %dma_start3A_154 = tpu.memref_squeeze %dma_start3A_153 : memref<1x125x80xi32, #tpu.memory_space<hbm>> -> memref<125x80xi32, #tpu.memory_space<hbm>>
      tpu.enqueue_dma source(%dma_start3A_154 : memref<125x80xi32, #tpu.memory_space<hbm>>) target(%arg6 : memref<125x80xi32, #tpu.memory_space<vmem>>) target_semaphore(%run_scoped3A : memref<!tpu.dma_semaphore, #tpu.memory_space<semaphore_mem>>)
      %dma_wait3A_155 = arith.constant 0 : i32
      %dma_wait3A_156 = arith.constant 0 : i32
      %dma_wait3A_157 = tpu.memref_slice %arg3[%add3A, %dma_wait3A_155, %dma_wait3A_156] : memref<32x125x80xi32, #tpu.memory_space<hbm>> -> memref<1x125x80xi32, #tpu.memory_space<hbm>>
      %dma_wait3A_158 = tpu.memref_squeeze %dma_wait3A_157 : memref<1x125x80xi32, #tpu.memory_space<hbm>> -> memref<125x80xi32, #tpu.memory_space<hbm>>
      %dma_wait3A_159 = arith.constant 0 : i32
      %dma_wait3A_160 = arith.constant 0 : i32
      %dma_wait3A_161 = tpu.memref_slice %arg3[%add3A, %dma_wait3A_159, %dma_wait3A_160] : memref<32x125x80xi32, #tpu.memory_space<hbm>> -> memref<1x125x80xi32, #tpu.memory_space<hbm>>
      %dma_wait3A_162 = tpu.memref_squeeze %dma_wait3A_161 : memref<1x125x80xi32, #tpu.memory_space<hbm>> -> memref<125x80xi32, #tpu.memory_space<hbm>>
      tpu.wait_dma2 semaphore(%run_scoped3A : memref<!tpu.dma_semaphore, #tpu.memory_space<semaphore_mem>>) src(%dma_wait3A_162 : memref<125x80xi32, #tpu.memory_space<hbm>>) dst(%arg6 : memref<125x80xi32, #tpu.memory_space<vmem>>)
      tpu.yield
    }) : () -> ()
    "tpu.region"() ({
      %run_scoped3A = tpu.sem_alloc : memref<!tpu.dma_semaphore, #tpu.memory_space<semaphore_mem>>
      %dma_start3A_147 = arith.constant 0 : i32
      %dma_start3A_148 = arith.constant 0 : i32
      %dma_start3A_149 = tpu.memref_slice %arg4[%add3A, %dma_start3A_147, %dma_start3A_148] : memref<32x125x80xi32, #tpu.memory_space<hbm>> -> memref<1x125x80xi32, #tpu.memory_space<hbm>>
      %dma_start3A_150 = tpu.memref_squeeze %dma_start3A_149 : memref<1x125x80xi32, #tpu.memory_space<hbm>> -> memref<125x80xi32, #tpu.memory_space<hbm>>
      %dma_start3A_151 = arith.constant 0 : i32
      %dma_start3A_152 = arith.constant 0 : i32
      %dma_start3A_153 = tpu.memref_slice %arg4[%add3A, %dma_start3A_151, %dma_start3A_152] : memref<32x125x80xi32, #tpu.memory_space<hbm>> -> memref<1x125x80xi32, #tpu.memory_space<hbm>>
      %dma_start3A_154 = tpu.memref_squeeze %dma_start3A_153 : memref<1x125x80xi32, #tpu.memory_space<hbm>> -> memref<125x80xi32, #tpu.memory_space<hbm>>
      tpu.enqueue_dma source(%dma_start3A_154 : memref<125x80xi32, #tpu.memory_space<hbm>>) target(%arg7 : memref<125x80xi32, #tpu.memory_space<vmem>>) target_semaphore(%run_scoped3A : memref<!tpu.dma_semaphore, #tpu.memory_space<semaphore_mem>>)
      %dma_wait3A_155 = arith.constant 0 : i32
      %dma_wait3A_156 = arith.constant 0 : i32
      %dma_wait3A_157 = tpu.memref_slice %arg4[%add3A, %dma_wait3A_155, %dma_wait3A_156] : memref<32x125x80xi32, #tpu.memory_space<hbm>> -> memref<1x125x80xi32, #tpu.memory_space<hbm>>
      %dma_wait3A_158 = tpu.memref_squeeze %dma_wait3A_157 : memref<1x125x80xi32, #tpu.memory_space<hbm>> -> memref<125x80xi32, #tpu.memory_space<hbm>>
      %dma_wait3A_159 = arith.constant 0 : i32
      %dma_wait3A_160 = arith.constant 0 : i32
      %dma_wait3A_161 = tpu.memref_slice %arg4[%add3A, %dma_wait3A_159, %dma_wait3A_160] : memref<32x125x80xi32, #tpu.memory_space<hbm>> -> memref<1x125x80xi32, #tpu.memory_space<hbm>>
      %dma_wait3A_162 = tpu.memref_squeeze %dma_wait3A_161 : memref<1x125x80xi32, #tpu.memory_space<hbm>> -> memref<125x80xi32, #tpu.memory_space<hbm>>
      tpu.wait_dma2 semaphore(%run_scoped3A : memref<!tpu.dma_semaphore, #tpu.memory_space<semaphore_mem>>) src(%dma_wait3A_162 : memref<125x80xi32, #tpu.memory_space<hbm>>) dst(%arg7 : memref<125x80xi32, #tpu.memory_space<vmem>>)
      tpu.yield
    }) : () -> ()
    %barrier3A = arith.constant 0 : index
    tpu.barrier barrier_id(%barrier3A)
    %dma_start3A = arith.constant 0 : i32
    %dma_start3A_9 = arith.constant 0 : i32
    %dma_start3A_10 = arith.constant 0 : i32
    %dma_start3A_11 = arith.constant 0 : i32
    %dma_start3A_12 = tpu.memref_slice %arg8[%dma_start3A_9, %dma_start3A_10, %dma_start3A_11] : memref<10x80x64xbf16, #tpu.memory_space<vmem>> -> memref<1x80x64xbf16, #tpu.memory_space<vmem>>
    %dma_start3A_13 = tpu.memref_squeeze %dma_start3A_12 : memref<1x80x64xbf16, #tpu.memory_space<vmem>> -> memref<80x64xbf16, #tpu.memory_space<vmem>>
    %dma_start3A_14 = arith.constant 0 : i32
    %dma_start3A_15 = tpu.memref_slice %arg6[%dma_start3A, %dma_start3A_14] : memref<125x80xi32, #tpu.memory_space<vmem>> -> memref<1x80xi32, #tpu.memory_space<vmem>>
    %dma_start3A_16 = tpu.memref_squeeze %dma_start3A_15 : memref<1x80xi32, #tpu.memory_space<vmem>> -> memref<80xi32, #tpu.memory_space<vmem>>
    %dma_start3A_17 = arith.constant 0 : i32
    %dma_start3A_18 = arith.constant 0 : i32
    %dma_start3A_19 = tpu.memref_slice %arg2[%dma_start3A_17, %dma_start3A_18] : memref<10000x64xbf16, #tpu.memory_space<hbm>> -> memref<10000x64xbf16, #tpu.memory_space<hbm>>
    tpu.enqueue_indirect_dma source(%dma_start3A_19 : memref<10000x64xbf16, #tpu.memory_space<hbm>>) target(%dma_start3A_13 : memref<80x64xbf16, #tpu.memory_space<vmem>>) offsets(%dma_start3A_16 : memref<80xi32, #tpu.memory_space<vmem>>) semaphore(%arg11 : memref<!tpu.dma_semaphore, #tpu.memory_space<semaphore_mem>>)
    %dma_start3A_20 = arith.constant 1 : i32
    %dma_start3A_21 = arith.constant 1 : i32
    %dma_start3A_22 = arith.constant 0 : i32
    %dma_start3A_23 = arith.constant 0 : i32
    %dma_start3A_24 = tpu.memref_slice %arg8[%dma_start3A_21, %dma_start3A_22, %dma_start3A_23] : memref<10x80x64xbf16, #tpu.memory_space<vmem>> -> memref<1x80x64xbf16, #tpu.memory_space<vmem>>
    %dma_start3A_25 = tpu.memref_squeeze %dma_start3A_24 : memref<1x80x64xbf16, #tpu.memory_space<vmem>> -> memref<80x64xbf16, #tpu.memory_space<vmem>>
    %dma_start3A_26 = arith.constant 0 : i32
    %dma_start3A_27 = tpu.memref_slice %arg6[%dma_start3A_20, %dma_start3A_26] : memref<125x80xi32, #tpu.memory_space<vmem>> -> memref<1x80xi32, #tpu.memory_space<vmem>>
    %dma_start3A_28 = tpu.memref_squeeze %dma_start3A_27 : memref<1x80xi32, #tpu.memory_space<vmem>> -> memref<80xi32, #tpu.memory_space<vmem>>
    %dma_start3A_29 = arith.constant 0 : i32
    %dma_start3A_30 = arith.constant 0 : i32
    %dma_start3A_31 = tpu.memref_slice %arg2[%dma_start3A_29, %dma_start3A_30] : memref<10000x64xbf16, #tpu.memory_space<hbm>> -> memref<10000x64xbf16, #tpu.memory_space<hbm>>
    tpu.enqueue_indirect_dma source(%dma_start3A_31 : memref<10000x64xbf16, #tpu.memory_space<hbm>>) target(%dma_start3A_25 : memref<80x64xbf16, #tpu.memory_space<vmem>>) offsets(%dma_start3A_28 : memref<80xi32, #tpu.memory_space<vmem>>) semaphore(%arg12 : memref<!tpu.dma_semaphore, #tpu.memory_space<semaphore_mem>>)
    %dma_start3A_32 = arith.constant 2 : i32
    %dma_start3A_33 = arith.constant 2 : i32
    %dma_start3A_34 = arith.constant 0 : i32
    %dma_start3A_35 = arith.constant 0 : i32
    %dma_start3A_36 = tpu.memref_slice %arg8[%dma_start3A_33, %dma_start3A_34, %dma_start3A_35] : memref<10x80x64xbf16, #tpu.memory_space<vmem>> -> memref<1x80x64xbf16, #tpu.memory_space<vmem>>
    %dma_start3A_37 = tpu.memref_squeeze %dma_start3A_36 : memref<1x80x64xbf16, #tpu.memory_space<vmem>> -> memref<80x64xbf16, #tpu.memory_space<vmem>>
    %dma_start3A_38 = arith.constant 0 : i32
    %dma_start3A_39 = tpu.memref_slice %arg6[%dma_start3A_32, %dma_start3A_38] : memref<125x80xi32, #tpu.memory_space<vmem>> -> memref<1x80xi32, #tpu.memory_space<vmem>>
    %dma_start3A_40 = tpu.memref_squeeze %dma_start3A_39 : memref<1x80xi32, #tpu.memory_space<vmem>> -> memref<80xi32, #tpu.memory_space<vmem>>
    %dma_start3A_41 = arith.constant 0 : i32
    %dma_start3A_42 = arith.constant 0 : i32
    %dma_start3A_43 = tpu.memref_slice %arg2[%dma_start3A_41, %dma_start3A_42] : memref<10000x64xbf16, #tpu.memory_space<hbm>> -> memref<10000x64xbf16, #tpu.memory_space<hbm>>
    tpu.enqueue_indirect_dma source(%dma_start3A_43 : memref<10000x64xbf16, #tpu.memory_space<hbm>>) target(%dma_start3A_37 : memref<80x64xbf16, #tpu.memory_space<vmem>>) offsets(%dma_start3A_40 : memref<80xi32, #tpu.memory_space<vmem>>) semaphore(%arg13 : memref<!tpu.dma_semaphore, #tpu.memory_space<semaphore_mem>>)
    %dma_start3A_44 = arith.constant 3 : i32
    %dma_start3A_45 = arith.constant 3 : i32
    %dma_start3A_46 = arith.constant 0 : i32
    %dma_start3A_47 = arith.constant 0 : i32
    %dma_start3A_48 = tpu.memref_slice %arg8[%dma_start3A_45, %dma_start3A_46, %dma_start3A_47] : memref<10x80x64xbf16, #tpu.memory_space<vmem>> -> memref<1x80x64xbf16, #tpu.memory_space<vmem>>
    %dma_start3A_49 = tpu.memref_squeeze %dma_start3A_48 : memref<1x80x64xbf16, #tpu.memory_space<vmem>> -> memref<80x64xbf16, #tpu.memory_space<vmem>>
    %dma_start3A_50 = arith.constant 0 : i32
    %dma_start3A_51 = tpu.memref_slice %arg6[%dma_start3A_44, %dma_start3A_50] : memref<125x80xi32, #tpu.memory_space<vmem>> -> memref<1x80xi32, #tpu.memory_space<vmem>>
    %dma_start3A_52 = tpu.memref_squeeze %dma_start3A_51 : memref<1x80xi32, #tpu.memory_space<vmem>> -> memref<80xi32, #tpu.memory_space<vmem>>
    %dma_start3A_53 = arith.constant 0 : i32
    %dma_start3A_54 = arith.constant 0 : i32
    %dma_start3A_55 = tpu.memref_slice %arg2[%dma_start3A_53, %dma_start3A_54] : memref<10000x64xbf16, #tpu.memory_space<hbm>> -> memref<10000x64xbf16, #tpu.memory_space<hbm>>
    tpu.enqueue_indirect_dma source(%dma_start3A_55 : memref<10000x64xbf16, #tpu.memory_space<hbm>>) target(%dma_start3A_49 : memref<80x64xbf16, #tpu.memory_space<vmem>>) offsets(%dma_start3A_52 : memref<80xi32, #tpu.memory_space<vmem>>) semaphore(%arg14 : memref<!tpu.dma_semaphore, #tpu.memory_space<semaphore_mem>>)
    %dma_start3A_56 = arith.constant 4 : i32
    %dma_start3A_57 = arith.constant 4 : i32
    %dma_start3A_58 = arith.constant 0 : i32
    %dma_start3A_59 = arith.constant 0 : i32
    %dma_start3A_60 = tpu.memref_slice %arg8[%dma_start3A_57, %dma_start3A_58, %dma_start3A_59] : memref<10x80x64xbf16, #tpu.memory_space<vmem>> -> memref<1x80x64xbf16, #tpu.memory_space<vmem>>
    %dma_start3A_61 = tpu.memref_squeeze %dma_start3A_60 : memref<1x80x64xbf16, #tpu.memory_space<vmem>> -> memref<80x64xbf16, #tpu.memory_space<vmem>>
    %dma_start3A_62 = arith.constant 0 : i32
    %dma_start3A_63 = tpu.memref_slice %arg6[%dma_start3A_56, %dma_start3A_62] : memref<125x80xi32, #tpu.memory_space<vmem>> -> memref<1x80xi32, #tpu.memory_space<vmem>>
    %dma_start3A_64 = tpu.memref_squeeze %dma_start3A_63 : memref<1x80xi32, #tpu.memory_space<vmem>> -> memref<80xi32, #tpu.memory_space<vmem>>
    %dma_start3A_65 = arith.constant 0 : i32
    %dma_start3A_66 = arith.constant 0 : i32
    %dma_start3A_67 = tpu.memref_slice %arg2[%dma_start3A_65, %dma_start3A_66] : memref<10000x64xbf16, #tpu.memory_space<hbm>> -> memref<10000x64xbf16, #tpu.memory_space<hbm>>
    tpu.enqueue_indirect_dma source(%dma_start3A_67 : memref<10000x64xbf16, #tpu.memory_space<hbm>>) target(%dma_start3A_61 : memref<80x64xbf16, #tpu.memory_space<vmem>>) offsets(%dma_start3A_64 : memref<80xi32, #tpu.memory_space<vmem>>) semaphore(%arg15 : memref<!tpu.dma_semaphore, #tpu.memory_space<semaphore_mem>>)
    %scan3A_68 = arith.constant 0 : i32
    %scan3A_69 = arith.constant 0 : i32
    %scan3A_70 = arith.constant 25 : i32
    %scan3A_71 = arith.addi %scan3A_69, %scan3A_70 : i32
    %scan3A_72 = arith.constant 1 : i32
    scf.for %scan3A_147 = %scan3A_69 to %scan3A_71 step %scan3A_72  : i32 {
      %mul3A_148 = arith.constant 5 : i32
      %mul3A_149 = arith.muli %mul3A_148, %scan3A_147 : i32
      %add3A_150 = arith.constant 0 : i32
      %add3A_151 = arith.addi %mul3A_149, %add3A_150 : i32
      %rem3A_152 = arith.constant 10 : i32
      %rem3A_153 = arith.remsi %add3A_151, %rem3A_152 : i32
      %add3A_154 = arith.constant 5 : i32
      %add3A_155 = arith.addi %add3A_151, %add3A_154 : i32
      %rem3A_156 = arith.constant 10 : i32
      %rem3A_157 = arith.remsi %add3A_155, %rem3A_156 : i32
      %dma_wait3A_158 = arith.constant 0 : i32
      %dma_wait3A_159 = arith.constant 0 : i32
      %dma_wait3A_160 = tpu.memref_slice %arg8[%rem3A_153, %dma_wait3A_158, %dma_wait3A_159] : memref<10x80x64xbf16, #tpu.memory_space<vmem>> -> memref<1x80x64xbf16, #tpu.memory_space<vmem>>
      %dma_wait3A_161 = tpu.memref_squeeze %dma_wait3A_160 : memref<1x80x64xbf16, #tpu.memory_space<vmem>> -> memref<80x64xbf16, #tpu.memory_space<vmem>>
      %dma_wait3A_162 = arith.constant 0 : i32
      %dma_wait3A_163 = tpu.memref_slice %arg6[%add3A_151, %dma_wait3A_162] : memref<125x80xi32, #tpu.memory_space<vmem>> -> memref<1x80xi32, #tpu.memory_space<vmem>>
      %dma_wait3A_164 = tpu.memref_squeeze %dma_wait3A_163 : memref<1x80xi32, #tpu.memory_space<vmem>> -> memref<80xi32, #tpu.memory_space<vmem>>
      %dma_wait3A_165 = arith.constant 0 : i32
      %dma_wait3A_166 = arith.constant 0 : i32
      %dma_wait3A_167 = tpu.memref_slice %arg2[%dma_wait3A_165, %dma_wait3A_166] : memref<10000x64xbf16, #tpu.memory_space<hbm>> -> memref<10000x64xbf16, #tpu.memory_space<hbm>>
      tpu.wait_indirect_dma semaphore(%arg11 : memref<!tpu.dma_semaphore, #tpu.memory_space<semaphore_mem>>) src(%dma_wait3A_167 : memref<10000x64xbf16, #tpu.memory_space<hbm>>) dst(%dma_wait3A_161 : memref<80x64xbf16, #tpu.memory_space<vmem>>)
      %ge3A = arith.constant 1 : i32
      %ge3A_168 = arith.cmpi sge, %scan3A_147, %ge3A : i32
      %convert_element_type3A = arith.extui %ge3A_168 : i1 to i32
      %cond3A = arith.constant 0 : i32
      %cond3A_169 = arith.cmpi ne, %convert_element_type3A, %cond3A : i32
      scf.if %cond3A_169 {
        %sub3A = arith.constant 5 : i32
        %sub3A_346 = arith.subi %add3A_151, %sub3A : i32
        %dma_wait3A_347 = arith.constant 0 : i32
        %dma_wait3A_348 = arith.constant 0 : i32
        %dma_wait3A_349 = tpu.memref_slice %arg8[%rem3A_157, %dma_wait3A_347, %dma_wait3A_348] : memref<10x80x64xbf16, #tpu.memory_space<vmem>> -> memref<1x80x64xbf16, #tpu.memory_space<vmem>>
        %dma_wait3A_350 = tpu.memref_squeeze %dma_wait3A_349 : memref<1x80x64xbf16, #tpu.memory_space<vmem>> -> memref<80x64xbf16, #tpu.memory_space<vmem>>
        %dma_wait3A_351 = arith.constant 0 : i32
        %dma_wait3A_352 = tpu.memref_slice %arg7[%sub3A_346, %dma_wait3A_351] : memref<125x80xi32, #tpu.memory_space<vmem>> -> memref<1x80xi32, #tpu.memory_space<vmem>>
        %dma_wait3A_353 = tpu.memref_squeeze %dma_wait3A_352 : memref<1x80xi32, #tpu.memory_space<vmem>> -> memref<80xi32, #tpu.memory_space<vmem>>
        %dma_wait3A_354 = arith.constant 0 : i32
        %dma_wait3A_355 = arith.constant 0 : i32
        %dma_wait3A_356 = tpu.memref_slice %arg10[%dma_wait3A_354, %dma_wait3A_355] : memref<10112x64xbf16, #tpu.memory_space<vmem_shared>> -> memref<10112x64xbf16, #tpu.memory_space<vmem_shared>>
        tpu.wait_indirect_dma semaphore(%arg16 : memref<!tpu.dma_semaphore, #tpu.memory_space<semaphore_mem>>) src(%dma_wait3A_350 : memref<80x64xbf16, #tpu.memory_space<vmem>>) dst(%dma_wait3A_356 : memref<10112x64xbf16, #tpu.memory_space<vmem_shared>>)
      } else {
      }
      %add3A_170 = arith.constant 5 : i32
      %add3A_171 = arith.addi %add3A_151, %add3A_170 : i32
      %lt3A = arith.constant 125 : i32
      %lt3A_172 = arith.cmpi slt, %add3A_171, %lt3A : i32
      %convert_element_type3A_173 = arith.extui %lt3A_172 : i1 to i32
      %cond3A_174 = arith.constant 0 : i32
      %cond3A_175 = arith.cmpi ne, %convert_element_type3A_173, %cond3A_174 : i32
      scf.if %cond3A_175 {
        %add3A_346 = arith.constant 5 : i32
        %add3A_347 = arith.addi %add3A_151, %add3A_346 : i32
        %dma_start3A_348 = arith.constant 0 : i32
        %dma_start3A_349 = arith.constant 0 : i32
        %dma_start3A_350 = tpu.memref_slice %arg8[%rem3A_157, %dma_start3A_348, %dma_start3A_349] : memref<10x80x64xbf16, #tpu.memory_space<vmem>> -> memref<1x80x64xbf16, #tpu.memory_space<vmem>>
        %dma_start3A_351 = tpu.memref_squeeze %dma_start3A_350 : memref<1x80x64xbf16, #tpu.memory_space<vmem>> -> memref<80x64xbf16, #tpu.memory_space<vmem>>
        %dma_start3A_352 = arith.constant 0 : i32
        %dma_start3A_353 = tpu.memref_slice %arg6[%add3A_347, %dma_start3A_352] : memref<125x80xi32, #tpu.memory_space<vmem>> -> memref<1x80xi32, #tpu.memory_space<vmem>>
        %dma_start3A_354 = tpu.memref_squeeze %dma_start3A_353 : memref<1x80xi32, #tpu.memory_space<vmem>> -> memref<80xi32, #tpu.memory_space<vmem>>
        %dma_start3A_355 = arith.constant 0 : i32
        %dma_start3A_356 = arith.constant 0 : i32
        %dma_start3A_357 = tpu.memref_slice %arg2[%dma_start3A_355, %dma_start3A_356] : memref<10000x64xbf16, #tpu.memory_space<hbm>> -> memref<10000x64xbf16, #tpu.memory_space<hbm>>
        tpu.enqueue_indirect_dma source(%dma_start3A_357 : memref<10000x64xbf16, #tpu.memory_space<hbm>>) target(%dma_start3A_351 : memref<80x64xbf16, #tpu.memory_space<vmem>>) offsets(%dma_start3A_354 : memref<80xi32, #tpu.memory_space<vmem>>) semaphore(%arg11 : memref<!tpu.dma_semaphore, #tpu.memory_space<semaphore_mem>>)
      } else {
      }
      %dma_start3A_176 = arith.constant 0 : i32
      %dma_start3A_177 = arith.constant 0 : i32
      %dma_start3A_178 = tpu.memref_slice %arg8[%rem3A_153, %dma_start3A_176, %dma_start3A_177] : memref<10x80x64xbf16, #tpu.memory_space<vmem>> -> memref<1x80x64xbf16, #tpu.memory_space<vmem>>
      %dma_start3A_179 = tpu.memref_squeeze %dma_start3A_178 : memref<1x80x64xbf16, #tpu.memory_space<vmem>> -> memref<80x64xbf16, #tpu.memory_space<vmem>>
      %dma_start3A_180 = arith.constant 0 : i32
      %dma_start3A_181 = tpu.memref_slice %arg7[%add3A_151, %dma_start3A_180] : memref<125x80xi32, #tpu.memory_space<vmem>> -> memref<1x80xi32, #tpu.memory_space<vmem>>
      %dma_start3A_182 = tpu.memref_squeeze %dma_start3A_181 : memref<1x80xi32, #tpu.memory_space<vmem>> -> memref<80xi32, #tpu.memory_space<vmem>>
      %dma_start3A_183 = arith.constant 0 : i32
      %dma_start3A_184 = arith.constant 0 : i32
      %dma_start3A_185 = tpu.memref_slice %arg10[%dma_start3A_183, %dma_start3A_184] : memref<10112x64xbf16, #tpu.memory_space<vmem_shared>> -> memref<10112x64xbf16, #tpu.memory_space<vmem_shared>>
      tpu.enqueue_indirect_dma source(%dma_start3A_179 : memref<80x64xbf16, #tpu.memory_space<vmem>>) target(%dma_start3A_185 : memref<10112x64xbf16, #tpu.memory_space<vmem_shared>>) offsets(%dma_start3A_182 : memref<80xi32, #tpu.memory_space<vmem>>) semaphore(%arg16 : memref<!tpu.dma_semaphore, #tpu.memory_space<semaphore_mem>>) {add = true}
      %add3A_186 = arith.constant 1 : i32
      %add3A_187 = arith.addi %mul3A_149, %add3A_186 : i32
      %rem3A_188 = arith.constant 10 : i32
      %rem3A_189 = arith.remsi %add3A_187, %rem3A_188 : i32
      %add3A_190 = arith.constant 5 : i32
      %add3A_191 = arith.addi %add3A_187, %add3A_190 : i32
      %rem3A_192 = arith.constant 10 : i32
      %rem3A_193 = arith.remsi %add3A_191, %rem3A_192 : i32
      %dma_wait3A_194 = arith.constant 0 : i32
      %dma_wait3A_195 = arith.constant 0 : i32
      %dma_wait3A_196 = tpu.memref_slice %arg8[%rem3A_189, %dma_wait3A_194, %dma_wait3A_195] : memref<10x80x64xbf16, #tpu.memory_space<vmem>> -> memref<1x80x64xbf16, #tpu.memory_space<vmem>>
      %dma_wait3A_197 = tpu.memref_squeeze %dma_wait3A_196 : memref<1x80x64xbf16, #tpu.memory_space<vmem>> -> memref<80x64xbf16, #tpu.memory_space<vmem>>
      %dma_wait3A_198 = arith.constant 0 : i32
      %dma_wait3A_199 = tpu.memref_slice %arg6[%add3A_187, %dma_wait3A_198] : memref<125x80xi32, #tpu.memory_space<vmem>> -> memref<1x80xi32, #tpu.memory_space<vmem>>
      %dma_wait3A_200 = tpu.memref_squeeze %dma_wait3A_199 : memref<1x80xi32, #tpu.memory_space<vmem>> -> memref<80xi32, #tpu.memory_space<vmem>>
      %dma_wait3A_201 = arith.constant 0 : i32
      %dma_wait3A_202 = arith.constant 0 : i32
      %dma_wait3A_203 = tpu.memref_slice %arg2[%dma_wait3A_201, %dma_wait3A_202] : memref<10000x64xbf16, #tpu.memory_space<hbm>> -> memref<10000x64xbf16, #tpu.memory_space<hbm>>
      tpu.wait_indirect_dma semaphore(%arg12 : memref<!tpu.dma_semaphore, #tpu.memory_space<semaphore_mem>>) src(%dma_wait3A_203 : memref<10000x64xbf16, #tpu.memory_space<hbm>>) dst(%dma_wait3A_197 : memref<80x64xbf16, #tpu.memory_space<vmem>>)
      %ge3A_204 = arith.constant 1 : i32
      %ge3A_205 = arith.cmpi sge, %scan3A_147, %ge3A_204 : i32
      %convert_element_type3A_206 = arith.extui %ge3A_205 : i1 to i32
      %cond3A_207 = arith.constant 0 : i32
      %cond3A_208 = arith.cmpi ne, %convert_element_type3A_206, %cond3A_207 : i32
      scf.if %cond3A_208 {
        %sub3A = arith.constant 5 : i32
        %sub3A_346 = arith.subi %add3A_187, %sub3A : i32
        %dma_wait3A_347 = arith.constant 0 : i32
        %dma_wait3A_348 = arith.constant 0 : i32
        %dma_wait3A_349 = tpu.memref_slice %arg8[%rem3A_193, %dma_wait3A_347, %dma_wait3A_348] : memref<10x80x64xbf16, #tpu.memory_space<vmem>> -> memref<1x80x64xbf16, #tpu.memory_space<vmem>>
        %dma_wait3A_350 = tpu.memref_squeeze %dma_wait3A_349 : memref<1x80x64xbf16, #tpu.memory_space<vmem>> -> memref<80x64xbf16, #tpu.memory_space<vmem>>
        %dma_wait3A_351 = arith.constant 0 : i32
        %dma_wait3A_352 = tpu.memref_slice %arg7[%sub3A_346, %dma_wait3A_351] : memref<125x80xi32, #tpu.memory_space<vmem>> -> memref<1x80xi32, #tpu.memory_space<vmem>>
        %dma_wait3A_353 = tpu.memref_squeeze %dma_wait3A_352 : memref<1x80xi32, #tpu.memory_space<vmem>> -> memref<80xi32, #tpu.memory_space<vmem>>
        %dma_wait3A_354 = arith.constant 0 : i32
        %dma_wait3A_355 = arith.constant 0 : i32
        %dma_wait3A_356 = tpu.memref_slice %arg10[%dma_wait3A_354, %dma_wait3A_355] : memref<10112x64xbf16, #tpu.memory_space<vmem_shared>> -> memref<10112x64xbf16, #tpu.memory_space<vmem_shared>>
        tpu.wait_indirect_dma semaphore(%arg17 : memref<!tpu.dma_semaphore, #tpu.memory_space<semaphore_mem>>) src(%dma_wait3A_350 : memref<80x64xbf16, #tpu.memory_space<vmem>>) dst(%dma_wait3A_356 : memref<10112x64xbf16, #tpu.memory_space<vmem_shared>>)
      } else {
      }
      %add3A_209 = arith.constant 5 : i32
      %add3A_210 = arith.addi %add3A_187, %add3A_209 : i32
      %lt3A_211 = arith.constant 125 : i32
      %lt3A_212 = arith.cmpi slt, %add3A_210, %lt3A_211 : i32
      %convert_element_type3A_213 = arith.extui %lt3A_212 : i1 to i32
      %cond3A_214 = arith.constant 0 : i32
      %cond3A_215 = arith.cmpi ne, %convert_element_type3A_213, %cond3A_214 : i32
      scf.if %cond3A_215 {
        %add3A_346 = arith.constant 5 : i32
        %add3A_347 = arith.addi %add3A_187, %add3A_346 : i32
        %dma_start3A_348 = arith.constant 0 : i32
        %dma_start3A_349 = arith.constant 0 : i32
        %dma_start3A_350 = tpu.memref_slice %arg8[%rem3A_193, %dma_start3A_348, %dma_start3A_349] : memref<10x80x64xbf16, #tpu.memory_space<vmem>> -> memref<1x80x64xbf16, #tpu.memory_space<vmem>>
        %dma_start3A_351 = tpu.memref_squeeze %dma_start3A_350 : memref<1x80x64xbf16, #tpu.memory_space<vmem>> -> memref<80x64xbf16, #tpu.memory_space<vmem>>
        %dma_start3A_352 = arith.constant 0 : i32
        %dma_start3A_353 = tpu.memref_slice %arg6[%add3A_347, %dma_start3A_352] : memref<125x80xi32, #tpu.memory_space<vmem>> -> memref<1x80xi32, #tpu.memory_space<vmem>>
        %dma_start3A_354 = tpu.memref_squeeze %dma_start3A_353 : memref<1x80xi32, #tpu.memory_space<vmem>> -> memref<80xi32, #tpu.memory_space<vmem>>
        %dma_start3A_355 = arith.constant 0 : i32
        %dma_start3A_356 = arith.constant 0 : i32
        %dma_start3A_357 = tpu.memref_slice %arg2[%dma_start3A_355, %dma_start3A_356] : memref<10000x64xbf16, #tpu.memory_space<hbm>> -> memref<10000x64xbf16, #tpu.memory_space<hbm>>
        tpu.enqueue_indirect_dma source(%dma_start3A_357 : memref<10000x64xbf16, #tpu.memory_space<hbm>>) target(%dma_start3A_351 : memref<80x64xbf16, #tpu.memory_space<vmem>>) offsets(%dma_start3A_354 : memref<80xi32, #tpu.memory_space<vmem>>) semaphore(%arg12 : memref<!tpu.dma_semaphore, #tpu.memory_space<semaphore_mem>>)
      } else {
      }
      %dma_start3A_216 = arith.constant 0 : i32
      %dma_start3A_217 = arith.constant 0 : i32
      %dma_start3A_218 = tpu.memref_slice %arg8[%rem3A_189, %dma_start3A_216, %dma_start3A_217] : memref<10x80x64xbf16, #tpu.memory_space<vmem>> -> memref<1x80x64xbf16, #tpu.memory_space<vmem>>
      %dma_start3A_219 = tpu.memref_squeeze %dma_start3A_218 : memref<1x80x64xbf16, #tpu.memory_space<vmem>> -> memref<80x64xbf16, #tpu.memory_space<vmem>>
      %dma_start3A_220 = arith.constant 0 : i32
      %dma_start3A_221 = tpu.memref_slice %arg7[%add3A_187, %dma_start3A_220] : memref<125x80xi32, #tpu.memory_space<vmem>> -> memref<1x80xi32, #tpu.memory_space<vmem>>
      %dma_start3A_222 = tpu.memref_squeeze %dma_start3A_221 : memref<1x80xi32, #tpu.memory_space<vmem>> -> memref<80xi32, #tpu.memory_space<vmem>>
      %dma_start3A_223 = arith.constant 0 : i32
      %dma_start3A_224 = arith.constant 0 : i32
      %dma_start3A_225 = tpu.memref_slice %arg10[%dma_start3A_223, %dma_start3A_224] : memref<10112x64xbf16, #tpu.memory_space<vmem_shared>> -> memref<10112x64xbf16, #tpu.memory_space<vmem_shared>>
      tpu.enqueue_indirect_dma source(%dma_start3A_219 : memref<80x64xbf16, #tpu.memory_space<vmem>>) target(%dma_start3A_225 : memref<10112x64xbf16, #tpu.memory_space<vmem_shared>>) offsets(%dma_start3A_222 : memref<80xi32, #tpu.memory_space<vmem>>) semaphore(%arg17 : memref<!tpu.dma_semaphore, #tpu.memory_space<semaphore_mem>>) {add = true}
      %add3A_226 = arith.constant 2 : i32
      %add3A_227 = arith.addi %mul3A_149, %add3A_226 : i32
      %rem3A_228 = arith.constant 10 : i32
      %rem3A_229 = arith.remsi %add3A_227, %rem3A_228 : i32
      %add3A_230 = arith.constant 5 : i32
      %add3A_231 = arith.addi %add3A_227, %add3A_230 : i32
      %rem3A_232 = arith.constant 10 : i32
      %rem3A_233 = arith.remsi %add3A_231, %rem3A_232 : i32
      %dma_wait3A_234 = arith.constant 0 : i32
      %dma_wait3A_235 = arith.constant 0 : i32
      %dma_wait3A_236 = tpu.memref_slice %arg8[%rem3A_229, %dma_wait3A_234, %dma_wait3A_235] : memref<10x80x64xbf16, #tpu.memory_space<vmem>> -> memref<1x80x64xbf16, #tpu.memory_space<vmem>>
      %dma_wait3A_237 = tpu.memref_squeeze %dma_wait3A_236 : memref<1x80x64xbf16, #tpu.memory_space<vmem>> -> memref<80x64xbf16, #tpu.memory_space<vmem>>
      %dma_wait3A_238 = arith.constant 0 : i32
      %dma_wait3A_239 = tpu.memref_slice %arg6[%add3A_227, %dma_wait3A_238] : memref<125x80xi32, #tpu.memory_space<vmem>> -> memref<1x80xi32, #tpu.memory_space<vmem>>
      %dma_wait3A_240 = tpu.memref_squeeze %dma_wait3A_239 : memref<1x80xi32, #tpu.memory_space<vmem>> -> memref<80xi32, #tpu.memory_space<vmem>>
      %dma_wait3A_241 = arith.constant 0 : i32
      %dma_wait3A_242 = arith.constant 0 : i32
      %dma_wait3A_243 = tpu.memref_slice %arg2[%dma_wait3A_241, %dma_wait3A_242] : memref<10000x64xbf16, #tpu.memory_space<hbm>> -> memref<10000x64xbf16, #tpu.memory_space<hbm>>
      tpu.wait_indirect_dma semaphore(%arg13 : memref<!tpu.dma_semaphore, #tpu.memory_space<semaphore_mem>>) src(%dma_wait3A_243 : memref<10000x64xbf16, #tpu.memory_space<hbm>>) dst(%dma_wait3A_237 : memref<80x64xbf16, #tpu.memory_space<vmem>>)
      %ge3A_244 = arith.constant 1 : i32
      %ge3A_245 = arith.cmpi sge, %scan3A_147, %ge3A_244 : i32
      %convert_element_type3A_246 = arith.extui %ge3A_245 : i1 to i32
      %cond3A_247 = arith.constant 0 : i32
      %cond3A_248 = arith.cmpi ne, %convert_element_type3A_246, %cond3A_247 : i32
      scf.if %cond3A_248 {
        %sub3A = arith.constant 5 : i32
        %sub3A_346 = arith.subi %add3A_227, %sub3A : i32
        %dma_wait3A_347 = arith.constant 0 : i32
        %dma_wait3A_348 = arith.constant 0 : i32
        %dma_wait3A_349 = tpu.memref_slice %arg8[%rem3A_233, %dma_wait3A_347, %dma_wait3A_348] : memref<10x80x64xbf16, #tpu.memory_space<vmem>> -> memref<1x80x64xbf16, #tpu.memory_space<vmem>>
        %dma_wait3A_350 = tpu.memref_squeeze %dma_wait3A_349 : memref<1x80x64xbf16, #tpu.memory_space<vmem>> -> memref<80x64xbf16, #tpu.memory_space<vmem>>
        %dma_wait3A_351 = arith.constant 0 : i32
        %dma_wait3A_352 = tpu.memref_slice %arg7[%sub3A_346, %dma_wait3A_351] : memref<125x80xi32, #tpu.memory_space<vmem>> -> memref<1x80xi32, #tpu.memory_space<vmem>>
        %dma_wait3A_353 = tpu.memref_squeeze %dma_wait3A_352 : memref<1x80xi32, #tpu.memory_space<vmem>> -> memref<80xi32, #tpu.memory_space<vmem>>
        %dma_wait3A_354 = arith.constant 0 : i32
        %dma_wait3A_355 = arith.constant 0 : i32
        %dma_wait3A_356 = tpu.memref_slice %arg10[%dma_wait3A_354, %dma_wait3A_355] : memref<10112x64xbf16, #tpu.memory_space<vmem_shared>> -> memref<10112x64xbf16, #tpu.memory_space<vmem_shared>>
        tpu.wait_indirect_dma semaphore(%arg18 : memref<!tpu.dma_semaphore, #tpu.memory_space<semaphore_mem>>) src(%dma_wait3A_350 : memref<80x64xbf16, #tpu.memory_space<vmem>>) dst(%dma_wait3A_356 : memref<10112x64xbf16, #tpu.memory_space<vmem_shared>>)
      } else {
      }
      %add3A_249 = arith.constant 5 : i32
      %add3A_250 = arith.addi %add3A_227, %add3A_249 : i32
      %lt3A_251 = arith.constant 125 : i32
      %lt3A_252 = arith.cmpi slt, %add3A_250, %lt3A_251 : i32
      %convert_element_type3A_253 = arith.extui %lt3A_252 : i1 to i32
      %cond3A_254 = arith.constant 0 : i32
      %cond3A_255 = arith.cmpi ne, %convert_element_type3A_253, %cond3A_254 : i32
      scf.if %cond3A_255 {
        %add3A_346 = arith.constant 5 : i32
        %add3A_347 = arith.addi %add3A_227, %add3A_346 : i32
        %dma_start3A_348 = arith.constant 0 : i32
        %dma_start3A_349 = arith.constant 0 : i32
        %dma_start3A_350 = tpu.memref_slice %arg8[%rem3A_233, %dma_start3A_348, %dma_start3A_349] : memref<10x80x64xbf16, #tpu.memory_space<vmem>> -> memref<1x80x64xbf16, #tpu.memory_space<vmem>>
        %dma_start3A_351 = tpu.memref_squeeze %dma_start3A_350 : memref<1x80x64xbf16, #tpu.memory_space<vmem>> -> memref<80x64xbf16, #tpu.memory_space<vmem>>
        %dma_start3A_352 = arith.constant 0 : i32
        %dma_start3A_353 = tpu.memref_slice %arg6[%add3A_347, %dma_start3A_352] : memref<125x80xi32, #tpu.memory_space<vmem>> -> memref<1x80xi32, #tpu.memory_space<vmem>>
        %dma_start3A_354 = tpu.memref_squeeze %dma_start3A_353 : memref<1x80xi32, #tpu.memory_space<vmem>> -> memref<80xi32, #tpu.memory_space<vmem>>
        %dma_start3A_355 = arith.constant 0 : i32
        %dma_start3A_356 = arith.constant 0 : i32
        %dma_start3A_357 = tpu.memref_slice %arg2[%dma_start3A_355, %dma_start3A_356] : memref<10000x64xbf16, #tpu.memory_space<hbm>> -> memref<10000x64xbf16, #tpu.memory_space<hbm>>
        tpu.enqueue_indirect_dma source(%dma_start3A_357 : memref<10000x64xbf16, #tpu.memory_space<hbm>>) target(%dma_start3A_351 : memref<80x64xbf16, #tpu.memory_space<vmem>>) offsets(%dma_start3A_354 : memref<80xi32, #tpu.memory_space<vmem>>) semaphore(%arg13 : memref<!tpu.dma_semaphore, #tpu.memory_space<semaphore_mem>>)
      } else {
      }
      %dma_start3A_256 = arith.constant 0 : i32
      %dma_start3A_257 = arith.constant 0 : i32
      %dma_start3A_258 = tpu.memref_slice %arg8[%rem3A_229, %dma_start3A_256, %dma_start3A_257] : memref<10x80x64xbf16, #tpu.memory_space<vmem>> -> memref<1x80x64xbf16, #tpu.memory_space<vmem>>
      %dma_start3A_259 = tpu.memref_squeeze %dma_start3A_258 : memref<1x80x64xbf16, #tpu.memory_space<vmem>> -> memref<80x64xbf16, #tpu.memory_space<vmem>>
      %dma_start3A_260 = arith.constant 0 : i32
      %dma_start3A_261 = tpu.memref_slice %arg7[%add3A_227, %dma_start3A_260] : memref<125x80xi32, #tpu.memory_space<vmem>> -> memref<1x80xi32, #tpu.memory_space<vmem>>
      %dma_start3A_262 = tpu.memref_squeeze %dma_start3A_261 : memref<1x80xi32, #tpu.memory_space<vmem>> -> memref<80xi32, #tpu.memory_space<vmem>>
      %dma_start3A_263 = arith.constant 0 : i32
      %dma_start3A_264 = arith.constant 0 : i32
      %dma_start3A_265 = tpu.memref_slice %arg10[%dma_start3A_263, %dma_start3A_264] : memref<10112x64xbf16, #tpu.memory_space<vmem_shared>> -> memref<10112x64xbf16, #tpu.memory_space<vmem_shared>>
      tpu.enqueue_indirect_dma source(%dma_start3A_259 : memref<80x64xbf16, #tpu.memory_space<vmem>>) target(%dma_start3A_265 : memref<10112x64xbf16, #tpu.memory_space<vmem_shared>>) offsets(%dma_start3A_262 : memref<80xi32, #tpu.memory_space<vmem>>) semaphore(%arg18 : memref<!tpu.dma_semaphore, #tpu.memory_space<semaphore_mem>>) {add = true}
      %add3A_266 = arith.constant 3 : i32
      %add3A_267 = arith.addi %mul3A_149, %add3A_266 : i32
      %rem3A_268 = arith.constant 10 : i32
      %rem3A_269 = arith.remsi %add3A_267, %rem3A_268 : i32
      %add3A_270 = arith.constant 5 : i32
      %add3A_271 = arith.addi %add3A_267, %add3A_270 : i32
      %rem3A_272 = arith.constant 10 : i32
      %rem3A_273 = arith.remsi %add3A_271, %rem3A_272 : i32
      %dma_wait3A_274 = arith.constant 0 : i32
      %dma_wait3A_275 = arith.constant 0 : i32
      %dma_wait3A_276 = tpu.memref_slice %arg8[%rem3A_269, %dma_wait3A_274, %dma_wait3A_275] : memref<10x80x64xbf16, #tpu.memory_space<vmem>> -> memref<1x80x64xbf16, #tpu.memory_space<vmem>>
      %dma_wait3A_277 = tpu.memref_squeeze %dma_wait3A_276 : memref<1x80x64xbf16, #tpu.memory_space<vmem>> -> memref<80x64xbf16, #tpu.memory_space<vmem>>
      %dma_wait3A_278 = arith.constant 0 : i32
      %dma_wait3A_279 = tpu.memref_slice %arg6[%add3A_267, %dma_wait3A_278] : memref<125x80xi32, #tpu.memory_space<vmem>> -> memref<1x80xi32, #tpu.memory_space<vmem>>
      %dma_wait3A_280 = tpu.memref_squeeze %dma_wait3A_279 : memref<1x80xi32, #tpu.memory_space<vmem>> -> memref<80xi32, #tpu.memory_space<vmem>>
      %dma_wait3A_281 = arith.constant 0 : i32
      %dma_wait3A_282 = arith.constant 0 : i32
      %dma_wait3A_283 = tpu.memref_slice %arg2[%dma_wait3A_281, %dma_wait3A_282] : memref<10000x64xbf16, #tpu.memory_space<hbm>> -> memref<10000x64xbf16, #tpu.memory_space<hbm>>
      tpu.wait_indirect_dma semaphore(%arg14 : memref<!tpu.dma_semaphore, #tpu.memory_space<semaphore_mem>>) src(%dma_wait3A_283 : memref<10000x64xbf16, #tpu.memory_space<hbm>>) dst(%dma_wait3A_277 : memref<80x64xbf16, #tpu.memory_space<vmem>>)
      %ge3A_284 = arith.constant 1 : i32
      %ge3A_285 = arith.cmpi sge, %scan3A_147, %ge3A_284 : i32
      %convert_element_type3A_286 = arith.extui %ge3A_285 : i1 to i32
      %cond3A_287 = arith.constant 0 : i32
      %cond3A_288 = arith.cmpi ne, %convert_element_type3A_286, %cond3A_287 : i32
      scf.if %cond3A_288 {
        %sub3A = arith.constant 5 : i32
        %sub3A_346 = arith.subi %add3A_267, %sub3A : i32
        %dma_wait3A_347 = arith.constant 0 : i32
        %dma_wait3A_348 = arith.constant 0 : i32
        %dma_wait3A_349 = tpu.memref_slice %arg8[%rem3A_273, %dma_wait3A_347, %dma_wait3A_348] : memref<10x80x64xbf16, #tpu.memory_space<vmem>> -> memref<1x80x64xbf16, #tpu.memory_space<vmem>>
        %dma_wait3A_350 = tpu.memref_squeeze %dma_wait3A_349 : memref<1x80x64xbf16, #tpu.memory_space<vmem>> -> memref<80x64xbf16, #tpu.memory_space<vmem>>
        %dma_wait3A_351 = arith.constant 0 : i32
        %dma_wait3A_352 = tpu.memref_slice %arg7[%sub3A_346, %dma_wait3A_351] : memref<125x80xi32, #tpu.memory_space<vmem>> -> memref<1x80xi32, #tpu.memory_space<vmem>>
        %dma_wait3A_353 = tpu.memref_squeeze %dma_wait3A_352 : memref<1x80xi32, #tpu.memory_space<vmem>> -> memref<80xi32, #tpu.memory_space<vmem>>
        %dma_wait3A_354 = arith.constant 0 : i32
        %dma_wait3A_355 = arith.constant 0 : i32
        %dma_wait3A_356 = tpu.memref_slice %arg10[%dma_wait3A_354, %dma_wait3A_355] : memref<10112x64xbf16, #tpu.memory_space<vmem_shared>> -> memref<10112x64xbf16, #tpu.memory_space<vmem_shared>>
        tpu.wait_indirect_dma semaphore(%arg19 : memref<!tpu.dma_semaphore, #tpu.memory_space<semaphore_mem>>) src(%dma_wait3A_350 : memref<80x64xbf16, #tpu.memory_space<vmem>>) dst(%dma_wait3A_356 : memref<10112x64xbf16, #tpu.memory_space<vmem_shared>>)
      } else {
      }
      %add3A_289 = arith.constant 5 : i32
      %add3A_290 = arith.addi %add3A_267, %add3A_289 : i32
      %lt3A_291 = arith.constant 125 : i32
      %lt3A_292 = arith.cmpi slt, %add3A_290, %lt3A_291 : i32
      %convert_element_type3A_293 = arith.extui %lt3A_292 : i1 to i32
      %cond3A_294 = arith.constant 0 : i32
      %cond3A_295 = arith.cmpi ne, %convert_element_type3A_293, %cond3A_294 : i32
      scf.if %cond3A_295 {
        %add3A_346 = arith.constant 5 : i32
        %add3A_347 = arith.addi %add3A_267, %add3A_346 : i32
        %dma_start3A_348 = arith.constant 0 : i32
        %dma_start3A_349 = arith.constant 0 : i32
        %dma_start3A_350 = tpu.memref_slice %arg8[%rem3A_273, %dma_start3A_348, %dma_start3A_349] : memref<10x80x64xbf16, #tpu.memory_space<vmem>> -> memref<1x80x64xbf16, #tpu.memory_space<vmem>>
        %dma_start3A_351 = tpu.memref_squeeze %dma_start3A_350 : memref<1x80x64xbf16, #tpu.memory_space<vmem>> -> memref<80x64xbf16, #tpu.memory_space<vmem>>
        %dma_start3A_352 = arith.constant 0 : i32
        %dma_start3A_353 = tpu.memref_slice %arg6[%add3A_347, %dma_start3A_352] : memref<125x80xi32, #tpu.memory_space<vmem>> -> memref<1x80xi32, #tpu.memory_space<vmem>>
        %dma_start3A_354 = tpu.memref_squeeze %dma_start3A_353 : memref<1x80xi32, #tpu.memory_space<vmem>> -> memref<80xi32, #tpu.memory_space<vmem>>
        %dma_start3A_355 = arith.constant 0 : i32
        %dma_start3A_356 = arith.constant 0 : i32
        %dma_start3A_357 = tpu.memref_slice %arg2[%dma_start3A_355, %dma_start3A_356] : memref<10000x64xbf16, #tpu.memory_space<hbm>> -> memref<10000x64xbf16, #tpu.memory_space<hbm>>
        tpu.enqueue_indirect_dma source(%dma_start3A_357 : memref<10000x64xbf16, #tpu.memory_space<hbm>>) target(%dma_start3A_351 : memref<80x64xbf16, #tpu.memory_space<vmem>>) offsets(%dma_start3A_354 : memref<80xi32, #tpu.memory_space<vmem>>) semaphore(%arg14 : memref<!tpu.dma_semaphore, #tpu.memory_space<semaphore_mem>>)
      } else {
      }
      %dma_start3A_296 = arith.constant 0 : i32
      %dma_start3A_297 = arith.constant 0 : i32
      %dma_start3A_298 = tpu.memref_slice %arg8[%rem3A_269, %dma_start3A_296, %dma_start3A_297] : memref<10x80x64xbf16, #tpu.memory_space<vmem>> -> memref<1x80x64xbf16, #tpu.memory_space<vmem>>
      %dma_start3A_299 = tpu.memref_squeeze %dma_start3A_298 : memref<1x80x64xbf16, #tpu.memory_space<vmem>> -> memref<80x64xbf16, #tpu.memory_space<vmem>>
      %dma_start3A_300 = arith.constant 0 : i32
      %dma_start3A_301 = tpu.memref_slice %arg7[%add3A_267, %dma_start3A_300] : memref<125x80xi32, #tpu.memory_space<vmem>> -> memref<1x80xi32, #tpu.memory_space<vmem>>
      %dma_start3A_302 = tpu.memref_squeeze %dma_start3A_301 : memref<1x80xi32, #tpu.memory_space<vmem>> -> memref<80xi32, #tpu.memory_space<vmem>>
      %dma_start3A_303 = arith.constant 0 : i32
      %dma_start3A_304 = arith.constant 0 : i32
      %dma_start3A_305 = tpu.memref_slice %arg10[%dma_start3A_303, %dma_start3A_304] : memref<10112x64xbf16, #tpu.memory_space<vmem_shared>> -> memref<10112x64xbf16, #tpu.memory_space<vmem_shared>>
      tpu.enqueue_indirect_dma source(%dma_start3A_299 : memref<80x64xbf16, #tpu.memory_space<vmem>>) target(%dma_start3A_305 : memref<10112x64xbf16, #tpu.memory_space<vmem_shared>>) offsets(%dma_start3A_302 : memref<80xi32, #tpu.memory_space<vmem>>) semaphore(%arg19 : memref<!tpu.dma_semaphore, #tpu.memory_space<semaphore_mem>>) {add = true}
      %add3A_306 = arith.constant 4 : i32
      %add3A_307 = arith.addi %mul3A_149, %add3A_306 : i32
      %rem3A_308 = arith.constant 10 : i32
      %rem3A_309 = arith.remsi %add3A_307, %rem3A_308 : i32
      %add3A_310 = arith.constant 5 : i32
      %add3A_311 = arith.addi %add3A_307, %add3A_310 : i32
      %rem3A_312 = arith.constant 10 : i32
      %rem3A_313 = arith.remsi %add3A_311, %rem3A_312 : i32
      %dma_wait3A_314 = arith.constant 0 : i32
      %dma_wait3A_315 = arith.constant 0 : i32
      %dma_wait3A_316 = tpu.memref_slice %arg8[%rem3A_309, %dma_wait3A_314, %dma_wait3A_315] : memref<10x80x64xbf16, #tpu.memory_space<vmem>> -> memref<1x80x64xbf16, #tpu.memory_space<vmem>>
      %dma_wait3A_317 = tpu.memref_squeeze %dma_wait3A_316 : memref<1x80x64xbf16, #tpu.memory_space<vmem>> -> memref<80x64xbf16, #tpu.memory_space<vmem>>
      %dma_wait3A_318 = arith.constant 0 : i32
      %dma_wait3A_319 = tpu.memref_slice %arg6[%add3A_307, %dma_wait3A_318] : memref<125x80xi32, #tpu.memory_space<vmem>> -> memref<1x80xi32, #tpu.memory_space<vmem>>
      %dma_wait3A_320 = tpu.memref_squeeze %dma_wait3A_319 : memref<1x80xi32, #tpu.memory_space<vmem>> -> memref<80xi32, #tpu.memory_space<vmem>>
      %dma_wait3A_321 = arith.constant 0 : i32
      %dma_wait3A_322 = arith.constant 0 : i32
      %dma_wait3A_323 = tpu.memref_slice %arg2[%dma_wait3A_321, %dma_wait3A_322] : memref<10000x64xbf16, #tpu.memory_space<hbm>> -> memref<10000x64xbf16, #tpu.memory_space<hbm>>
      tpu.wait_indirect_dma semaphore(%arg15 : memref<!tpu.dma_semaphore, #tpu.memory_space<semaphore_mem>>) src(%dma_wait3A_323 : memref<10000x64xbf16, #tpu.memory_space<hbm>>) dst(%dma_wait3A_317 : memref<80x64xbf16, #tpu.memory_space<vmem>>)
      %ge3A_324 = arith.constant 1 : i32
      %ge3A_325 = arith.cmpi sge, %scan3A_147, %ge3A_324 : i32
      %convert_element_type3A_326 = arith.extui %ge3A_325 : i1 to i32
      %cond3A_327 = arith.constant 0 : i32
      %cond3A_328 = arith.cmpi ne, %convert_element_type3A_326, %cond3A_327 : i32
      scf.if %cond3A_328 {
        %sub3A = arith.constant 5 : i32
        %sub3A_346 = arith.subi %add3A_307, %sub3A : i32
        %dma_wait3A_347 = arith.constant 0 : i32
        %dma_wait3A_348 = arith.constant 0 : i32
        %dma_wait3A_349 = tpu.memref_slice %arg8[%rem3A_313, %dma_wait3A_347, %dma_wait3A_348] : memref<10x80x64xbf16, #tpu.memory_space<vmem>> -> memref<1x80x64xbf16, #tpu.memory_space<vmem>>
        %dma_wait3A_350 = tpu.memref_squeeze %dma_wait3A_349 : memref<1x80x64xbf16, #tpu.memory_space<vmem>> -> memref<80x64xbf16, #tpu.memory_space<vmem>>
        %dma_wait3A_351 = arith.constant 0 : i32
        %dma_wait3A_352 = tpu.memref_slice %arg7[%sub3A_346, %dma_wait3A_351] : memref<125x80xi32, #tpu.memory_space<vmem>> -> memref<1x80xi32, #tpu.memory_space<vmem>>
        %dma_wait3A_353 = tpu.memref_squeeze %dma_wait3A_352 : memref<1x80xi32, #tpu.memory_space<vmem>> -> memref<80xi32, #tpu.memory_space<vmem>>
        %dma_wait3A_354 = arith.constant 0 : i32
        %dma_wait3A_355 = arith.constant 0 : i32
        %dma_wait3A_356 = tpu.memref_slice %arg10[%dma_wait3A_354, %dma_wait3A_355] : memref<10112x64xbf16, #tpu.memory_space<vmem_shared>> -> memref<10112x64xbf16, #tpu.memory_space<vmem_shared>>
        tpu.wait_indirect_dma semaphore(%arg20 : memref<!tpu.dma_semaphore, #tpu.memory_space<semaphore_mem>>) src(%dma_wait3A_350 : memref<80x64xbf16, #tpu.memory_space<vmem>>) dst(%dma_wait3A_356 : memref<10112x64xbf16, #tpu.memory_space<vmem_shared>>)
      } else {
      }
      %add3A_329 = arith.constant 5 : i32
      %add3A_330 = arith.addi %add3A_307, %add3A_329 : i32
      %lt3A_331 = arith.constant 125 : i32
      %lt3A_332 = arith.cmpi slt, %add3A_330, %lt3A_331 : i32
      %convert_element_type3A_333 = arith.extui %lt3A_332 : i1 to i32
      %cond3A_334 = arith.constant 0 : i32
      %cond3A_335 = arith.cmpi ne, %convert_element_type3A_333, %cond3A_334 : i32
      scf.if %cond3A_335 {
        %add3A_346 = arith.constant 5 : i32
        %add3A_347 = arith.addi %add3A_307, %add3A_346 : i32
        %dma_start3A_348 = arith.constant 0 : i32
        %dma_start3A_349 = arith.constant 0 : i32
        %dma_start3A_350 = tpu.memref_slice %arg8[%rem3A_313, %dma_start3A_348, %dma_start3A_349] : memref<10x80x64xbf16, #tpu.memory_space<vmem>> -> memref<1x80x64xbf16, #tpu.memory_space<vmem>>
        %dma_start3A_351 = tpu.memref_squeeze %dma_start3A_350 : memref<1x80x64xbf16, #tpu.memory_space<vmem>> -> memref<80x64xbf16, #tpu.memory_space<vmem>>
        %dma_start3A_352 = arith.constant 0 : i32
        %dma_start3A_353 = tpu.memref_slice %arg6[%add3A_347, %dma_start3A_352] : memref<125x80xi32, #tpu.memory_space<vmem>> -> memref<1x80xi32, #tpu.memory_space<vmem>>
        %dma_start3A_354 = tpu.memref_squeeze %dma_start3A_353 : memref<1x80xi32, #tpu.memory_space<vmem>> -> memref<80xi32, #tpu.memory_space<vmem>>
        %dma_start3A_355 = arith.constant 0 : i32
        %dma_start3A_356 = arith.constant 0 : i32
        %dma_start3A_357 = tpu.memref_slice %arg2[%dma_start3A_355, %dma_start3A_356] : memref<10000x64xbf16, #tpu.memory_space<hbm>> -> memref<10000x64xbf16, #tpu.memory_space<hbm>>
        tpu.enqueue_indirect_dma source(%dma_start3A_357 : memref<10000x64xbf16, #tpu.memory_space<hbm>>) target(%dma_start3A_351 : memref<80x64xbf16, #tpu.memory_space<vmem>>) offsets(%dma_start3A_354 : memref<80xi32, #tpu.memory_space<vmem>>) semaphore(%arg15 : memref<!tpu.dma_semaphore, #tpu.memory_space<semaphore_mem>>)
      } else {
      }
      %dma_start3A_336 = arith.constant 0 : i32
      %dma_start3A_337 = arith.constant 0 : i32
      %dma_start3A_338 = tpu.memref_slice %arg8[%rem3A_309, %dma_start3A_336, %dma_start3A_337] : memref<10x80x64xbf16, #tpu.memory_space<vmem>> -> memref<1x80x64xbf16, #tpu.memory_space<vmem>>
      %dma_start3A_339 = tpu.memref_squeeze %dma_start3A_338 : memref<1x80x64xbf16, #tpu.memory_space<vmem>> -> memref<80x64xbf16, #tpu.memory_space<vmem>>
      %dma_start3A_340 = arith.constant 0 : i32
      %dma_start3A_341 = tpu.memref_slice %arg7[%add3A_307, %dma_start3A_340] : memref<125x80xi32, #tpu.memory_space<vmem>> -> memref<1x80xi32, #tpu.memory_space<vmem>>
      %dma_start3A_342 = tpu.memref_squeeze %dma_start3A_341 : memref<1x80xi32, #tpu.memory_space<vmem>> -> memref<80xi32, #tpu.memory_space<vmem>>
      %dma_start3A_343 = arith.constant 0 : i32
      %dma_start3A_344 = arith.constant 0 : i32
      %dma_start3A_345 = tpu.memref_slice %arg10[%dma_start3A_343, %dma_start3A_344] : memref<10112x64xbf16, #tpu.memory_space<vmem_shared>> -> memref<10112x64xbf16, #tpu.memory_space<vmem_shared>>
      tpu.enqueue_indirect_dma source(%dma_start3A_339 : memref<80x64xbf16, #tpu.memory_space<vmem>>) target(%dma_start3A_345 : memref<10112x64xbf16, #tpu.memory_space<vmem_shared>>) offsets(%dma_start3A_342 : memref<80xi32, #tpu.memory_space<vmem>>) semaphore(%arg20 : memref<!tpu.dma_semaphore, #tpu.memory_space<semaphore_mem>>) {add = true}
    }
    %scan3A_73 = arith.constant 25 : i32
    %rem3A = arith.constant 120 : i32
    %rem3A_74 = arith.constant 10 : i32
    %rem3A_75 = arith.remsi %rem3A, %rem3A_74 : i32
    %dma_wait3A = arith.constant 120 : i32
    %dma_wait3A_76 = arith.constant 0 : i32
    %dma_wait3A_77 = arith.constant 0 : i32
    %dma_wait3A_78 = tpu.memref_slice %arg8[%rem3A_75, %dma_wait3A_76, %dma_wait3A_77] : memref<10x80x64xbf16, #tpu.memory_space<vmem>> -> memref<1x80x64xbf16, #tpu.memory_space<vmem>>
    %dma_wait3A_79 = tpu.memref_squeeze %dma_wait3A_78 : memref<1x80x64xbf16, #tpu.memory_space<vmem>> -> memref<80x64xbf16, #tpu.memory_space<vmem>>
    %dma_wait3A_80 = arith.constant 0 : i32
    %dma_wait3A_81 = tpu.memref_slice %arg7[%dma_wait3A, %dma_wait3A_80] : memref<125x80xi32, #tpu.memory_space<vmem>> -> memref<1x80xi32, #tpu.memory_space<vmem>>
    %dma_wait3A_82 = tpu.memref_squeeze %dma_wait3A_81 : memref<1x80xi32, #tpu.memory_space<vmem>> -> memref<80xi32, #tpu.memory_space<vmem>>
    %dma_wait3A_83 = arith.constant 0 : i32
    %dma_wait3A_84 = arith.constant 0 : i32
    %dma_wait3A_85 = tpu.memref_slice %arg10[%dma_wait3A_83, %dma_wait3A_84] : memref<10112x64xbf16, #tpu.memory_space<vmem_shared>> -> memref<10112x64xbf16, #tpu.memory_space<vmem_shared>>
    tpu.wait_indirect_dma semaphore(%arg16 : memref<!tpu.dma_semaphore, #tpu.memory_space<semaphore_mem>>) src(%dma_wait3A_79 : memref<80x64xbf16, #tpu.memory_space<vmem>>) dst(%dma_wait3A_85 : memref<10112x64xbf16, #tpu.memory_space<vmem_shared>>)
    %rem3A_86 = arith.constant 121 : i32
    %rem3A_87 = arith.constant 10 : i32
    %rem3A_88 = arith.remsi %rem3A_86, %rem3A_87 : i32
    %dma_wait3A_89 = arith.constant 121 : i32
    %dma_wait3A_90 = arith.constant 0 : i32
    %dma_wait3A_91 = arith.constant 0 : i32
    %dma_wait3A_92 = tpu.memref_slice %arg8[%rem3A_88, %dma_wait3A_90, %dma_wait3A_91] : memref<10x80x64xbf16, #tpu.memory_space<vmem>> -> memref<1x80x64xbf16, #tpu.memory_space<vmem>>
    %dma_wait3A_93 = tpu.memref_squeeze %dma_wait3A_92 : memref<1x80x64xbf16, #tpu.memory_space<vmem>> -> memref<80x64xbf16, #tpu.memory_space<vmem>>
    %dma_wait3A_94 = arith.constant 0 : i32
    %dma_wait3A_95 = tpu.memref_slice %arg7[%dma_wait3A_89, %dma_wait3A_94] : memref<125x80xi32, #tpu.memory_space<vmem>> -> memref<1x80xi32, #tpu.memory_space<vmem>>
    %dma_wait3A_96 = tpu.memref_squeeze %dma_wait3A_95 : memref<1x80xi32, #tpu.memory_space<vmem>> -> memref<80xi32, #tpu.memory_space<vmem>>
    %dma_wait3A_97 = arith.constant 0 : i32
    %dma_wait3A_98 = arith.constant 0 : i32
    %dma_wait3A_99 = tpu.memref_slice %arg10[%dma_wait3A_97, %dma_wait3A_98] : memref<10112x64xbf16, #tpu.memory_space<vmem_shared>> -> memref<10112x64xbf16, #tpu.memory_space<vmem_shared>>
    tpu.wait_indirect_dma semaphore(%arg17 : memref<!tpu.dma_semaphore, #tpu.memory_space<semaphore_mem>>) src(%dma_wait3A_93 : memref<80x64xbf16, #tpu.memory_space<vmem>>) dst(%dma_wait3A_99 : memref<10112x64xbf16, #tpu.memory_space<vmem_shared>>)
    %rem3A_100 = arith.constant 122 : i32
    %rem3A_101 = arith.constant 10 : i32
    %rem3A_102 = arith.remsi %rem3A_100, %rem3A_101 : i32
    %dma_wait3A_103 = arith.constant 122 : i32
    %dma_wait3A_104 = arith.constant 0 : i32
    %dma_wait3A_105 = arith.constant 0 : i32
    %dma_wait3A_106 = tpu.memref_slice %arg8[%rem3A_102, %dma_wait3A_104, %dma_wait3A_105] : memref<10x80x64xbf16, #tpu.memory_space<vmem>> -> memref<1x80x64xbf16, #tpu.memory_space<vmem>>
    %dma_wait3A_107 = tpu.memref_squeeze %dma_wait3A_106 : memref<1x80x64xbf16, #tpu.memory_space<vmem>> -> memref<80x64xbf16, #tpu.memory_space<vmem>>
    %dma_wait3A_108 = arith.constant 0 : i32
    %dma_wait3A_109 = tpu.memref_slice %arg7[%dma_wait3A_103, %dma_wait3A_108] : memref<125x80xi32, #tpu.memory_space<vmem>> -> memref<1x80xi32, #tpu.memory_space<vmem>>
    %dma_wait3A_110 = tpu.memref_squeeze %dma_wait3A_109 : memref<1x80xi32, #tpu.memory_space<vmem>> -> memref<80xi32, #tpu.memory_space<vmem>>
    %dma_wait3A_111 = arith.constant 0 : i32
    %dma_wait3A_112 = arith.constant 0 : i32
    %dma_wait3A_113 = tpu.memref_slice %arg10[%dma_wait3A_111, %dma_wait3A_112] : memref<10112x64xbf16, #tpu.memory_space<vmem_shared>> -> memref<10112x64xbf16, #tpu.memory_space<vmem_shared>>
    tpu.wait_indirect_dma semaphore(%arg18 : memref<!tpu.dma_semaphore, #tpu.memory_space<semaphore_mem>>) src(%dma_wait3A_107 : memref<80x64xbf16, #tpu.memory_space<vmem>>) dst(%dma_wait3A_113 : memref<10112x64xbf16, #tpu.memory_space<vmem_shared>>)
    %rem3A_114 = arith.constant 123 : i32
    %rem3A_115 = arith.constant 10 : i32
    %rem3A_116 = arith.remsi %rem3A_114, %rem3A_115 : i32
    %dma_wait3A_117 = arith.constant 123 : i32
    %dma_wait3A_118 = arith.constant 0 : i32
    %dma_wait3A_119 = arith.constant 0 : i32
    %dma_wait3A_120 = tpu.memref_slice %arg8[%rem3A_116, %dma_wait3A_118, %dma_wait3A_119] : memref<10x80x64xbf16, #tpu.memory_space<vmem>> -> memref<1x80x64xbf16, #tpu.memory_space<vmem>>
    %dma_wait3A_121 = tpu.memref_squeeze %dma_wait3A_120 : memref<1x80x64xbf16, #tpu.memory_space<vmem>> -> memref<80x64xbf16, #tpu.memory_space<vmem>>
    %dma_wait3A_122 = arith.constant 0 : i32
    %dma_wait3A_123 = tpu.memref_slice %arg7[%dma_wait3A_117, %dma_wait3A_122] : memref<125x80xi32, #tpu.memory_space<vmem>> -> memref<1x80xi32, #tpu.memory_space<vmem>>
    %dma_wait3A_124 = tpu.memref_squeeze %dma_wait3A_123 : memref<1x80xi32, #tpu.memory_space<vmem>> -> memref<80xi32, #tpu.memory_space<vmem>>
    %dma_wait3A_125 = arith.constant 0 : i32
    %dma_wait3A_126 = arith.constant 0 : i32
    %dma_wait3A_127 = tpu.memref_slice %arg10[%dma_wait3A_125, %dma_wait3A_126] : memref<10112x64xbf16, #tpu.memory_space<vmem_shared>> -> memref<10112x64xbf16, #tpu.memory_space<vmem_shared>>
    tpu.wait_indirect_dma semaphore(%arg19 : memref<!tpu.dma_semaphore, #tpu.memory_space<semaphore_mem>>) src(%dma_wait3A_121 : memref<80x64xbf16, #tpu.memory_space<vmem>>) dst(%dma_wait3A_127 : memref<10112x64xbf16, #tpu.memory_space<vmem_shared>>)
    %rem3A_128 = arith.constant 124 : i32
    %rem3A_129 = arith.constant 10 : i32
    %rem3A_130 = arith.remsi %rem3A_128, %rem3A_129 : i32
    %dma_wait3A_131 = arith.constant 124 : i32
    %dma_wait3A_132 = arith.constant 0 : i32
    %dma_wait3A_133 = arith.constant 0 : i32
    %dma_wait3A_134 = tpu.memref_slice %arg8[%rem3A_130, %dma_wait3A_132, %dma_wait3A_133] : memref<10x80x64xbf16, #tpu.memory_space<vmem>> -> memref<1x80x64xbf16, #tpu.memory_space<vmem>>
    %dma_wait3A_135 = tpu.memref_squeeze %dma_wait3A_134 : memref<1x80x64xbf16, #tpu.memory_space<vmem>> -> memref<80x64xbf16, #tpu.memory_space<vmem>>
    %dma_wait3A_136 = arith.constant 0 : i32
    %dma_wait3A_137 = tpu.memref_slice %arg7[%dma_wait3A_131, %dma_wait3A_136] : memref<125x80xi32, #tpu.memory_space<vmem>> -> memref<1x80xi32, #tpu.memory_space<vmem>>
    %dma_wait3A_138 = tpu.memref_squeeze %dma_wait3A_137 : memref<1x80xi32, #tpu.memory_space<vmem>> -> memref<80xi32, #tpu.memory_space<vmem>>
    %dma_wait3A_139 = arith.constant 0 : i32
    %dma_wait3A_140 = arith.constant 0 : i32
    %dma_wait3A_141 = tpu.memref_slice %arg10[%dma_wait3A_139, %dma_wait3A_140] : memref<10112x64xbf16, #tpu.memory_space<vmem_shared>> -> memref<10112x64xbf16, #tpu.memory_space<vmem_shared>>
    tpu.wait_indirect_dma semaphore(%arg20 : memref<!tpu.dma_semaphore, #tpu.memory_space<semaphore_mem>>) src(%dma_wait3A_135 : memref<80x64xbf16, #tpu.memory_space<vmem>>) dst(%dma_wait3A_141 : memref<10112x64xbf16, #tpu.memory_space<vmem_shared>>)
    %barrier3A_142 = arith.constant 0 : index
    tpu.barrier barrier_id(%barrier3A_142)
    %mul3A_143 = arith.constant 632 : i32
    %mul3A_144 = arith.muli %arg1, %mul3A_143 : i32
    %mul3A_145 = arith.constant 632 : i32
    %mul3A_146 = arith.muli %arg1, %mul3A_145 : i32
    "tpu.region"() ({
      %run_scoped3A = tpu.sem_alloc : memref<!tpu.dma_semaphore, #tpu.memory_space<semaphore_mem>>
      %dma_start3A_147 = arith.constant 0 : i32
      %dma_start3A_148 = tpu.memref_slice %arg5[%arg0, %mul3A_146, %dma_start3A_147] : memref<2x10112x64xbf16, #tpu.memory_space<hbm>> -> memref<1x632x64xbf16, #tpu.memory_space<hbm>>
      %dma_start3A_149 = tpu.memref_squeeze %dma_start3A_148 : memref<1x632x64xbf16, #tpu.memory_space<hbm>> -> memref<632x64xbf16, #tpu.memory_space<hbm>>
      %dma_start3A_150 = arith.constant 0 : i32
      %dma_start3A_151 = tpu.memref_slice %arg10[%mul3A_144, %dma_start3A_150] : memref<10112x64xbf16, #tpu.memory_space<vmem_shared>> -> memref<632x64xbf16, #tpu.memory_space<vmem_shared>>
      tpu.enqueue_dma source(%dma_start3A_151 : memref<632x64xbf16, #tpu.memory_space<vmem_shared>>) target(%dma_start3A_149 : memref<632x64xbf16, #tpu.memory_space<hbm>>) target_semaphore(%run_scoped3A : memref<!tpu.dma_semaphore, #tpu.memory_space<semaphore_mem>>)
      %dma_wait3A_152 = arith.constant 0 : i32
      %dma_wait3A_153 = tpu.memref_slice %arg5[%arg0, %mul3A_146, %dma_wait3A_152] : memref<2x10112x64xbf16, #tpu.memory_space<hbm>> -> memref<1x632x64xbf16, #tpu.memory_space<hbm>>
      %dma_wait3A_154 = tpu.memref_squeeze %dma_wait3A_153 : memref<1x632x64xbf16, #tpu.memory_space<hbm>> -> memref<632x64xbf16, #tpu.memory_space<hbm>>
      %dma_wait3A_155 = arith.constant 0 : i32
      %dma_wait3A_156 = tpu.memref_slice %arg10[%mul3A_144, %dma_wait3A_155] : memref<10112x64xbf16, #tpu.memory_space<vmem_shared>> -> memref<632x64xbf16, #tpu.memory_space<vmem_shared>>
      tpu.wait_dma2 semaphore(%run_scoped3A : memref<!tpu.dma_semaphore, #tpu.memory_space<semaphore_mem>>) src(%dma_wait3A_156 : memref<632x64xbf16, #tpu.memory_space<vmem_shared>>) dst(%dma_wait3A_154 : memref<632x64xbf16, #tpu.memory_space<hbm>>)
      tpu.yield
    }) : () -> ()
    return
  }
}

module attributes {stable_mosaic.version = 14 : i64} {
  func.func @body(%arg0: memref<2x10112x16xf32, #tpu.memory_space<vmem>>, %arg1: memref<10000x128xf32, #tpu.memory_space<vmem>>, %arg2: memref<128x32xf32, #tpu.memory_space<vmem>>, %arg3: memref<1x32xf32, #tpu.memory_space<vmem>>, %arg4: memref<10000x32xbf16, #tpu.memory_space<vmem>>, %arg5: memref<10000x1xf32, #tpu.memory_space<vmem>>) attributes {dimension_semantics = [], scalar_prefetch = 0 : i64, scratch_operands = 0 : i64, tpu.core_type = #tpu.core_type<tc>} {
    %get3A = arith.constant 0 : index
    %get3A_0 = arith.constant 0 : index
    %get3A_1 = arith.constant 0 : index
    %get3A_2 = vector.load %arg0[%get3A, %get3A_0, %get3A_1] : memref<2x10112x16xf32, #tpu.memory_space<vmem>>, vector<1x10000x1xf32>
    %get3A_3 = vector.shape_cast %get3A_2 : vector<1x10000x1xf32> to vector<10000x1xf32>
    %add3A = arith.constant 1.000000e+00 : f32
    %add3A_4 = vector.broadcast %add3A : f32 to vector<10000x1xf32>
    %add3A_5 = arith.addf %add3A_4, %get3A_3 : vector<10000x1xf32>
    %get3A_6 = arith.constant 1 : index
    %get3A_7 = arith.constant 0 : index
    %get3A_8 = arith.constant 0 : index
    %get3A_9 = vector.load %arg0[%get3A_6, %get3A_7, %get3A_8] : memref<2x10112x16xf32, #tpu.memory_space<vmem>>, vector<1x10000x1xf32>
    %get3A_10 = vector.shape_cast %get3A_9 : vector<1x10000x1xf32> to vector<10000x1xf32>
    %add3A_11 = arith.addf %add3A_5, %get3A_10 : vector<10000x1xf32>
    %rsqrt3A = math.rsqrt %add3A_11 : vector<10000x1xf32>
    %get3A_12 = arith.constant 0 : index
    %get3A_13 = arith.constant 0 : index
    %get3A_14 = vector.load %arg1[%get3A_12, %get3A_13] : memref<10000x128xf32, #tpu.memory_space<vmem>>, vector<10000x128xf32>
    %get3A_15 = arith.constant 0 : index
    %get3A_16 = arith.constant 0 : index
    %get3A_17 = vector.load %arg2[%get3A_15, %get3A_16] : memref<128x32xf32, #tpu.memory_space<vmem>>, vector<128x32xf32>
    %dot_general3A = arith.constant dense<0.000000e+00> : vector<10000x32xf32>
    %dot_general3A_18 = tpu.matmul %get3A_14, %get3A_17, %dot_general3A {dimension_numbers = #tpu.dot_dimension_numbers<[1], [0], [0], [1], [0, 0, 1, 1], [], []>, transpose_lhs_hint = false} : vector<10000x128xf32>, vector<128x32xf32>, vector<10000x32xf32> -> vector<10000x32xf32>
    %get3A_19 = arith.constant 0 : index
    %get3A_20 = arith.constant 0 : index
    %get3A_21 = vector.load %arg3[%get3A_19, %get3A_20] : memref<1x32xf32, #tpu.memory_space<vmem>>, vector<1x32xf32>
    %add3A_22 = vector.broadcast %get3A_21 : vector<1x32xf32> to vector<10000x32xf32>
    %add3A_23 = arith.addf %dot_general3A_18, %add3A_22 : vector<10000x32xf32>
    %mul3A = vector.broadcast %rsqrt3A : vector<10000x1xf32> to vector<10000x32xf32>
    %mul3A_24 = arith.mulf %add3A_23, %mul3A : vector<10000x32xf32>
    %convert_element_type3A = arith.truncf %mul3A_24 : vector<10000x32xf32> to vector<10000x32xbf16>
    %swap3A = arith.constant 0 : index
    %swap3A_25 = arith.constant 0 : index
    %swap3A_26 = vector.load %arg4[%swap3A, %swap3A_25] : memref<10000x32xbf16, #tpu.memory_space<vmem>>, vector<10000x32xbf16>
    tpu.vector_store %arg4[%swap3A, %swap3A_25], %convert_element_type3A {strides = array<i32>} : memref<10000x32xbf16, #tpu.memory_space<vmem>>, vector<10000x32xbf16>,
    %swap3A_27 = arith.constant 0 : index
    %swap3A_28 = arith.constant 0 : index
    %swap3A_29 = vector.load %arg5[%swap3A_27, %swap3A_28] : memref<10000x1xf32, #tpu.memory_space<vmem>>, vector<10000x1xf32>
    tpu.vector_store %arg5[%swap3A_27, %swap3A_28], %rsqrt3A {strides = array<i32>} : memref<10000x1xf32, #tpu.memory_space<vmem>>, vector<10000x1xf32>,
    return
  }
}

module attributes {stable_mosaic.version = 14 : i64} {
  func.func @body(%arg0: memref<2x10112x32xbf16, #tpu.memory_space<vmem>>, %arg1: memref<10000x32xbf16, #tpu.memory_space<vmem>>, %arg2: memref<10000x1xf32, #tpu.memory_space<vmem>>, %arg3: memref<1x32xf32, #tpu.memory_space<vmem>>, %arg4: memref<1x32xf32, #tpu.memory_space<vmem>>, %arg5: memref<32x64xf32, #tpu.memory_space<vmem>>, %arg6: memref<1x64xf32, #tpu.memory_space<vmem>>, %arg7: memref<10000x64xbf16, #tpu.memory_space<vmem>>) attributes {dimension_semantics = [], scalar_prefetch = 0 : i64, scratch_operands = 0 : i64, tpu.core_type = #tpu.core_type<tc>} {
    %get3A = arith.constant 0 : index
    %get3A_0 = arith.constant 0 : index
    %get3A_1 = arith.constant 0 : index
    %get3A_2 = vector.load %arg0[%get3A, %get3A_0, %get3A_1] : memref<2x10112x32xbf16, #tpu.memory_space<vmem>>, vector<1x10000x32xbf16>
    %get3A_3 = vector.shape_cast %get3A_2 : vector<1x10000x32xbf16> to vector<10000x32xbf16>
    %convert_element_type3A = arith.extf %get3A_3 : vector<10000x32xbf16> to vector<10000x32xf32>
    %get3A_4 = arith.constant 1 : index
    %get3A_5 = arith.constant 0 : index
    %get3A_6 = arith.constant 0 : index
    %get3A_7 = vector.load %arg0[%get3A_4, %get3A_5, %get3A_6] : memref<2x10112x32xbf16, #tpu.memory_space<vmem>>, vector<1x10000x32xbf16>
    %get3A_8 = vector.shape_cast %get3A_7 : vector<1x10000x32xbf16> to vector<10000x32xbf16>
    %convert_element_type3A_9 = arith.extf %get3A_8 : vector<10000x32xbf16> to vector<10000x32xf32>
    %add3A = arith.addf %convert_element_type3A, %convert_element_type3A_9 : vector<10000x32xf32>
    %get3A_10 = arith.constant 0 : index
    %get3A_11 = arith.constant 0 : index
    %get3A_12 = vector.load %arg1[%get3A_10, %get3A_11] : memref<10000x32xbf16, #tpu.memory_space<vmem>>, vector<10000x32xbf16>
    %convert_element_type3A_13 = arith.extf %get3A_12 : vector<10000x32xbf16> to vector<10000x32xf32>
    %add3A_14 = arith.addf %add3A, %convert_element_type3A_13 : vector<10000x32xf32>
    %get3A_15 = arith.constant 0 : index
    %get3A_16 = arith.constant 0 : index
    %get3A_17 = vector.load %arg2[%get3A_15, %get3A_16] : memref<10000x1xf32, #tpu.memory_space<vmem>>, vector<10000x1xf32>
    %mul3A = vector.broadcast %get3A_17 : vector<10000x1xf32> to vector<10000x32xf32>
    %mul3A_18 = arith.mulf %add3A_14, %mul3A : vector<10000x32xf32>
    %get3A_19 = arith.constant 0 : index
    %get3A_20 = arith.constant 0 : index
    %get3A_21 = vector.load %arg3[%get3A_19, %get3A_20] : memref<1x32xf32, #tpu.memory_space<vmem>>, vector<1x32xf32>
    %mul3A_22 = arith.constant 0.999994993 : f32
    %mul3A_23 = vector.broadcast %mul3A_22 : f32 to vector<1x32xf32>
    %mul3A_24 = arith.mulf %get3A_21, %mul3A_23 : vector<1x32xf32>
    %mul3A_25 = vector.broadcast %mul3A_24 : vector<1x32xf32> to vector<10000x32xf32>
    %mul3A_26 = arith.mulf %mul3A_18, %mul3A_25 : vector<10000x32xf32>
    %get3A_27 = arith.constant 0 : index
    %get3A_28 = arith.constant 0 : index
    %get3A_29 = vector.load %arg4[%get3A_27, %get3A_28] : memref<1x32xf32, #tpu.memory_space<vmem>>, vector<1x32xf32>
    %add3A_30 = vector.broadcast %get3A_29 : vector<1x32xf32> to vector<10000x32xf32>
    %add3A_31 = arith.addf %mul3A_26, %add3A_30 : vector<10000x32xf32>
    %max3A = arith.constant 0.000000e+00 : f32
    %max3A_32 = vector.broadcast %max3A : f32 to vector<10000x32xf32>
    %max3A_33 = arith.maximumf %add3A_31, %max3A_32 : vector<10000x32xf32>
    %get3A_34 = arith.constant 0 : index
    %get3A_35 = arith.constant 0 : index
    %get3A_36 = vector.load %arg5[%get3A_34, %get3A_35] : memref<32x64xf32, #tpu.memory_space<vmem>>, vector<32x64xf32>
    %dot_general3A = arith.constant dense<0.000000e+00> : vector<10000x64xf32>
    %dot_general3A_37 = tpu.matmul %max3A_33, %get3A_36, %dot_general3A {dimension_numbers = #tpu.dot_dimension_numbers<[1], [0], [0], [1], [0, 0, 1, 1], [], []>, transpose_lhs_hint = false} : vector<10000x32xf32>, vector<32x64xf32>, vector<10000x64xf32> -> vector<10000x64xf32>
    %get3A_38 = arith.constant 0 : index
    %get3A_39 = arith.constant 0 : index
    %get3A_40 = vector.load %arg6[%get3A_38, %get3A_39] : memref<1x64xf32, #tpu.memory_space<vmem>>, vector<1x64xf32>
    %add3A_41 = vector.broadcast %get3A_40 : vector<1x64xf32> to vector<10000x64xf32>
    %add3A_42 = arith.addf %dot_general3A_37, %add3A_41 : vector<10000x64xf32>
    %get3A_43 = arith.constant 0 : index
    %get3A_44 = arith.constant 0 : index
    %get3A_45 = vector.load %arg2[%get3A_43, %get3A_44] : memref<10000x1xf32, #tpu.memory_space<vmem>>, vector<10000x1xf32>
    %mul3A_46 = vector.broadcast %get3A_45 : vector<10000x1xf32> to vector<10000x64xf32>
    %mul3A_47 = arith.mulf %add3A_42, %mul3A_46 : vector<10000x64xf32>
    %convert_element_type3A_48 = arith.truncf %mul3A_47 : vector<10000x64xf32> to vector<10000x64xbf16>
    %swap3A = arith.constant 0 : index
    %swap3A_49 = arith.constant 0 : index
    %swap3A_50 = vector.load %arg7[%swap3A, %swap3A_49] : memref<10000x64xbf16, #tpu.memory_space<vmem>>, vector<10000x64xbf16>
    tpu.vector_store %arg7[%swap3A, %swap3A_49], %convert_element_type3A_48 {strides = array<i32>} : memref<10000x64xbf16, #tpu.memory_space<vmem>>, vector<10000x64xbf16>,
    return
  }
}

module attributes {stable_mosaic.version = 14 : i64} {
  func.func @body(%arg0: memref<2x10112x64xbf16, #tpu.memory_space<vmem>>, %arg1: memref<10000x64xbf16, #tpu.memory_space<vmem>>, %arg2: memref<10000x1xf32, #tpu.memory_space<vmem>>, %arg3: memref<1x64xf32, #tpu.memory_space<vmem>>, %arg4: memref<1x64xf32, #tpu.memory_space<vmem>>, %arg5: memref<64x128xf32, #tpu.memory_space<vmem>>, %arg6: memref<1x128xf32, #tpu.memory_space<vmem>>, %arg7: memref<10000x128xf32, #tpu.memory_space<vmem>>) attributes {dimension_semantics = [], scalar_prefetch = 0 : i64, scratch_operands = 0 : i64, tpu.core_type = #tpu.core_type<tc>} {
    %get3A = arith.constant 0 : index
    %get3A_0 = arith.constant 0 : index
    %get3A_1 = arith.constant 0 : index
    %get3A_2 = vector.load %arg0[%get3A, %get3A_0, %get3A_1] : memref<2x10112x64xbf16, #tpu.memory_space<vmem>>, vector<1x10000x64xbf16>
    %get3A_3 = vector.shape_cast %get3A_2 : vector<1x10000x64xbf16> to vector<10000x64xbf16>
    %convert_element_type3A = arith.extf %get3A_3 : vector<10000x64xbf16> to vector<10000x64xf32>
    %get3A_4 = arith.constant 1 : index
    %get3A_5 = arith.constant 0 : index
    %get3A_6 = arith.constant 0 : index
    %get3A_7 = vector.load %arg0[%get3A_4, %get3A_5, %get3A_6] : memref<2x10112x64xbf16, #tpu.memory_space<vmem>>, vector<1x10000x64xbf16>
    %get3A_8 = vector.shape_cast %get3A_7 : vector<1x10000x64xbf16> to vector<10000x64xbf16>
    %convert_element_type3A_9 = arith.extf %get3A_8 : vector<10000x64xbf16> to vector<10000x64xf32>
    %add3A = arith.addf %convert_element_type3A, %convert_element_type3A_9 : vector<10000x64xf32>
    %get3A_10 = arith.constant 0 : index
    %get3A_11 = arith.constant 0 : index
    %get3A_12 = vector.load %arg1[%get3A_10, %get3A_11] : memref<10000x64xbf16, #tpu.memory_space<vmem>>, vector<10000x64xbf16>
    %convert_element_type3A_13 = arith.extf %get3A_12 : vector<10000x64xbf16> to vector<10000x64xf32>
    %add3A_14 = arith.addf %add3A, %convert_element_type3A_13 : vector<10000x64xf32>
    %get3A_15 = arith.constant 0 : index
    %get3A_16 = arith.constant 0 : index
    %get3A_17 = vector.load %arg2[%get3A_15, %get3A_16] : memref<10000x1xf32, #tpu.memory_space<vmem>>, vector<10000x1xf32>
    %mul3A = vector.broadcast %get3A_17 : vector<10000x1xf32> to vector<10000x64xf32>
    %mul3A_18 = arith.mulf %add3A_14, %mul3A : vector<10000x64xf32>
    %get3A_19 = arith.constant 0 : index
    %get3A_20 = arith.constant 0 : index
    %get3A_21 = vector.load %arg3[%get3A_19, %get3A_20] : memref<1x64xf32, #tpu.memory_space<vmem>>, vector<1x64xf32>
    %mul3A_22 = arith.constant 0.999994993 : f32
    %mul3A_23 = vector.broadcast %mul3A_22 : f32 to vector<1x64xf32>
    %mul3A_24 = arith.mulf %get3A_21, %mul3A_23 : vector<1x64xf32>
    %mul3A_25 = vector.broadcast %mul3A_24 : vector<1x64xf32> to vector<10000x64xf32>
    %mul3A_26 = arith.mulf %mul3A_18, %mul3A_25 : vector<10000x64xf32>
    %get3A_27 = arith.constant 0 : index
    %get3A_28 = arith.constant 0 : index
    %get3A_29 = vector.load %arg4[%get3A_27, %get3A_28] : memref<1x64xf32, #tpu.memory_space<vmem>>, vector<1x64xf32>
    %add3A_30 = vector.broadcast %get3A_29 : vector<1x64xf32> to vector<10000x64xf32>
    %add3A_31 = arith.addf %mul3A_26, %add3A_30 : vector<10000x64xf32>
    %max3A = arith.constant 0.000000e+00 : f32
    %max3A_32 = vector.broadcast %max3A : f32 to vector<10000x64xf32>
    %max3A_33 = arith.maximumf %add3A_31, %max3A_32 : vector<10000x64xf32>
    %get3A_34 = arith.constant 0 : index
    %get3A_35 = arith.constant 0 : index
    %get3A_36 = vector.load %arg5[%get3A_34, %get3A_35] : memref<64x128xf32, #tpu.memory_space<vmem>>, vector<64x128xf32>
    %dot_general3A = arith.constant dense<0.000000e+00> : vector<10000x128xf32>
    %dot_general3A_37 = tpu.matmul %max3A_33, %get3A_36, %dot_general3A {dimension_numbers = #tpu.dot_dimension_numbers<[1], [0], [0], [1], [0, 0, 1, 1], [], []>, transpose_lhs_hint = false} : vector<10000x64xf32>, vector<64x128xf32>, vector<10000x128xf32> -> vector<10000x128xf32>
    %get3A_38 = arith.constant 0 : index
    %get3A_39 = arith.constant 0 : index
    %get3A_40 = vector.load %arg6[%get3A_38, %get3A_39] : memref<1x128xf32, #tpu.memory_space<vmem>>, vector<1x128xf32>
    %add3A_41 = vector.broadcast %get3A_40 : vector<1x128xf32> to vector<10000x128xf32>
    %add3A_42 = arith.addf %dot_general3A_37, %add3A_41 : vector<10000x128xf32>
    %max3A_43 = arith.constant 0.000000e+00 : f32
    %max3A_44 = vector.broadcast %max3A_43 : f32 to vector<10000x128xf32>
    %max3A_45 = arith.maximumf %add3A_42, %max3A_44 : vector<10000x128xf32>
    %swap3A = arith.constant 0 : index
    %swap3A_46 = arith.constant 0 : index
    %swap3A_47 = vector.load %arg7[%swap3A, %swap3A_46] : memref<10000x128xf32, #tpu.memory_space<vmem>>, vector<10000x128xf32>
    tpu.vector_store %arg7[%swap3A, %swap3A_46], %max3A_45 {strides = array<i32>} : memref<10000x128xf32, #tpu.memory_space<vmem>>, vector<10000x128xf32>,
    return
  }
}

</mosaic_0001>

<sc_bundles>
// kernel: kernel.11.cloned.1.call-start
scs
__scs_entry_jumppad:
0x0: {  	(pc) =	sbr.rel $0x88, $3  }
0x1: {  	(tag) =	ssettag $0x0;
	lr =	simm.s32 $0x1  }
0x2: {  	[smem:$0x3F95] =	sst lr;
	_ =	strace $0xD0000000  }
0x3: {  	_ = 	snop  }
0x4: {  	_ = 	snop  }
0x5: {  	_ = 	snop  }
0x6: {  	_ = 	snop  }
0x7: {  	_ = 	snop  }
__scs_overlays_trampoline_lowered:
0x8: {  	[smem:$0x3FA4] =	sst s0  }
0x9: {  	[smem:$0x3FA5] =	sst s1  }
0xa: {  	[smem:$0x3FA6] =	sst s2  }
0xb: {  	[smem:$0x3FA7] =	sst s3  }
0xc: {  	[smem:$0x3FA8] =	sst s4  }
0xd: {  	[smem:$0x3FA9] =	sst s5  }
0xe: {  	[smem:$0x3FAA] =	sst s6  }
0xf: {  	[smem:$0x3FAB] =	sst s7  }
0x10: {  	[smem:$0x3FAC] =	sst s8  }
0x11: {  	[smem:$0x3FAD] =	sst s9;
	s0 =	simm.s32 @!p0 $0x0  }
0x12: {  	s1 =	sld [smem:$0x3F93];
	s0 =	simm.s32 @p0 $0x1  }
0x13: {  	[smem:$0x3FAE] =	sst s0;
	s0 =	simm.s32 @!p1 $0x0  }
0x14: {  	s2 =	sld [smem:$0x3F92];
	s0 =	simm.s32 @p1 $0x1  }
0x15: {  	[smem:$0x3FAF] =	sst s0;
	s0 =	simm.s32 @!p2 $0x0  }
0x16: {  	s3 =	sld [smem:$0x3FDB];
	s0 =	simm.s32 @p2 $0x1  }
0x17: {  	s4 =	simm.s32 $0x1BF5;
	[smem:$0x3FB1] =	sst s0  }
0x18: {  	s0 =	sld [smem:$0x3F94];
	_ =	swait.ge [sflag:s4], $0x0  }
0x19: {  	s7 =	sld [smem:$0x3F95]  }
0x1a: {  	s8 =	sadd.s32 $0xFFFFE003, lr  }
0x1b: {  	s9 =	sadd.s32 $0xFFFFFEF7, lr;
	s5 =	simm.s32 $0xFFFFFFFF;
	p2 =	slt.u32 s8, $0xFFFFF086  }
0x1c: {  	p1 =	slt.u32 s9, $0xF7A;
	s5 =	simm.s32 @!p2 $0x0  }
0x1d: {  	s5 =	simm.s32 @p1 $0x1;
	p0 =	seq.s32 s7, s2  }
0x1e: {  	s7 =	smul.u32 @!p0 $0xF7A, s2;
	p2 =	seq.s32 @!p0 s5, $0x0  }
0x1f: {  	s9 =	smul.u32 $0xF7A, s1;
	s8 =	simm.s32 @!p0 $0x1BF5;
	p2 =	por !p2, p0  }
0x20: {  	[sflag:s8] =	ssyncset.s32 @!p0 $0xFFFFF086;
	s6 =	sadd.s32 @!p0 s3, s7;
	s7 =	simm.s32 @!p0 $0x108  }
0x21: {  	s3 =	sadd.s32 s3, s9;
	s6 =	sadd.s32 @!p0 $0x88, s6;
	s7 =	simm.s32 @p2 $0x1082  }
0x22: {  	[simem:s7], [sflag:s8] =	dma.local @!p0 [hbm:s6], $0xF7A  }
0x23: {  	s9 =	sor.u32 $0xD0000000, s2;
	s6 =	simm.s32 $0x108;
	_ =	swait.ge @!p0 [sflag:s8], $0x0  }
0x24: {  	s3 =	sadd.s32 $0x88, s3;
	s6 =	simm.s32 @!p1 $0x1082;
	[sflag:s4] =	ssyncset.s32 $0xFFFFF086  }
0x25: {  	[simem:s6], [sflag:s4] =	dma.local [hbm:s3], $0xF7A  }
0x26: {  	[smem:$0x3F95] =	sst s1;
	(tag) =	ssettag s2;
	_ =	strace s9  }
0x27: {  	s1 =	sld [smem:$0x3FA5]  }
0x28: {  	s2 =	sld [smem:$0x3FA6]  }
0x29: {  	s4 =	sld [smem:$0x3FA8]  }
0x2a: {  	p0 =	seq.s32 s5, $0x0;
	s5 =	sld [smem:$0x3FA9]  }
0x2b: {  	s6 =	sld [smem:$0x3FAA]  }
0x2c: {  	s7 =	sld [smem:$0x3FAB]  }
0x2d: {  	s3 =	simm.s32 $0x108;
	s8 =	sld [smem:$0x3FAC]  }
0x2e: {  	s3 =	simm.s32 @!p0 $0x1082;
	s9 =	sld [smem:$0x3FAD]  }
0x2f: {  	lr =	sadd.s32 s0, s3;
	s0 =	sld [smem:$0x3FA4]  }
0x30: {  	s3 =	sld [smem:$0x3FA7]  }
0x31: {  	[smem:$0x3FB0] =	sst s10  }
0x32: {  	s10 =	sld [smem:$0x3FAE];
	_ =	sdelay $0x3  }
0x33: {  	p0 =	seq.s32 s10, $0x1;
	s10 =	sld [smem:$0x3FB0];
	_ =	sdelay $0x3  }
0x34: {  	[smem:$0x3FB0] =	sst s10  }
0x35: {  	s10 =	sld [smem:$0x3FAF];
	_ =	sdelay $0x3  }
0x36: {  	p1 =	seq.s32 s10, $0x1;
	s10 =	sld [smem:$0x3FB0];
	_ =	sdelay $0x3  }
0x37: {  	[smem:$0x3FB0] =	sst s10  }
0x38: {  	s10 =	sld [smem:$0x3FB1]  }
0x39: {  	_ = 	snop;
	(pc) =	sbr.ind lr, $3  }
0x3a: {  	_ = 	snop  }
0x3b: {  	_ = 	snop  }
0x3c: {  	p2 =	seq.s32 s10, $0x1;
	s10 =	sld [smem:$0x3FB0]  }
0x3d: {  	_ =	shalt  }
0x3e: {  	_ =	shalt  }
0x3f: {  	_ =	shalt  }
0x40: {  	_ =	shalt  }
0x41: {  	_ =	shalt  }
0x42: {  	_ =	shalt  }
0x43: {  	_ =	shalt  }
0x44: {  	_ =	shalt  }
0x45: {  	_ =	shalt  }
0x46: {  	_ =	shalt  }
0x47: {  	_ =	shalt  }
0x48: {  	_ =	shalt  }
0x49: {  	_ =	shalt  }
0x4a: {  	_ =	shalt  }
0x4b: {  	_ =	shalt  }
0x4c: {  	_ =	shalt  }
0x4d: {  	_ =	shalt  }
0x4e: {  	_ =	shalt  }
0x4f: {  	_ =	shalt  }
0x50: {  	_ =	shalt  }
0x51: {  	_ =	shalt  }
0x52: {  	_ =	shalt  }
0x53: {  	_ =	shalt  }
0x54: {  	_ =	shalt  }
0x55: {  	_ =	shalt  }
0x56: {  	_ =	shalt  }
0x57: {  	_ =	shalt  }
0x58: {  	_ =	shalt  }
0x59: {  	_ =	shalt  }
0x5a: {  	_ =	shalt  }
0x5b: {  	_ =	shalt  }
0x5c: {  	_ =	shalt  }
0x5d: {  	_ =	shalt  }
0x5e: {  	_ =	shalt  }
0x5f: {  	_ =	shalt  }
0x60: {  	_ =	shalt  }
0x61: {  	_ =	shalt  }
0x62: {  	_ =	shalt  }
0x63: {  	_ =	shalt  }
0x64: {  	_ =	shalt  }
0x65: {  	_ =	shalt  }
0x66: {  	_ =	shalt  }
0x67: {  	_ =	shalt  }
0x68: {  	_ =	shalt  }
0x69: {  	_ =	shalt  }
0x6a: {  	_ =	shalt  }
0x6b: {  	_ =	shalt  }
0x6c: {  	_ =	shalt  }
0x6d: {  	_ =	shalt  }
0x6e: {  	_ =	shalt  }
0x6f: {  	_ =	shalt  }
0x70: {  	_ =	shalt  }
0x71: {  	_ =	shalt  }
0x72: {  	_ =	shalt  }
0x73: {  	_ =	shalt  }
0x74: {  	_ =	shalt  }
0x75: {  	_ =	shalt  }
0x76: {  	_ =	shalt  }
0x77: {  	_ =	shalt  }
0x78: {  	_ =	shalt  }
0x79: {  	_ =	shalt  }
0x7a: {  	_ =	shalt  }
0x7b: {  	_ =	shalt  }
0x7c: {  	_ =	shalt  }
0x7d: {  	_ =	shalt  }
0x7e: {  	_ =	shalt  }
0x7f: {  	_ =	shalt  }
0x80: {  	_ =	shalt  }
0x81: {  	_ =	shalt  }
0x82: {  	_ =	shalt  }
0x83: {  	_ =	shalt  }
0x84: {  	_ =	shalt  }
0x85: {  	_ =	shalt  }
0x86: {  	_ =	shalt  }
0x87: {  	_ =	shalt  }
.Lfunc_end0:
.L_simem_size_0:
called_computation.1_lowered:
.L_overlay_start_0:
0x88: {  	s2 =	sld [smem:$0x3FD9]  }
0x89: {  	s3 =	sld [smem:$0x3FFE];
	_ =	sdelay $0x1  }
0x8a: {  	s1 =	srdreg.scid  }
0x8b: {  	s0 =	sand.u32 $0x1, s1  }
0x8c: {  	s17 =	sshll.u32 s0, $0xA;
	s2 =	sadd.s32 s3, s2  }
0x8d: {  	s2 =	sadd.s32 s2, s17  }
0x8e: {  	[smem:$0x3FBC] =	sst s2  }
0x8f: {  	_ = 	snop  }
0x90: {  	s2 =	sld [smem:$0x3FD0];
	(tm) =	ssettm $0x1  }
0x91: {  	s18 =	sld [smem:$0x3FFB];
	_ =	sdelay $0x3  }
0x92: {  	_ =	strace s18  }
0x93: {  	s3 =	sld [smem:$0x3FFC];
	_ =	sdelay $0x3  }
0x94: {  	_ =	strace s3  }
0x95: {  	s3 =	sld [smem:$0x3FFD];
	_ =	sdelay $0x3  }
0x96: {  	_ =	strace s3  }
0x97: {  	_ =	strace $0x8FFFFFFF  }
0x98: {  	s19 =	sld [smem:$0x3FDB];
	_ =	sdelay $0x1  }
0x99: {  	s4 =	simm.s32 $_scs_section_size  }
0x9a: {  	s5 =	simm.s32 $_size__tile_overlayer_lowered;
	s6 =	simm.s32 $_tile_overlayer_lowered  }
0x9b: {  	s22 =	simm.s32 $0x1BFF;
	s21 =	sshll.u32 s6, $0x1;
	s3 =	sadd.s32 s4, s19  }
0x9c: {  	s7 =	simm.s32 $0x0;
	s20 =	sshll.u32 s5, $0x1;
	s5 =	sadd.s32 s21, s3  }
0x9d: {  	[timem:s7], [sflag:s22] =	dma.local [hbm:s5], s20  }
0x9e: {  	_ =	swait.ge [sflag:s22], s20  }
0x9f: {  	s4 =	ssub.s32 $0x0, s20;
	[sflag:s22] =	ssyncset.done $0x0  }
0xa0: {  	[sflag:s22] =	ssyncadd.s32 s4;
	_ =	sdelay $0x1  }
0xa1: {  	s23 =	simm.s32 $0x1B8B  }
0xa2: {  	_ =	swait.ge [sflag:s23], $0x1  }
0xa3: {  	[sflag:s23] =	ssyncset.done $0x0  }
0xa4: {  	s25 =	simm.s32 $0x1B8E;
	s24 =	sld [smem:$0x3FFE];
	[sflag:s23] =	ssyncadd.s32 $0xFFFFFFFF  }
0xa5: {  	s26 =	simm.s32 $execute0_lowered;
	[smem:$0x3FD2] =	sst s25  }
0xa6: {  	s5 =	sshll.u32 s26, $0x1;
	_ =	strace $0x80000049;
	[dreg:$0x1] =	wrdreg $0xFFFFFFFF  }
0xa7: {  	s28 =	simm.s32 $_size_execute0_lowered;
	s3 =	sadd.s32 s3, s5;
	[dreg:$0x0] =	wrdreg $0x0  }
0xa8: {  	s5 =	sshll.u32 s28, $0x1;
	[dreg:$0x2] =	wrdreg s3  }
0xa9: {  	[dreg:$0x3] =	wrdreg s5  }
0xaa: {  	[dreg:$0x4] =	wrdreg $0xC0  }
0xab: {  	_ =	task [dreg:s7], $0x5FFFF  }
0xac: {  	[dreg:$0x1] =	wrdreg $0xFFFFFFFF  }
0xad: {  	[dreg:$0x0] =	wrdreg $0x60  }
0xae: {  	[dreg:$0x2] =	wrdreg s24  }
0xaf: {  	[dreg:$0x3] =	wrdreg s2  }
0xb0: {  	[dreg:$0x4] =	wrdreg $0xA7A00  }
0xb1: {  	[dreg:$0x5] =	wrdreg $0x9  }
0xb2: {  	_ =	task.clear_ibuf [dreg:s7], $0x6FFFF;
	_ =	strace $0x90000049  }
0xb3: {  	s29 =	simm.s32 $0x9;
	_ =	strace $0x8000004B  }
0xb4: {  	_ =	swait.ge [sflag:s29], $0x1  }
0xb5: {  	[sflag:s29] =	ssyncadd.s32 $0xFFFFFFFF  }
0xb6: {  	_ =	strace $0x9000004B  }
0xb7: {  	_ =	sfence  }
0xb8: {  	s30 =	sld [smem:$0x0];
	_ =	sdelay $0x2  }
0xb9: {  	s31 =	sshll.u32 s1, $0xD;
	s1 =	sshrl.u32 s1, $0x2  }
0xba: {  	s3 =	sand.u32 $0x4000, s31;
	s1 =	sadd.s32 s1, s30  }
0xbb: {  	s0 =	sor.u32 s3, s0;
	s1 =	sshll.u32 s1, $0x11  }
0xbc: {  	s0 =	sor.u32 s1, s0  }
0xbd: {  	s0 =	sadd.s32 $0x8F2B, s0  }
0xbe: {  	[sflag:s0] =	ssyncadd.remote.s32 $0x1  }
0xbf: {  	_ =	sfence.sel $0xFFFF  }
0xc0: {  	[dreg:$0x0] =	wrdreg $0xFFFFFFFF;
	(pc) =	sbr.abs _section_cstart, $3  }
0xc1: {  	[dreg:$0x1] =	wrdreg $0xFFFFFFFF  }
0xc2: {  	_ =	task.clear_ibuf [dreg:s7], $0x2FFFF;
	_ =	strace $0x9FFFFFFF  }
0xc3: {  	(tm) =	ssettm $0x7FFFFFFF  }
tec
execute0_lowered:
.L_overlay_start_1:
0x0: {  	(tag) =	ssettag $0x1  }
0x1: {  	s0 =	rddreg [dreg:$0x0]  }
0x2: {  	s8 =	rddreg [dreg:$0x1]  }
0x3: {  	s1 =	srdreg.scid;
	s2 =	rddreg [dreg:$0x2]  }
0x4: {  	s6 =	stileid.u32;
	s3 =	simm.s32 $0x0;
	s11 =	simm.s32 $0xB  }
0x5: {  	s13 =	simm.s32 $0x50;
	s21 =	simm.s32 $0x6220;
	s22 =	simm.s32 $0x1  }
0x6: {  	s23 =	simm.s32 $0x2;
	s24 =	simm.s32 $0x3;
	s28 =	simm.s32 $0x6  }
0x7: {  	s29 =	simm.s32 $0x7;
	s30 =	simm.s32 $0x8;
	s1 =	sand.u32 $0x1, s1  }
0x8: {  	s31 =	simm.s32 $0x9;
	[smem:$0x7FF] =	sst s3;
	s4 =	sshll.u32 s1, $0x4  }
0x9: {  	_ =	strace $0x8000004A;
	s7 =	ssub.s32 $0x2, s1;
	s1 =	smul.u32 $0x4F000, s1  }
0xa: {  	s4 =	sor.u32 s6, s4;
	s6 =	smul.u32 $0x4F00, s6;
	s25 =	sshrl.u32 s7, $0x1  }
0xb: {  	s5 =	smul.u32 $0x4E2, s4;
	s4 =	sadd.s32 $0x15E00, s0;
	s10 =	ssub.s32 s7, s25  }
0xc: {  	s25 =	simm.s32 $0x4;
	s9 =	sshrl.u32 s6, $0x1;
	s1 =	sadd.s32 s6, s1  }
0xd: {  	s0 =	sadd.s32 s5, s0;
	s5 =	sadd.s32 s9, s2;
	s26 =	sshrl.u32 s1, $0x4  }
0xe: {  	s9 =	smax.u32 s10, $0x1;
	s6 =	sadd.s32 $0x2200, s0;
	s7 =	sadd.s32 $0xC000, s0  }
0xf: {  	v0 =	vimm.bf16 $0.0e+00;
	s8 =	sadd.s32 s8, s26;
	s26 =	simm.s32 $0x5;
	s0 =	simm.s32 $0xA  }
.LBB2_1:
0x10: {  	s1 =	simm.s32 $0x40;
	s10 =	simm.s32 $0x0  }
.LBB2_2:
0x11: {  	p0 =	sne.s32 s1, $0x9DC0;
	[tilespmem:s10+$0x8020] =	vst v0;
	s10 =	smov.u32 s1;
	s1 =	sadd.s32 $0x40, s1  }
.Ltmp0:
0x12: {  	(pc) =	sbr.rel @p0 .LBB2_2-.Ltmp0, $2  }
0x13: {  	_ =	sdelay $0x2  }
0x14: {  	s10 =	sshra.s32 s10, $0x2  }
0x15: {  	[tilespmem:s10+$0x8020] =	vst v0;
	s1 =	simm.s32 $0x8020  }
0x16: {  	[spmem:s5] =	stream.linear.scatter [tilespmem:s1], [sflag:$0xB], $0x2780, $0x38;
	[tilespmem:$0xCF20] =	vst v63  }
0x17: {  	_ =	swait.ge [sflag:s11], $0x2780  }
0x18: {  	[sflag:s11] =	ssyncset.done $0x0  }
0x19: {  	s10 =	simm.s32 $0x0;
	[sflag:s11] =	ssyncadd.s32 $0xFFFFD880  }
0x1a: {  	[tilespmem:s10], [sflag:$0xB] =	stream.linear.gather [hbm4b:s6+s10], $0x2710, $0x38;
	[tilespmem:$0xCF20] =	vst v63  }
0x1b: {  	_ =	swait.ge [sflag:s11], $0x2710  }
0x1c: {  	[sflag:s11] =	ssyncset.done $0x0  }
0x1d: {  	s14 =	simm.s32 $0x2710;
	[sflag:s11] =	ssyncadd.s32 $0xFFFFD8F0  }
0x1e: {  	[tilespmem:s14], [sflag:$0xB] =	stream.linear.gather [hbm4b:s7+s10], $0x2710, $0x38;
	[tilespmem:$0xCF20] =	vst v63  }
0x1f: {  	_ =	swait.ge [sflag:s11], $0x2710  }
0x20: {  	[sflag:s11] =	ssyncset.done $0x0  }
0x21: {  	[sflag:s11] =	ssyncadd.s32 $0xFFFFD8F0  }
0x22: {  	s15 =	simm.s32 $0x4E20;
	[bflag:$0x0] =	sbarrier.arrive $0xFFFF  }
0x23: {  	[tilespmem:s15], [sflag:$0x1] =	stream.indirect.gather [hbm4b:s4+s13], $0x10, s10, s13, $0xb8;
	[tilespmem:$0xCF20] =	vst v63  }
0x24: {  	s16 =	simm.s32 $0x5320  }
0x25: {  	[tilespmem:s16], [sflag:$0x2] =	stream.indirect.gather [hbm4b:s4+s13], $0x10, s13, s13, $0xb8;
	[tilespmem:$0xCF20] =	vst v63  }
0x26: {  	s17 =	simm.s32 $0xA0;
	s12 =	simm.s32 $0x5820  }
0x27: {  	[tilespmem:s12], [sflag:$0x3] =	stream.indirect.gather [hbm4b:s4+s13], $0x10, s17, s13, $0xb8;
	[tilespmem:$0xCF20] =	vst v63  }
0x28: {  	s18 =	simm.s32 $0xF0;
	s19 =	simm.s32 $0x5D20  }
0x29: {  	[tilespmem:s19], [sflag:$0x4] =	stream.indirect.gather [hbm4b:s4+s13], $0x10, s18, s13, $0xb8;
	[tilespmem:$0xCF20] =	vst v63  }
0x2a: {  	s20 =	simm.s32 $0x140;
	s1 =	simm.s32 $0x0  }
0x2b: {  	[tilespmem:s21], [sflag:$0x5] =	stream.indirect.gather [hbm4b:s4+s13], $0x10, s20, s13, $0xb8;
	[tilespmem:$0xCF20] =	vst v63  }
.LBB2_4:
0x2c: {  	_ =	swait.ge [sflag:s22], $0x500  }
0x2d: {  	p0 =	seq.s32 s10, $0x0;
	[sflag:s22] =	ssyncset.done $0x0  }
0x2e: {  	s14 =	simm.s32 @!p0 $0x6;
	[sflag:s22] =	ssyncadd.s32 $0xFFFFFB00  }
0x2f: {  	p1 =	seq.s32 @!p0 s10, $0x78;
	_ =	swait.ge @!p0 [sflag:s14], $0x500  }
0x30: {  	s12 =	sadd.s32 $0x5, s10;
	p2 =	por p0, !p1;
	[sflag:s14] =	ssyncset.done @!p0 $0x0  }
0x31: {  	[sflag:s14] =	ssyncadd.s32 @!p0 $0xFFFFFB00;
	s14 =	sand.u32 @p2 $0xFF, s12  }
0x32: {  	s14 =	smul.u32 @p2 $0xCD, s14;
	_ =	sdelay $0x1  }
0x33: {  	s14 =	sshrl.u32 @p2 s14, $0xB  }
0x34: {  	s14 =	smul.u32 @p2 $0xA, s14;
	_ =	sdelay $0x1  }
0x35: {  	s14 =	ssub.s32 @p2 s12, s14  }
0x36: {  	s14 =	sand.u32 @p2 $0xFF, s14  }
0x37: {  	s14 =	smul.u32 @p2 $0x1400, s14;
	_ =	sdelay $0x1  }
0x38: {  	s15 =	sshra.s32 @p2 s1, $0x2;
	s14 =	sshrl.u32 @p2 s14, $0x2  }
0x39: {  	s18 =	smul.u32 $0xCD, s10;
	s15 =	sadd.s32 @p2 $0x190, s15;
	s14 =	sadd.s32 @p2 $0x4E20, s14  }
0x3a: {  	[tilespmem:s14], [sflag:$0x1] =	stream.indirect.gather @p2 [hbm4b:s4+s13], $0x10, s15, s13, $0xb8;
	[tilespmem:$0xCF20] =	vst v63  }
0x3b: {  	s14 =	sshrl.u32 s18, $0xB  }
0x3c: {  	s14 =	sand.u32 $0x1F, s14  }
0x3d: {  	s15 =	sadd.s32 $0x1, s10;
	s14 =	smul.u32 $0xA, s14  }
0x3e: {  	s17 =	sadd.s32 $0x6, s10;
	s16 =	sand.u32 $0xFF, s15  }
0x3f: {  	s18 =	sand.u32 $0xFF, s17;
	s16 =	smul.u32 $0xCD, s16;
	s14 =	ssub.s32 s10, s14  }
0x40: {  	s18 =	smul.u32 $0xCD, s18;
	s14 =	sand.u32 $0xFF, s14  }
0x41: {  	p1 =	por @!p0 $0x1, $0x1;
	s16 =	sshrl.u32 s16, $0xB;
	s14 =	smul.u32 $0x1400, s14  }
0x42: {  	p1 =	por @p2 $0x0, $0x0;
	s18 =	sshrl.u32 s18, $0xB;
	s16 =	smul.u32 $0xA, s16  }
0x43: {  	s18 =	smul.u32 $0xA, s18;
	s19 =	sshrl.u32 s14, $0x2;
	s14 =	sshra.s32 s1, $0x2  }
0x44: {  	s15 =	ssub.s32 s15, s16;
	s19 =	sadd.s32 $0x4E20, s19;
	s20 =	sadd.s32 $0x2710, s14  }
0x45: {  	[spmem:s2] =	stream.indirect.scatter.add.bf16 [tilespmem:s19], [sflag:$0x6], $0x10, s20, s13, $0xb8;
	[tilespmem:$0xCF20] =	vst v63  }
0x46: {  	s15 =	sand.u32 $0xFF, s15;
	s19 =	ssub.s32 s17, s18;
	_ =	swait.ge [sflag:s23], $0x500  }
0x47: {  	s15 =	smul.u32 $0x1400, s15;
	s16 =	sand.u32 $0xFF, s19;
	[sflag:s23] =	ssyncset.done $0x0  }
0x48: {  	s17 =	simm.s32 @!p0 $0x7;
	s16 =	smul.u32 @!p1 $0x1400, s16;
	[sflag:s23] =	ssyncadd.s32 $0xFFFFFB00  }
0x49: {  	s20 =	sshrl.u32 s15, $0x2;
	s15 =	sshra.s32 @!p1 s1, $0x2;
	_ =	swait.ge @!p0 [sflag:s17], $0x500  }
0x4a: {  	s19 =	sadd.s32 @!p1 $0x1E0, s15;
	s16 =	sshrl.u32 @!p1 s16, $0x2;
	[sflag:s17] =	ssyncset.done @!p0 $0x0  }
0x4b: {  	[sflag:s17] =	ssyncadd.s32 @!p0 $0xFFFFFB00;
	s17 =	sadd.s32 @!p1 $0x4E20, s16;
	s16 =	simm.s32 @!p1 $0x50  }
0x4c: {  	[tilespmem:s17], [sflag:$0x2] =	stream.indirect.gather @!p1 [hbm4b:s4+s16], $0x10, s19, s16, $0xb8;
	[tilespmem:$0xCF20] =	vst v63  }
0x4d: {  	s18 =	sadd.s32 $0x4E20, s20;
	s19 =	sadd.s32 $0x2760, s14;
	s17 =	sadd.s32 $0x2, s10  }
0x4e: {  	[spmem:s2] =	stream.indirect.scatter.add.bf16 [tilespmem:s18], [sflag:$0x7], $0x10, s19, s13, $0xb8;
	[tilespmem:$0xCF20] =	vst v63  }
0x4f: {  	s20 =	sand.u32 $0xFF, s17;
	s19 =	sadd.s32 $0x7, s10  }
0x50: {  	s18 =	smul.u32 $0xCD, s20;
	s20 =	sand.u32 $0xFF, s19  }
0x51: {  	s20 =	smul.u32 $0xCD, s20  }
0x52: {  	s18 =	sshrl.u32 s18, $0xB  }
0x53: {  	s18 =	smul.u32 $0xA, s18;
	s20 =	sshrl.u32 s20, $0xB  }
0x54: {  	s20 =	smul.u32 $0xA, s20  }
0x55: {  	s17 =	ssub.s32 s17, s18  }
0x56: {  	_ =	swait.ge [sflag:s24], $0x500;
	s17 =	sand.u32 $0xFF, s17;
	s20 =	ssub.s32 s19, s20  }
0x57: {  	[sflag:s24] =	ssyncset.done $0x0;
	s17 =	smul.u32 $0x1400, s17;
	s18 =	sand.u32 $0xFF, s20  }
0x58: {  	[sflag:s24] =	ssyncadd.s32 $0xFFFFFB00;
	s19 =	simm.s32 @!p0 $0x8;
	s18 =	smul.u32 @!p1 $0x1400, s18  }
0x59: {  	_ =	swait.ge @!p0 [sflag:s19], $0x500  }
0x5a: {  	s17 =	sshrl.u32 s17, $0x2;
	[sflag:s19] =	ssyncset.done @!p0 $0x0;
	s18 =	sshrl.u32 @!p1 s18, $0x2  }
0x5b: {  	[sflag:s19] =	ssyncadd.s32 @!p0 $0xFFFFFB00;
	s19 =	sadd.s32 @!p1 $0x230, s15;
	s18 =	sadd.s32 @!p1 $0x4E20, s18  }
0x5c: {  	[tilespmem:s18], [sflag:$0x3] =	stream.indirect.gather @!p1 [hbm4b:s4+s16], $0x10, s19, s16, $0xb8;
	[tilespmem:$0xCF20] =	vst v63  }
0x5d: {  	s17 =	sadd.s32 $0x4E20, s17;
	s19 =	sadd.s32 $0x27B0, s14  }
0x5e: {  	[spmem:s2] =	stream.indirect.scatter.add.bf16 [tilespmem:s17], [sflag:$0x8], $0x10, s19, s13, $0xb8;
	[tilespmem:$0xCF20] =	vst v63  }
0x5f: {  	s17 =	sadd.s32 $0x3, s10  }
0x60: {  	s19 =	sadd.s32 $0x8, s10;
	s20 =	sand.u32 $0xFF, s17  }
0x61: {  	s18 =	smul.u32 $0xCD, s20;
	s20 =	sand.u32 $0xFF, s19  }
0x62: {  	s20 =	smul.u32 $0xCD, s20  }
0x63: {  	s18 =	sshrl.u32 s18, $0xB  }
0x64: {  	s18 =	smul.u32 $0xA, s18;
	s20 =	sshrl.u32 s20, $0xB  }
0x65: {  	s20 =	smul.u32 $0xA, s20  }
0x66: {  	s17 =	ssub.s32 s17, s18  }
0x67: {  	_ =	swait.ge [sflag:s25], $0x500;
	s17 =	sand.u32 $0xFF, s17;
	s19 =	ssub.s32 s19, s20  }
0x68: {  	[sflag:s25] =	ssyncset.done $0x0;
	s18 =	sand.u32 $0xFF, s19;
	s17 =	smul.u32 $0x1400, s17  }
0x69: {  	[sflag:s25] =	ssyncadd.s32 $0xFFFFFB00;
	s19 =	simm.s32 @!p0 $0x9;
	s18 =	smul.u32 @!p1 $0x1400, s18  }
0x6a: {  	_ =	swait.ge @!p0 [sflag:s19], $0x500  }
0x6b: {  	s17 =	sshrl.u32 s17, $0x2;
	[sflag:s19] =	ssyncset.done @!p0 $0x0;
	s18 =	sshrl.u32 @!p1 s18, $0x2  }
0x6c: {  	[sflag:s19] =	ssyncadd.s32 @!p0 $0xFFFFFB00;
	s19 =	sadd.s32 @!p1 $0x280, s15;
	s18 =	sadd.s32 @!p1 $0x4E20, s18  }
0x6d: {  	[tilespmem:s18], [sflag:$0x4] =	stream.indirect.gather @!p1 [hbm4b:s4+s16], $0x10, s19, s16, $0xb8;
	[tilespmem:$0xCF20] =	vst v63  }
0x6e: {  	s20 =	sadd.s32 $0x2800, s14;
	s17 =	sadd.s32 $0x4E20, s17  }
0x6f: {  	[spmem:s2] =	stream.indirect.scatter.add.bf16 [tilespmem:s17], [sflag:$0x9], $0x10, s20, s13, $0xb8;
	[tilespmem:$0xCF20] =	vst v63  }
0x70: {  	s17 =	sadd.s32 $0x4, s10  }
0x71: {  	s10 =	sadd.s32 $0x9, s10;
	s19 =	sand.u32 $0xFF, s17  }
0x72: {  	s20 =	sand.u32 $0xFF, s10;
	s18 =	smul.u32 $0xCD, s19  }
0x73: {  	s19 =	smul.u32 $0xCD, s20  }
0x74: {  	s18 =	sshrl.u32 s18, $0xB  }
0x75: {  	_ =	swait.ge [sflag:s26], $0x500;
	s19 =	sshrl.u32 s19, $0xB;
	s18 =	smul.u32 $0xA, s18  }
0x76: {  	[sflag:s26] =	ssyncset.done $0x0;
	s19 =	smul.u32 $0xA, s19  }
0x77: {  	[sflag:s26] =	ssyncadd.s32 $0xFFFFFB00  }
0x78: {  	s17 =	ssub.s32 s17, s18;
	s10 =	ssub.s32 s10, s19;
	s18 =	simm.s32 @!p0 $0xA  }
0x79: {  	s10 =	sand.u32 $0xFF, s10;
	_ =	swait.ge @!p0 [sflag:s18], $0x500  }
0x7a: {  	s17 =	sand.u32 $0xFF, s17;
	s10 =	smul.u32 @!p1 $0x1400, s10;
	[sflag:s18] =	ssyncset.done @!p0 $0x0  }
0x7b: {  	s17 =	smul.u32 $0x1400, s17;
	[sflag:s18] =	ssyncadd.s32 @!p0 $0xFFFFFB00;
	p0 =	sne.s32 s12, $0x7D  }
.Ltmp1:
0x7c: {  	s1 =	sadd.s32 $0x640, s1;
	s10 =	sshrl.u32 @!p1 s10, $0x2;
	(pc) =	sbr.rel @p0 .LBB2_4-.Ltmp1, $4  }
0x7d: {  	s15 =	sadd.s32 @!p1 $0x2D0, s15;
	s17 =	sshrl.u32 s17, $0x2;
	s10 =	sadd.s32 @!p1 $0x4E20, s10  }
0x7e: {  	[tilespmem:s10], [sflag:$0x5] =	stream.indirect.gather @!p1 [hbm4b:s4+s16], $0x10, s15, s16, $0xb8;
	[tilespmem:$0xCF20] =	vst v63  }
0x7f: {  	s14 =	sadd.s32 $0x2850, s14;
	s20 =	sadd.s32 $0x4E20, s17;
	s10 =	smov.u32 s12  }
0x80: {  	[spmem:s2] =	stream.indirect.scatter.add.bf16 [tilespmem:s20], [sflag:$0xA], $0x10, s14, s13, $0xb8;
	[tilespmem:$0xCF20] =	vst v63  }
0x81: {  	_ =	swait.ge [sflag:s28], $0x500  }
0x82: {  	[sflag:s28] =	ssyncset.done $0x0  }
0x83: {  	[sflag:s28] =	ssyncadd.s32 $0xFFFFFB00  }
0x84: {  	_ =	swait.ge [sflag:s29], $0x500  }
0x85: {  	[sflag:s29] =	ssyncset.done $0x0  }
0x86: {  	[sflag:s29] =	ssyncadd.s32 $0xFFFFFB00  }
0x87: {  	_ =	swait.ge [sflag:s30], $0x500  }
0x88: {  	[sflag:s30] =	ssyncset.done $0x0  }
0x89: {  	[sflag:s30] =	ssyncadd.s32 $0xFFFFFB00  }
0x8a: {  	_ =	swait.ge [sflag:s31], $0x500  }
0x8b: {  	[sflag:s31] =	ssyncset.done $0x0  }
0x8c: {  	[sflag:s31] =	ssyncadd.s32 $0xFFFFFB00  }
0x8d: {  	s1 =	stileid.u32;
	_ =	swait.ge [sflag:s0], $0x500  }
0x8e: {  	s10 =	sshrl.u32 s5, $0x3;
	s3 =	sadd.s32 $0x1, s3;
	[sflag:s0] =	ssyncset.done $0x0  }
0x8f: {  	s1 =	sshll.u32 s1, $0x6;
	p0 =	sne.s32 s3, s9;
	[sflag:s0] =	ssyncadd.s32 $0xFFFFFB00  }
.Ltmp2:
0x90: {  	s1 =	sor.u32 $0x1C0B, s1;
	[bflag:$0x0] =	sbarrier.arrive $0xFFFF;
	(pc) =	sbr.rel @p0 .LBB2_1-.Ltmp2, $4  }
0x91: {  	[hbm:s8], [sflag:s1] =	dma.local [spmem:s10], $0x4F0  }
0x92: {  	_ =	swait.ge [sflag:s11], $0x4F0  }
0x93: {  	[sflag:s11] =	ssyncset.done $0x0  }
0x94: {  	[sflag:s11] =	ssyncadd.s32 $0xFFFFFB10  }
0x95: {  	_ =	sfence.sel $0x180000  }
0x96: {  	[bflag:$0x0] =	sbarrier.arrive $0xFFFF  }
0x97: {  	_ =	strace $0x9000004A  }
0x98: {  	s0 =	stileid.u32;
	[bflag:$0x2] =	sbarrier.arrive $0xFFFF  }
0x99: {  	p0 =	sne.s32 s0, $0x0;
	s0 =	rddreg [dreg:$0x3]  }
0x9a: {  	s0 =	sadd.s32 @!p0 $0x100000, s0  }
0x9b: {  	[sflag:s0] =	ssyncadd.tile.s32 @!p0 $0x1;
	_ =	shalt  }
.Lfunc_end2:
_tile_overlayer_lowered:
.L_overlay_start_2:
0x9c: {  	(tag) =	ssettag $0x2  }
0x9d: {  	s0 =	rddreg [dreg:$0x0];
	s2 =	stileid.u32  }
0x9e: {  	s1 =	rddreg [dreg:$0x1];
	p0 =	sne.s32 s2, $0x0  }
0x9f: {  	s3 =	rddreg [dreg:$0x2];
	[bflag:$0x3] =	sbarrier.arrive $0xFFFF;
	s2 =	simm.s32 @!p0 $0x1C0B  }
0xa0: {  	[timem:s3], [sflag:s2] =	dma.local @!p0 [hbm:s0], s1  }
0xa1: {  	s0 =	simm.s32 @!p0 $0xB  }
0xa2: {  	_ =	swait.ge @!p0 [sflag:s0], s1  }
0xa3: {  	s1 =	ssub.s32 @!p0 $0x0, s1;
	[sflag:s0] =	ssyncset.done @!p0 $0x0  }
0xa4: {  	[sflag:s0] =	ssyncadd.s32 @!p0 s1  }
0xa5: {  	[bflag:$0x3] =	sbarrier.arrive $0xFFFF  }
0xa6: {  	_ =	shalt  }

// kernel: kernel.14.cloned.1.call-start
scs
__scs_entry_jumppad:
0x0: {  	(pc) =	sbr.rel $0x88, $3  }
0x1: {  	(tag) =	ssettag $0x0;
	lr =	simm.s32 $0x1  }
0x2: {  	[smem:$0x3F95] =	sst lr;
	_ =	strace $0xD0000000  }
0x3: {  	_ = 	snop  }
0x4: {  	_ = 	snop  }
0x5: {  	_ = 	snop  }
0x6: {  	_ = 	snop  }
0x7: {  	_ = 	snop  }
__scs_overlays_trampoline_lowered:
0x8: {  	[smem:$0x3FA4] =	sst s0  }
0x9: {  	[smem:$0x3FA5] =	sst s1  }
0xa: {  	[smem:$0x3FA6] =	sst s2  }
0xb: {  	[smem:$0x3FA7] =	sst s3  }
0xc: {  	[smem:$0x3FA8] =	sst s4  }
0xd: {  	[smem:$0x3FA9] =	sst s5  }
0xe: {  	[smem:$0x3FAA] =	sst s6  }
0xf: {  	[smem:$0x3FAB] =	sst s7  }
0x10: {  	[smem:$0x3FAC] =	sst s8  }
0x11: {  	[smem:$0x3FAD] =	sst s9;
	s0 =	simm.s32 @!p0 $0x0  }
0x12: {  	s1 =	sld [smem:$0x3F93];
	s0 =	simm.s32 @p0 $0x1  }
0x13: {  	[smem:$0x3FAE] =	sst s0;
	s0 =	simm.s32 @!p1 $0x0  }
0x14: {  	s2 =	sld [smem:$0x3F92];
	s0 =	simm.s32 @p1 $0x1  }
0x15: {  	[smem:$0x3FAF] =	sst s0;
	s0 =	simm.s32 @!p2 $0x0  }
0x16: {  	s3 =	sld [smem:$0x3FDB];
	s0 =	simm.s32 @p2 $0x1  }
0x17: {  	s4 =	simm.s32 $0x1BF5;
	[smem:$0x3FB1] =	sst s0  }
0x18: {  	s0 =	sld [smem:$0x3F94];
	_ =	swait.ge [sflag:s4], $0x0  }
0x19: {  	s7 =	sld [smem:$0x3F95]  }
0x1a: {  	s8 =	sadd.s32 $0xFFFFE003, lr  }
0x1b: {  	s9 =	sadd.s32 $0xFFFFFEF7, lr;
	s5 =	simm.s32 $0xFFFFFFFF;
	p2 =	slt.u32 s8, $0xFFFFF086  }
0x1c: {  	p1 =	slt.u32 s9, $0xF7A;
	s5 =	simm.s32 @!p2 $0x0  }
0x1d: {  	s5 =	simm.s32 @p1 $0x1;
	p0 =	seq.s32 s7, s2  }
0x1e: {  	s7 =	smul.u32 @!p0 $0xF7A, s2;
	p2 =	seq.s32 @!p0 s5, $0x0  }
0x1f: {  	s9 =	smul.u32 $0xF7A, s1;
	s8 =	simm.s32 @!p0 $0x1BF5;
	p2 =	por !p2, p0  }
0x20: {  	[sflag:s8] =	ssyncset.s32 @!p0 $0xFFFFF086;
	s6 =	sadd.s32 @!p0 s3, s7;
	s7 =	simm.s32 @!p0 $0x108  }
0x21: {  	s3 =	sadd.s32 s3, s9;
	s6 =	sadd.s32 @!p0 $0x88, s6;
	s7 =	simm.s32 @p2 $0x1082  }
0x22: {  	[simem:s7], [sflag:s8] =	dma.local @!p0 [hbm:s6], $0xF7A  }
0x23: {  	s9 =	sor.u32 $0xD0000000, s2;
	s6 =	simm.s32 $0x108;
	_ =	swait.ge @!p0 [sflag:s8], $0x0  }
0x24: {  	s3 =	sadd.s32 $0x88, s3;
	s6 =	simm.s32 @!p1 $0x1082;
	[sflag:s4] =	ssyncset.s32 $0xFFFFF086  }
0x25: {  	[simem:s6], [sflag:s4] =	dma.local [hbm:s3], $0xF7A  }
0x26: {  	[smem:$0x3F95] =	sst s1;
	(tag) =	ssettag s2;
	_ =	strace s9  }
0x27: {  	s1 =	sld [smem:$0x3FA5]  }
0x28: {  	s2 =	sld [smem:$0x3FA6]  }
0x29: {  	s4 =	sld [smem:$0x3FA8]  }
0x2a: {  	p0 =	seq.s32 s5, $0x0;
	s5 =	sld [smem:$0x3FA9]  }
0x2b: {  	s6 =	sld [smem:$0x3FAA]  }
0x2c: {  	s7 =	sld [smem:$0x3FAB]  }
0x2d: {  	s3 =	simm.s32 $0x108;
	s8 =	sld [smem:$0x3FAC]  }
0x2e: {  	s3 =	simm.s32 @!p0 $0x1082;
	s9 =	sld [smem:$0x3FAD]  }
0x2f: {  	lr =	sadd.s32 s0, s3;
	s0 =	sld [smem:$0x3FA4]  }
0x30: {  	s3 =	sld [smem:$0x3FA7]  }
0x31: {  	[smem:$0x3FB0] =	sst s10  }
0x32: {  	s10 =	sld [smem:$0x3FAE];
	_ =	sdelay $0x3  }
0x33: {  	p0 =	seq.s32 s10, $0x1;
	s10 =	sld [smem:$0x3FB0];
	_ =	sdelay $0x3  }
0x34: {  	[smem:$0x3FB0] =	sst s10  }
0x35: {  	s10 =	sld [smem:$0x3FAF];
	_ =	sdelay $0x3  }
0x36: {  	p1 =	seq.s32 s10, $0x1;
	s10 =	sld [smem:$0x3FB0];
	_ =	sdelay $0x3  }
0x37: {  	[smem:$0x3FB0] =	sst s10  }
0x38: {  	s10 =	sld [smem:$0x3FB1]  }
0x39: {  	_ = 	snop;
	(pc) =	sbr.ind lr, $3  }
0x3a: {  	_ = 	snop  }
0x3b: {  	_ = 	snop  }
0x3c: {  	p2 =	seq.s32 s10, $0x1;
	s10 =	sld [smem:$0x3FB0]  }
0x3d: {  	_ =	shalt  }
0x3e: {  	_ =	shalt  }
0x3f: {  	_ =	shalt  }
0x40: {  	_ =	shalt  }
0x41: {  	_ =	shalt  }
0x42: {  	_ =	shalt  }
0x43: {  	_ =	shalt  }
0x44: {  	_ =	shalt  }
0x45: {  	_ =	shalt  }
0x46: {  	_ =	shalt  }
0x47: {  	_ =	shalt  }
0x48: {  	_ =	shalt  }
0x49: {  	_ =	shalt  }
0x4a: {  	_ =	shalt  }
0x4b: {  	_ =	shalt  }
0x4c: {  	_ =	shalt  }
0x4d: {  	_ =	shalt  }
0x4e: {  	_ =	shalt  }
0x4f: {  	_ =	shalt  }
0x50: {  	_ =	shalt  }
0x51: {  	_ =	shalt  }
0x52: {  	_ =	shalt  }
0x53: {  	_ =	shalt  }
0x54: {  	_ =	shalt  }
0x55: {  	_ =	shalt  }
0x56: {  	_ =	shalt  }
0x57: {  	_ =	shalt  }
0x58: {  	_ =	shalt  }
0x59: {  	_ =	shalt  }
0x5a: {  	_ =	shalt  }
0x5b: {  	_ =	shalt  }
0x5c: {  	_ =	shalt  }
0x5d: {  	_ =	shalt  }
0x5e: {  	_ =	shalt  }
0x5f: {  	_ =	shalt  }
0x60: {  	_ =	shalt  }
0x61: {  	_ =	shalt  }
0x62: {  	_ =	shalt  }
0x63: {  	_ =	shalt  }
0x64: {  	_ =	shalt  }
0x65: {  	_ =	shalt  }
0x66: {  	_ =	shalt  }
0x67: {  	_ =	shalt  }
0x68: {  	_ =	shalt  }
0x69: {  	_ =	shalt  }
0x6a: {  	_ =	shalt  }
0x6b: {  	_ =	shalt  }
0x6c: {  	_ =	shalt  }
0x6d: {  	_ =	shalt  }
0x6e: {  	_ =	shalt  }
0x6f: {  	_ =	shalt  }
0x70: {  	_ =	shalt  }
0x71: {  	_ =	shalt  }
0x72: {  	_ =	shalt  }
0x73: {  	_ =	shalt  }
0x74: {  	_ =	shalt  }
0x75: {  	_ =	shalt  }
0x76: {  	_ =	shalt  }
0x77: {  	_ =	shalt  }
0x78: {  	_ =	shalt  }
0x79: {  	_ =	shalt  }
0x7a: {  	_ =	shalt  }
0x7b: {  	_ =	shalt  }
0x7c: {  	_ =	shalt  }
0x7d: {  	_ =	shalt  }
0x7e: {  	_ =	shalt  }
0x7f: {  	_ =	shalt  }
0x80: {  	_ =	shalt  }
0x81: {  	_ =	shalt  }
0x82: {  	_ =	shalt  }
0x83: {  	_ =	shalt  }
0x84: {  	_ =	shalt  }
0x85: {  	_ =	shalt  }
0x86: {  	_ =	shalt  }
0x87: {  	_ =	shalt  }
.Lfunc_end0:
.L_simem_size_0:
called_computation.2_lowered:
.L_overlay_start_0:
0x88: {  	s2 =	sld [smem:$0x3FD9]  }
0x89: {  	s3 =	sld [smem:$0x3FFE];
	_ =	sdelay $0x1  }
0x8a: {  	s1 =	srdreg.scid  }
0x8b: {  	s0 =	sand.u32 $0x1, s1  }
0x8c: {  	s17 =	sshll.u32 s0, $0xA;
	s2 =	sadd.s32 s3, s2  }
0x8d: {  	s2 =	sadd.s32 s2, s17  }
0x8e: {  	[smem:$0x3FBC] =	sst s2  }
0x8f: {  	_ = 	snop  }
0x90: {  	s2 =	sld [smem:$0x3FD0];
	(tm) =	ssettm $0x1  }
0x91: {  	s18 =	sld [smem:$0x3FFB];
	_ =	sdelay $0x3  }
0x92: {  	_ =	strace s18  }
0x93: {  	s3 =	sld [smem:$0x3FFC];
	_ =	sdelay $0x3  }
0x94: {  	_ =	strace s3  }
0x95: {  	s3 =	sld [smem:$0x3FFD];
	_ =	sdelay $0x3  }
0x96: {  	_ =	strace s3  }
0x97: {  	_ =	strace $0x8FFFFFFF  }
0x98: {  	s19 =	sld [smem:$0x3FDB];
	_ =	sdelay $0x1  }
0x99: {  	s4 =	simm.s32 $_scs_section_size  }
0x9a: {  	s5 =	simm.s32 $_size__tile_overlayer_lowered;
	s6 =	simm.s32 $_tile_overlayer_lowered  }
0x9b: {  	s22 =	simm.s32 $0x1BFF;
	s21 =	sshll.u32 s6, $0x1;
	s3 =	sadd.s32 s4, s19  }
0x9c: {  	s7 =	simm.s32 $0x0;
	s20 =	sshll.u32 s5, $0x1;
	s5 =	sadd.s32 s21, s3  }
0x9d: {  	[timem:s7], [sflag:s22] =	dma.local [hbm:s5], s20  }
0x9e: {  	_ =	swait.ge [sflag:s22], s20  }
0x9f: {  	s4 =	ssub.s32 $0x0, s20;
	[sflag:s22] =	ssyncset.done $0x0  }
0xa0: {  	[sflag:s22] =	ssyncadd.s32 s4;
	_ =	sdelay $0x1  }
0xa1: {  	s23 =	simm.s32 $0x1B8B  }
0xa2: {  	_ =	swait.ge [sflag:s23], $0x1  }
0xa3: {  	[sflag:s23] =	ssyncset.done $0x0  }
0xa4: {  	s25 =	simm.s32 $0x1B8E;
	s24 =	sld [smem:$0x3FFE];
	[sflag:s23] =	ssyncadd.s32 $0xFFFFFFFF  }
0xa5: {  	s26 =	simm.s32 $execute0_lowered;
	[smem:$0x3FD2] =	sst s25  }
0xa6: {  	s5 =	sshll.u32 s26, $0x1;
	_ =	strace $0x8000004C;
	[dreg:$0x1] =	wrdreg $0xFFFFFFFF  }
0xa7: {  	s28 =	simm.s32 $_size_execute0_lowered;
	s3 =	sadd.s32 s3, s5;
	[dreg:$0x0] =	wrdreg $0x0  }
0xa8: {  	s5 =	sshll.u32 s28, $0x1;
	[dreg:$0x2] =	wrdreg s3  }
0xa9: {  	[dreg:$0x3] =	wrdreg s5  }
0xaa: {  	[dreg:$0x4] =	wrdreg $0xC0  }
0xab: {  	_ =	task [dreg:s7], $0x5FFFF  }
0xac: {  	[dreg:$0x1] =	wrdreg $0xFFFFFFFF  }
0xad: {  	[dreg:$0x0] =	wrdreg $0x60  }
0xae: {  	[dreg:$0x2] =	wrdreg s24  }
0xaf: {  	[dreg:$0x3] =	wrdreg s2  }
0xb0: {  	[dreg:$0x4] =	wrdreg $0x101200  }
0xb1: {  	[dreg:$0x5] =	wrdreg $0x9  }
0xb2: {  	_ =	task.clear_ibuf [dreg:s7], $0x6FFFF;
	_ =	strace $0x9000004C  }
0xb3: {  	s29 =	simm.s32 $0x9;
	_ =	strace $0x8000004E  }
0xb4: {  	_ =	swait.ge [sflag:s29], $0x1  }
0xb5: {  	[sflag:s29] =	ssyncadd.s32 $0xFFFFFFFF  }
0xb6: {  	_ =	strace $0x9000004E  }
0xb7: {  	_ =	sfence  }
0xb8: {  	s30 =	sld [smem:$0x0];
	_ =	sdelay $0x2  }
0xb9: {  	s31 =	sshll.u32 s1, $0xD;
	s1 =	sshrl.u32 s1, $0x2  }
0xba: {  	s3 =	sand.u32 $0x4000, s31;
	s1 =	sadd.s32 s1, s30  }
0xbb: {  	s0 =	sor.u32 s3, s0;
	s1 =	sshll.u32 s1, $0x11  }
0xbc: {  	s0 =	sor.u32 s1, s0  }
0xbd: {  	s0 =	sadd.s32 $0x8F2B, s0  }
0xbe: {  	[sflag:s0] =	ssyncadd.remote.s32 $0x1  }
0xbf: {  	_ =	sfence.sel $0xFFFF  }
0xc0: {  	[dreg:$0x0] =	wrdreg $0xFFFFFFFF;
	(pc) =	sbr.abs _section_cstart, $3  }
0xc1: {  	[dreg:$0x1] =	wrdreg $0xFFFFFFFF  }
0xc2: {  	_ =	task.clear_ibuf [dreg:s7], $0x2FFFF;
	_ =	strace $0x9FFFFFFF  }
0xc3: {  	(tm) =	ssettm $0x7FFFFFFF  }
tec
execute0_lowered:
.L_overlay_start_1:
0x0: {  	(tag) =	ssettag $0x1  }
0x1: {  	s0 =	rddreg [dreg:$0x0]  }
0x2: {  	s8 =	rddreg [dreg:$0x1]  }
0x3: {  	s1 =	srdreg.scid;
	s2 =	rddreg [dreg:$0x2]  }
0x4: {  	s6 =	stileid.u32;
	s3 =	simm.s32 $0x0;
	s11 =	simm.s32 $0xB  }
0x5: {  	s13 =	simm.s32 $0x50;
	s21 =	simm.s32 $0x7620;
	s22 =	simm.s32 $0x1  }
0x6: {  	s23 =	simm.s32 $0x2;
	s24 =	simm.s32 $0x3;
	s28 =	simm.s32 $0x6  }
0x7: {  	s29 =	simm.s32 $0x7;
	s30 =	simm.s32 $0x8;
	s1 =	sand.u32 $0x1, s1  }
0x8: {  	s31 =	simm.s32 $0x9;
	[smem:$0x7FF] =	sst s3;
	s4 =	sshll.u32 s1, $0x4  }
0x9: {  	_ =	strace $0x8000004D;
	s7 =	ssub.s32 $0x2, s1;
	s1 =	smul.u32 $0x9E000, s1  }
0xa: {  	s4 =	sor.u32 s6, s4;
	s6 =	smul.u32 $0x9E00, s6;
	s25 =	sshrl.u32 s7, $0x1  }
0xb: {  	s5 =	smul.u32 $0x4E2, s4;
	s4 =	sadd.s32 $0x15E00, s0;
	s10 =	ssub.s32 s7, s25  }
0xc: {  	s25 =	simm.s32 $0x4;
	s9 =	sshrl.u32 s6, $0x1;
	s1 =	sadd.s32 s6, s1  }
0xd: {  	s0 =	sadd.s32 s5, s0;
	s5 =	sadd.s32 s9, s2;
	s26 =	sshrl.u32 s1, $0x4  }
0xe: {  	s9 =	smax.u32 s10, $0x1;
	s6 =	sadd.s32 $0x2200, s0;
	s7 =	sadd.s32 $0xC000, s0  }
0xf: {  	v0 =	vimm.bf16 $0.0e+00;
	s8 =	sadd.s32 s8, s26;
	s26 =	simm.s32 $0x5;
	s0 =	simm.s32 $0xA  }
.LBB2_1:
0x10: {  	s1 =	simm.s32 $0x80;
	s10 =	simm.s32 $0x0  }
.LBB2_2:
0x11: {  	p0 =	sne.s32 s1, $0x13B80;
	[tilespmem:s10+$0xB220] =	vst v0;
	s12 =	smov.u32 s1;
	s1 =	sadd.s32 $0x80, s1  }
.Ltmp0:
0x12: {  	[tilespmem:s10+$0xB230] =	vst v0;
	(pc) =	sbr.rel @p0 .LBB2_2-.Ltmp0, $2  }
0x13: {  	_ =	sdelay $0x2  }
0x14: {  	s10 =	sshra.s32 s12, $0x2  }
0x15: {  	[tilespmem:s10+$0xB220] =	vst v0  }
0x16: {  	[tilespmem:s10+$0xB230] =	vst v0;
	s1 =	simm.s32 $0xB220  }
0x17: {  	[spmem:s5] =	stream.linear.scatter [tilespmem:s1], [sflag:$0xB], $0x4F00, $0x38;
	[tilespmem:$0x15020] =	vst v63  }
0x18: {  	_ =	swait.ge [sflag:s11], $0x4F00  }
0x19: {  	[sflag:s11] =	ssyncset.done $0x0  }
0x1a: {  	s10 =	simm.s32 $0x0;
	[sflag:s11] =	ssyncadd.s32 $0xFFFFB100  }
0x1b: {  	[tilespmem:s10], [sflag:$0xB] =	stream.linear.gather [hbm4b:s6+s10], $0x2710, $0x38;
	[tilespmem:$0x15020] =	vst v63  }
0x1c: {  	_ =	swait.ge [sflag:s11], $0x2710  }
0x1d: {  	[sflag:s11] =	ssyncset.done $0x0  }
0x1e: {  	s14 =	simm.s32 $0x2710;
	[sflag:s11] =	ssyncadd.s32 $0xFFFFD8F0  }
0x1f: {  	[tilespmem:s14], [sflag:$0xB] =	stream.linear.gather [hbm4b:s7+s10], $0x2710, $0x38;
	[tilespmem:$0x15020] =	vst v63  }
0x20: {  	_ =	swait.ge [sflag:s11], $0x2710  }
0x21: {  	[sflag:s11] =	ssyncset.done $0x0  }
0x22: {  	[sflag:s11] =	ssyncadd.s32 $0xFFFFD8F0  }
0x23: {  	s15 =	simm.s32 $0x4E20;
	[bflag:$0x0] =	sbarrier.arrive $0xFFFF  }
0x24: {  	[tilespmem:s15], [sflag:$0x1] =	stream.indirect.gather [hbm4b:s4+s13], $0x20, s10, s13, $0xb8;
	[tilespmem:$0x15020] =	vst v63  }
0x25: {  	s16 =	simm.s32 $0x5820  }
0x26: {  	[tilespmem:s16], [sflag:$0x2] =	stream.indirect.gather [hbm4b:s4+s13], $0x20, s13, s13, $0xb8;
	[tilespmem:$0x15020] =	vst v63  }
0x27: {  	s17 =	simm.s32 $0xA0;
	s12 =	simm.s32 $0x6220  }
0x28: {  	[tilespmem:s12], [sflag:$0x3] =	stream.indirect.gather [hbm4b:s4+s13], $0x20, s17, s13, $0xb8;
	[tilespmem:$0x15020] =	vst v63  }
0x29: {  	s18 =	simm.s32 $0xF0;
	s19 =	simm.s32 $0x6C20  }
0x2a: {  	[tilespmem:s19], [sflag:$0x4] =	stream.indirect.gather [hbm4b:s4+s13], $0x20, s18, s13, $0xb8;
	[tilespmem:$0x15020] =	vst v63  }
0x2b: {  	s20 =	simm.s32 $0x140;
	s1 =	simm.s32 $0x0  }
0x2c: {  	[tilespmem:s21], [sflag:$0x5] =	stream.indirect.gather [hbm4b:s4+s13], $0x20, s20, s13, $0xb8;
	[tilespmem:$0x15020] =	vst v63  }
.LBB2_4:
0x2d: {  	_ =	swait.ge [sflag:s22], $0xA00  }
0x2e: {  	p0 =	seq.s32 s10, $0x0;
	[sflag:s22] =	ssyncset.done $0x0  }
0x2f: {  	s14 =	simm.s32 @!p0 $0x6;
	[sflag:s22] =	ssyncadd.s32 $0xFFFFF600  }
0x30: {  	p1 =	seq.s32 @!p0 s10, $0x78;
	_ =	swait.ge @!p0 [sflag:s14], $0xA00  }
0x31: {  	s12 =	sadd.s32 $0x5, s10;
	p2 =	por p0, !p1;
	[sflag:s14] =	ssyncset.done @!p0 $0x0  }
0x32: {  	[sflag:s14] =	ssyncadd.s32 @!p0 $0xFFFFF600;
	s14 =	sand.u32 @p2 $0xFF, s12  }
0x33: {  	s14 =	smul.u32 @p2 $0xCD, s14;
	_ =	sdelay $0x1  }
0x34: {  	s14 =	sshrl.u32 @p2 s14, $0xB  }
0x35: {  	s14 =	smul.u32 @p2 $0xA, s14;
	_ =	sdelay $0x1  }
0x36: {  	s14 =	ssub.s32 @p2 s12, s14  }
0x37: {  	s14 =	sand.u32 @p2 $0xFF, s14  }
0x38: {  	s14 =	smul.u32 @p2 $0x2800, s14;
	_ =	sdelay $0x1  }
0x39: {  	s15 =	sshra.s32 @p2 s1, $0x2;
	s14 =	sshrl.u32 @p2 s14, $0x2  }
0x3a: {  	s18 =	smul.u32 $0xCD, s10;
	s15 =	sadd.s32 @p2 $0x190, s15;
	s14 =	sadd.s32 @p2 $0x4E20, s14  }
0x3b: {  	[tilespmem:s14], [sflag:$0x1] =	stream.indirect.gather @p2 [hbm4b:s4+s13], $0x20, s15, s13, $0xb8;
	[tilespmem:$0x15020] =	vst v63  }
0x3c: {  	s14 =	sshrl.u32 s18, $0xB  }
0x3d: {  	s14 =	sand.u32 $0x1F, s14  }
0x3e: {  	s15 =	sadd.s32 $0x1, s10;
	s14 =	smul.u32 $0xA, s14  }
0x3f: {  	s17 =	sadd.s32 $0x6, s10;
	s16 =	sand.u32 $0xFF, s15  }
0x40: {  	s18 =	sand.u32 $0xFF, s17;
	s16 =	smul.u32 $0xCD, s16;
	s14 =	ssub.s32 s10, s14  }
0x41: {  	s18 =	smul.u32 $0xCD, s18;
	s14 =	sand.u32 $0xFF, s14  }
0x42: {  	p1 =	por @!p0 $0x1, $0x1;
	s16 =	sshrl.u32 s16, $0xB;
	s14 =	smul.u32 $0x2800, s14  }
0x43: {  	p1 =	por @p2 $0x0, $0x0;
	s18 =	sshrl.u32 s18, $0xB;
	s16 =	smul.u32 $0xA, s16  }
0x44: {  	s18 =	smul.u32 $0xA, s18;
	s19 =	sshrl.u32 s14, $0x2;
	s14 =	sshra.s32 s1, $0x2  }
0x45: {  	s15 =	ssub.s32 s15, s16;
	s19 =	sadd.s32 $0x4E20, s19;
	s20 =	sadd.s32 $0x2710, s14  }
0x46: {  	[spmem:s2] =	stream.indirect.scatter.add.bf16 [tilespmem:s19], [sflag:$0x6], $0x20, s20, s13, $0xb8;
	[tilespmem:$0x15020] =	vst v63  }
0x47: {  	s15 =	sand.u32 $0xFF, s15;
	s19 =	ssub.s32 s17, s18;
	_ =	swait.ge [sflag:s23], $0xA00  }
0x48: {  	s15 =	smul.u32 $0x2800, s15;
	s16 =	sand.u32 $0xFF, s19;
	[sflag:s23] =	ssyncset.done $0x0  }
0x49: {  	s17 =	simm.s32 @!p0 $0x7;
	s16 =	smul.u32 @!p1 $0x2800, s16;
	[sflag:s23] =	ssyncadd.s32 $0xFFFFF600  }
0x4a: {  	s20 =	sshrl.u32 s15, $0x2;
	s15 =	sshra.s32 @!p1 s1, $0x2;
	_ =	swait.ge @!p0 [sflag:s17], $0xA00  }
0x4b: {  	s19 =	sadd.s32 @!p1 $0x1E0, s15;
	s16 =	sshrl.u32 @!p1 s16, $0x2;
	[sflag:s17] =	ssyncset.done @!p0 $0x0  }
0x4c: {  	[sflag:s17] =	ssyncadd.s32 @!p0 $0xFFFFF600;
	s17 =	sadd.s32 @!p1 $0x4E20, s16;
	s16 =	simm.s32 @!p1 $0x50  }
0x4d: {  	[tilespmem:s17], [sflag:$0x2] =	stream.indirect.gather @!p1 [hbm4b:s4+s16], $0x20, s19, s16, $0xb8;
	[tilespmem:$0x15020] =	vst v63  }
0x4e: {  	s18 =	sadd.s32 $0x4E20, s20;
	s19 =	sadd.s32 $0x2760, s14;
	s17 =	sadd.s32 $0x2, s10  }
0x4f: {  	[spmem:s2] =	stream.indirect.scatter.add.bf16 [tilespmem:s18], [sflag:$0x7], $0x20, s19, s13, $0xb8;
	[tilespmem:$0x15020] =	vst v63  }
0x50: {  	s20 =	sand.u32 $0xFF, s17;
	s19 =	sadd.s32 $0x7, s10  }
0x51: {  	s18 =	smul.u32 $0xCD, s20;
	s20 =	sand.u32 $0xFF, s19  }
0x52: {  	s20 =	smul.u32 $0xCD, s20  }
0x53: {  	s18 =	sshrl.u32 s18, $0xB  }
0x54: {  	s18 =	smul.u32 $0xA, s18;
	s20 =	sshrl.u32 s20, $0xB  }
0x55: {  	s20 =	smul.u32 $0xA, s20  }
0x56: {  	s17 =	ssub.s32 s17, s18  }
0x57: {  	_ =	swait.ge [sflag:s24], $0xA00;
	s17 =	sand.u32 $0xFF, s17;
	s20 =	ssub.s32 s19, s20  }
0x58: {  	[sflag:s24] =	ssyncset.done $0x0;
	s17 =	smul.u32 $0x2800, s17;
	s18 =	sand.u32 $0xFF, s20  }
0x59: {  	[sflag:s24] =	ssyncadd.s32 $0xFFFFF600;
	s19 =	simm.s32 @!p0 $0x8;
	s18 =	smul.u32 @!p1 $0x2800, s18  }
0x5a: {  	_ =	swait.ge @!p0 [sflag:s19], $0xA00  }
0x5b: {  	s17 =	sshrl.u32 s17, $0x2;
	[sflag:s19] =	ssyncset.done @!p0 $0x0;
	s18 =	sshrl.u32 @!p1 s18, $0x2  }
0x5c: {  	[sflag:s19] =	ssyncadd.s32 @!p0 $0xFFFFF600;
	s19 =	sadd.s32 @!p1 $0x230, s15;
	s18 =	sadd.s32 @!p1 $0x4E20, s18  }
0x5d: {  	[tilespmem:s18], [sflag:$0x3] =	stream.indirect.gather @!p1 [hbm4b:s4+s16], $0x20, s19, s16, $0xb8;
	[tilespmem:$0x15020] =	vst v63  }
0x5e: {  	s17 =	sadd.s32 $0x4E20, s17;
	s19 =	sadd.s32 $0x27B0, s14  }
0x5f: {  	[spmem:s2] =	stream.indirect.scatter.add.bf16 [tilespmem:s17], [sflag:$0x8], $0x20, s19, s13, $0xb8;
	[tilespmem:$0x15020] =	vst v63  }
0x60: {  	s17 =	sadd.s32 $0x3, s10  }
0x61: {  	s19 =	sadd.s32 $0x8, s10;
	s20 =	sand.u32 $0xFF, s17  }
0x62: {  	s18 =	smul.u32 $0xCD, s20;
	s20 =	sand.u32 $0xFF, s19  }
0x63: {  	s20 =	smul.u32 $0xCD, s20  }
0x64: {  	s18 =	sshrl.u32 s18, $0xB  }
0x65: {  	s18 =	smul.u32 $0xA, s18;
	s20 =	sshrl.u32 s20, $0xB  }
0x66: {  	s20 =	smul.u32 $0xA, s20  }
0x67: {  	s17 =	ssub.s32 s17, s18  }
0x68: {  	_ =	swait.ge [sflag:s25], $0xA00;
	s17 =	sand.u32 $0xFF, s17;
	s19 =	ssub.s32 s19, s20  }
0x69: {  	[sflag:s25] =	ssyncset.done $0x0;
	s18 =	sand.u32 $0xFF, s19;
	s17 =	smul.u32 $0x2800, s17  }
0x6a: {  	[sflag:s25] =	ssyncadd.s32 $0xFFFFF600;
	s19 =	simm.s32 @!p0 $0x9;
	s18 =	smul.u32 @!p1 $0x2800, s18  }
0x6b: {  	_ =	swait.ge @!p0 [sflag:s19], $0xA00  }
0x6c: {  	s17 =	sshrl.u32 s17, $0x2;
	[sflag:s19] =	ssyncset.done @!p0 $0x0;
	s18 =	sshrl.u32 @!p1 s18, $0x2  }
0x6d: {  	[sflag:s19] =	ssyncadd.s32 @!p0 $0xFFFFF600;
	s19 =	sadd.s32 @!p1 $0x280, s15;
	s18 =	sadd.s32 @!p1 $0x4E20, s18  }
0x6e: {  	[tilespmem:s18], [sflag:$0x4] =	stream.indirect.gather @!p1 [hbm4b:s4+s16], $0x20, s19, s16, $0xb8;
	[tilespmem:$0x15020] =	vst v63  }
0x6f: {  	s20 =	sadd.s32 $0x2800, s14;
	s17 =	sadd.s32 $0x4E20, s17  }
0x70: {  	[spmem:s2] =	stream.indirect.scatter.add.bf16 [tilespmem:s17], [sflag:$0x9], $0x20, s20, s13, $0xb8;
	[tilespmem:$0x15020] =	vst v63  }
0x71: {  	s17 =	sadd.s32 $0x4, s10  }
0x72: {  	s10 =	sadd.s32 $0x9, s10;
	s19 =	sand.u32 $0xFF, s17  }
0x73: {  	s20 =	sand.u32 $0xFF, s10;
	s18 =	smul.u32 $0xCD, s19  }
0x74: {  	s19 =	smul.u32 $0xCD, s20  }
0x75: {  	s18 =	sshrl.u32 s18, $0xB  }
0x76: {  	_ =	swait.ge [sflag:s26], $0xA00;
	s19 =	sshrl.u32 s19, $0xB;
	s18 =	smul.u32 $0xA, s18  }
0x77: {  	[sflag:s26] =	ssyncset.done $0x0;
	s19 =	smul.u32 $0xA, s19  }
0x78: {  	[sflag:s26] =	ssyncadd.s32 $0xFFFFF600  }
0x79: {  	s17 =	ssub.s32 s17, s18;
	s10 =	ssub.s32 s10, s19;
	s18 =	simm.s32 @!p0 $0xA  }
0x7a: {  	s10 =	sand.u32 $0xFF, s10;
	_ =	swait.ge @!p0 [sflag:s18], $0xA00  }
0x7b: {  	s17 =	sand.u32 $0xFF, s17;
	s10 =	smul.u32 @!p1 $0x2800, s10;
	[sflag:s18] =	ssyncset.done @!p0 $0x0  }
0x7c: {  	s17 =	smul.u32 $0x2800, s17;
	[sflag:s18] =	ssyncadd.s32 @!p0 $0xFFFFF600;
	p0 =	sne.s32 s12, $0x7D  }
.Ltmp1:
0x7d: {  	s1 =	sadd.s32 $0x640, s1;
	s10 =	sshrl.u32 @!p1 s10, $0x2;
	(pc) =	sbr.rel @p0 .LBB2_4-.Ltmp1, $4  }
0x7e: {  	s15 =	sadd.s32 @!p1 $0x2D0, s15;
	s17 =	sshrl.u32 s17, $0x2;
	s10 =	sadd.s32 @!p1 $0x4E20, s10  }
0x7f: {  	[tilespmem:s10], [sflag:$0x5] =	stream.indirect.gather @!p1 [hbm4b:s4+s16], $0x20, s15, s16, $0xb8;
	[tilespmem:$0x15020] =	vst v63  }
0x80: {  	s14 =	sadd.s32 $0x2850, s14;
	s20 =	sadd.s32 $0x4E20, s17;
	s10 =	smov.u32 s12  }
0x81: {  	[spmem:s2] =	stream.indirect.scatter.add.bf16 [tilespmem:s20], [sflag:$0xA], $0x20, s14, s13, $0xb8;
	[tilespmem:$0x15020] =	vst v63  }
0x82: {  	_ =	swait.ge [sflag:s28], $0xA00  }
0x83: {  	[sflag:s28] =	ssyncset.done $0x0  }
0x84: {  	[sflag:s28] =	ssyncadd.s32 $0xFFFFF600  }
0x85: {  	_ =	swait.ge [sflag:s29], $0xA00  }
0x86: {  	[sflag:s29] =	ssyncset.done $0x0  }
0x87: {  	[sflag:s29] =	ssyncadd.s32 $0xFFFFF600  }
0x88: {  	_ =	swait.ge [sflag:s30], $0xA00  }
0x89: {  	[sflag:s30] =	ssyncset.done $0x0  }
0x8a: {  	[sflag:s30] =	ssyncadd.s32 $0xFFFFF600  }
0x8b: {  	_ =	swait.ge [sflag:s31], $0xA00  }
0x8c: {  	[sflag:s31] =	ssyncset.done $0x0  }
0x8d: {  	[sflag:s31] =	ssyncadd.s32 $0xFFFFF600  }
0x8e: {  	s1 =	stileid.u32;
	_ =	swait.ge [sflag:s0], $0xA00  }
0x8f: {  	s10 =	sshrl.u32 s5, $0x3;
	s3 =	sadd.s32 $0x1, s3;
	[sflag:s0] =	ssyncset.done $0x0  }
0x90: {  	s1 =	sshll.u32 s1, $0x6;
	p0 =	sne.s32 s3, s9;
	[sflag:s0] =	ssyncadd.s32 $0xFFFFF600  }
.Ltmp2:
0x91: {  	s1 =	sor.u32 $0x1C0B, s1;
	[bflag:$0x0] =	sbarrier.arrive $0xFFFF;
	(pc) =	sbr.rel @p0 .LBB2_1-.Ltmp2, $4  }
0x92: {  	[hbm:s8], [sflag:s1] =	dma.local [spmem:s10], $0x9E0  }
0x93: {  	_ =	swait.ge [sflag:s11], $0x9E0  }
0x94: {  	[sflag:s11] =	ssyncset.done $0x0  }
0x95: {  	[sflag:s11] =	ssyncadd.s32 $0xFFFFF620  }
0x96: {  	_ =	sfence.sel $0x180000  }
0x97: {  	[bflag:$0x0] =	sbarrier.arrive $0xFFFF  }
0x98: {  	_ =	strace $0x9000004D  }
0x99: {  	s0 =	stileid.u32;
	[bflag:$0x2] =	sbarrier.arrive $0xFFFF  }
0x9a: {  	p0 =	sne.s32 s0, $0x0;
	s0 =	rddreg [dreg:$0x3]  }
0x9b: {  	s0 =	sadd.s32 @!p0 $0x100000, s0  }
0x9c: {  	[sflag:s0] =	ssyncadd.tile.s32 @!p0 $0x1;
	_ =	shalt  }
.Lfunc_end2:
_tile_overlayer_lowered:
.L_overlay_start_2:
0x9d: {  	(tag) =	ssettag $0x2  }
0x9e: {  	s0 =	rddreg [dreg:$0x0];
	s2 =	stileid.u32  }
0x9f: {  	s1 =	rddreg [dreg:$0x1];
	p0 =	sne.s32 s2, $0x0  }
0xa0: {  	s3 =	rddreg [dreg:$0x2];
	[bflag:$0x3] =	sbarrier.arrive $0xFFFF;
	s2 =	simm.s32 @!p0 $0x1C0B  }
0xa1: {  	[timem:s3], [sflag:s2] =	dma.local @!p0 [hbm:s0], s1  }
0xa2: {  	s0 =	simm.s32 @!p0 $0xB  }
0xa3: {  	_ =	swait.ge @!p0 [sflag:s0], s1  }
0xa4: {  	s1 =	ssub.s32 @!p0 $0x0, s1;
	[sflag:s0] =	ssyncset.done @!p0 $0x0  }
0xa5: {  	[sflag:s0] =	ssyncadd.s32 @!p0 s1  }
0xa6: {  	[bflag:$0x3] =	sbarrier.arrive $0xFFFF  }
0xa7: {  	_ =	shalt  }

// kernel: kernel.8.cloned.1.call-start
scs
__scs_entry_jumppad:
0x0: {  	(pc) =	sbr.rel $0x88, $3  }
0x1: {  	(tag) =	ssettag $0x0;
	lr =	simm.s32 $0x1  }
0x2: {  	[smem:$0x3F95] =	sst lr;
	_ =	strace $0xD0000000  }
0x3: {  	_ = 	snop  }
0x4: {  	_ = 	snop  }
0x5: {  	_ = 	snop  }
0x6: {  	_ = 	snop  }
0x7: {  	_ = 	snop  }
__scs_overlays_trampoline_lowered:
0x8: {  	[smem:$0x3FA4] =	sst s0  }
0x9: {  	[smem:$0x3FA5] =	sst s1  }
0xa: {  	[smem:$0x3FA6] =	sst s2  }
0xb: {  	[smem:$0x3FA7] =	sst s3  }
0xc: {  	[smem:$0x3FA8] =	sst s4  }
0xd: {  	[smem:$0x3FA9] =	sst s5  }
0xe: {  	[smem:$0x3FAA] =	sst s6  }
0xf: {  	[smem:$0x3FAB] =	sst s7  }
0x10: {  	[smem:$0x3FAC] =	sst s8  }
0x11: {  	[smem:$0x3FAD] =	sst s9;
	s0 =	simm.s32 @!p0 $0x0  }
0x12: {  	s1 =	sld [smem:$0x3F93];
	s0 =	simm.s32 @p0 $0x1  }
0x13: {  	[smem:$0x3FAE] =	sst s0;
	s0 =	simm.s32 @!p1 $0x0  }
0x14: {  	s2 =	sld [smem:$0x3F92];
	s0 =	simm.s32 @p1 $0x1  }
0x15: {  	[smem:$0x3FAF] =	sst s0;
	s0 =	simm.s32 @!p2 $0x0  }
0x16: {  	s3 =	sld [smem:$0x3FDB];
	s0 =	simm.s32 @p2 $0x1  }
0x17: {  	s4 =	simm.s32 $0x1BF5;
	[smem:$0x3FB1] =	sst s0  }
0x18: {  	s0 =	sld [smem:$0x3F94];
	_ =	swait.ge [sflag:s4], $0x0  }
0x19: {  	s7 =	sld [smem:$0x3F95]  }
0x1a: {  	s8 =	sadd.s32 $0xFFFFE003, lr  }
0x1b: {  	s9 =	sadd.s32 $0xFFFFFEF7, lr;
	s5 =	simm.s32 $0xFFFFFFFF;
	p2 =	slt.u32 s8, $0xFFFFF086  }
0x1c: {  	p1 =	slt.u32 s9, $0xF7A;
	s5 =	simm.s32 @!p2 $0x0  }
0x1d: {  	s5 =	simm.s32 @p1 $0x1;
	p0 =	seq.s32 s7, s2  }
0x1e: {  	s7 =	smul.u32 @!p0 $0xF7A, s2;
	p2 =	seq.s32 @!p0 s5, $0x0  }
0x1f: {  	s9 =	smul.u32 $0xF7A, s1;
	s8 =	simm.s32 @!p0 $0x1BF5;
	p2 =	por !p2, p0  }
0x20: {  	[sflag:s8] =	ssyncset.s32 @!p0 $0xFFFFF086;
	s6 =	sadd.s32 @!p0 s3, s7;
	s7 =	simm.s32 @!p0 $0x108  }
0x21: {  	s3 =	sadd.s32 s3, s9;
	s6 =	sadd.s32 @!p0 $0x88, s6;
	s7 =	simm.s32 @p2 $0x1082  }
0x22: {  	[simem:s7], [sflag:s8] =	dma.local @!p0 [hbm:s6], $0xF7A  }
0x23: {  	s9 =	sor.u32 $0xD0000000, s2;
	s6 =	simm.s32 $0x108;
	_ =	swait.ge @!p0 [sflag:s8], $0x0  }
0x24: {  	s3 =	sadd.s32 $0x88, s3;
	s6 =	simm.s32 @!p1 $0x1082;
	[sflag:s4] =	ssyncset.s32 $0xFFFFF086  }
0x25: {  	[simem:s6], [sflag:s4] =	dma.local [hbm:s3], $0xF7A  }
0x26: {  	[smem:$0x3F95] =	sst s1;
	(tag) =	ssettag s2;
	_ =	strace s9  }
0x27: {  	s1 =	sld [smem:$0x3FA5]  }
0x28: {  	s2 =	sld [smem:$0x3FA6]  }
0x29: {  	s4 =	sld [smem:$0x3FA8]  }
0x2a: {  	p0 =	seq.s32 s5, $0x0;
	s5 =	sld [smem:$0x3FA9]  }
0x2b: {  	s6 =	sld [smem:$0x3FAA]  }
0x2c: {  	s7 =	sld [smem:$0x3FAB]  }
0x2d: {  	s3 =	simm.s32 $0x108;
	s8 =	sld [smem:$0x3FAC]  }
0x2e: {  	s3 =	simm.s32 @!p0 $0x1082;
	s9 =	sld [smem:$0x3FAD]  }
0x2f: {  	lr =	sadd.s32 s0, s3;
	s0 =	sld [smem:$0x3FA4]  }
0x30: {  	s3 =	sld [smem:$0x3FA7]  }
0x31: {  	[smem:$0x3FB0] =	sst s10  }
0x32: {  	s10 =	sld [smem:$0x3FAE];
	_ =	sdelay $0x3  }
0x33: {  	p0 =	seq.s32 s10, $0x1;
	s10 =	sld [smem:$0x3FB0];
	_ =	sdelay $0x3  }
0x34: {  	[smem:$0x3FB0] =	sst s10  }
0x35: {  	s10 =	sld [smem:$0x3FAF];
	_ =	sdelay $0x3  }
0x36: {  	p1 =	seq.s32 s10, $0x1;
	s10 =	sld [smem:$0x3FB0];
	_ =	sdelay $0x3  }
0x37: {  	[smem:$0x3FB0] =	sst s10  }
0x38: {  	s10 =	sld [smem:$0x3FB1]  }
0x39: {  	_ = 	snop;
	(pc) =	sbr.ind lr, $3  }
0x3a: {  	_ = 	snop  }
0x3b: {  	_ = 	snop  }
0x3c: {  	p2 =	seq.s32 s10, $0x1;
	s10 =	sld [smem:$0x3FB0]  }
0x3d: {  	_ =	shalt  }
0x3e: {  	_ =	shalt  }
0x3f: {  	_ =	shalt  }
0x40: {  	_ =	shalt  }
0x41: {  	_ =	shalt  }
0x42: {  	_ =	shalt  }
0x43: {  	_ =	shalt  }
0x44: {  	_ =	shalt  }
0x45: {  	_ =	shalt  }
0x46: {  	_ =	shalt  }
0x47: {  	_ =	shalt  }
0x48: {  	_ =	shalt  }
0x49: {  	_ =	shalt  }
0x4a: {  	_ =	shalt  }
0x4b: {  	_ =	shalt  }
0x4c: {  	_ =	shalt  }
0x4d: {  	_ =	shalt  }
0x4e: {  	_ =	shalt  }
0x4f: {  	_ =	shalt  }
0x50: {  	_ =	shalt  }
0x51: {  	_ =	shalt  }
0x52: {  	_ =	shalt  }
0x53: {  	_ =	shalt  }
0x54: {  	_ =	shalt  }
0x55: {  	_ =	shalt  }
0x56: {  	_ =	shalt  }
0x57: {  	_ =	shalt  }
0x58: {  	_ =	shalt  }
0x59: {  	_ =	shalt  }
0x5a: {  	_ =	shalt  }
0x5b: {  	_ =	shalt  }
0x5c: {  	_ =	shalt  }
0x5d: {  	_ =	shalt  }
0x5e: {  	_ =	shalt  }
0x5f: {  	_ =	shalt  }
0x60: {  	_ =	shalt  }
0x61: {  	_ =	shalt  }
0x62: {  	_ =	shalt  }
0x63: {  	_ =	shalt  }
0x64: {  	_ =	shalt  }
0x65: {  	_ =	shalt  }
0x66: {  	_ =	shalt  }
0x67: {  	_ =	shalt  }
0x68: {  	_ =	shalt  }
0x69: {  	_ =	shalt  }
0x6a: {  	_ =	shalt  }
0x6b: {  	_ =	shalt  }
0x6c: {  	_ =	shalt  }
0x6d: {  	_ =	shalt  }
0x6e: {  	_ =	shalt  }
0x6f: {  	_ =	shalt  }
0x70: {  	_ =	shalt  }
0x71: {  	_ =	shalt  }
0x72: {  	_ =	shalt  }
0x73: {  	_ =	shalt  }
0x74: {  	_ =	shalt  }
0x75: {  	_ =	shalt  }
0x76: {  	_ =	shalt  }
0x77: {  	_ =	shalt  }
0x78: {  	_ =	shalt  }
0x79: {  	_ =	shalt  }
0x7a: {  	_ =	shalt  }
0x7b: {  	_ =	shalt  }
0x7c: {  	_ =	shalt  }
0x7d: {  	_ =	shalt  }
0x7e: {  	_ =	shalt  }
0x7f: {  	_ =	shalt  }
0x80: {  	_ =	shalt  }
0x81: {  	_ =	shalt  }
0x82: {  	_ =	shalt  }
0x83: {  	_ =	shalt  }
0x84: {  	_ =	shalt  }
0x85: {  	_ =	shalt  }
0x86: {  	_ =	shalt  }
0x87: {  	_ =	shalt  }
.Lfunc_end0:
.L_simem_size_0:
called_computation_lowered:
.L_overlay_start_0:
0x88: {  	s2 =	sld [smem:$0x3FD9]  }
0x89: {  	s3 =	sld [smem:$0x3FFE];
	_ =	sdelay $0x1  }
0x8a: {  	s1 =	srdreg.scid  }
0x8b: {  	s0 =	sand.u32 $0x1, s1  }
0x8c: {  	s17 =	sshll.u32 s0, $0xA;
	s2 =	sadd.s32 s3, s2  }
0x8d: {  	s2 =	sadd.s32 s2, s17  }
0x8e: {  	[smem:$0x3FBC] =	sst s2  }
0x8f: {  	_ = 	snop  }
0x90: {  	s2 =	sld [smem:$0x3FD0];
	(tm) =	ssettm $0x1  }
0x91: {  	s18 =	sld [smem:$0x3FFB];
	_ =	sdelay $0x3  }
0x92: {  	_ =	strace s18  }
0x93: {  	s3 =	sld [smem:$0x3FFC];
	_ =	sdelay $0x3  }
0x94: {  	_ =	strace s3  }
0x95: {  	s3 =	sld [smem:$0x3FFD];
	_ =	sdelay $0x3  }
0x96: {  	_ =	strace s3  }
0x97: {  	_ =	strace $0x8FFFFFFF  }
0x98: {  	s19 =	sld [smem:$0x3FDB];
	_ =	sdelay $0x1  }
0x99: {  	s4 =	simm.s32 $_scs_section_size  }
0x9a: {  	s5 =	simm.s32 $_size__tile_overlayer_lowered;
	s6 =	simm.s32 $_tile_overlayer_lowered  }
0x9b: {  	s22 =	simm.s32 $0x1BFF;
	s21 =	sshll.u32 s6, $0x1;
	s3 =	sadd.s32 s4, s19  }
0x9c: {  	s7 =	simm.s32 $0x0;
	s20 =	sshll.u32 s5, $0x1;
	s5 =	sadd.s32 s21, s3  }
0x9d: {  	[timem:s7], [sflag:s22] =	dma.local [hbm:s5], s20  }
0x9e: {  	_ =	swait.ge [sflag:s22], s20  }
0x9f: {  	s4 =	ssub.s32 $0x0, s20;
	[sflag:s22] =	ssyncset.done $0x0  }
0xa0: {  	[sflag:s22] =	ssyncadd.s32 s4;
	_ =	sdelay $0x1  }
0xa1: {  	s23 =	simm.s32 $0x1B8B  }
0xa2: {  	_ =	swait.ge [sflag:s23], $0x1  }
0xa3: {  	[sflag:s23] =	ssyncset.done $0x0  }
0xa4: {  	s25 =	simm.s32 $0x1B8E;
	s24 =	sld [smem:$0x3FFE];
	[sflag:s23] =	ssyncadd.s32 $0xFFFFFFFF  }
0xa5: {  	s26 =	simm.s32 $execute0_lowered;
	[smem:$0x3FD2] =	sst s25  }
0xa6: {  	s5 =	sshll.u32 s26, $0x1;
	_ =	strace $0x80000046;
	[dreg:$0x1] =	wrdreg $0xFFFFFFFF  }
0xa7: {  	s28 =	simm.s32 $_size_execute0_lowered;
	s3 =	sadd.s32 s3, s5;
	[dreg:$0x0] =	wrdreg $0x0  }
0xa8: {  	s5 =	sshll.u32 s28, $0x1;
	[dreg:$0x2] =	wrdreg s3  }
0xa9: {  	[dreg:$0x3] =	wrdreg s5  }
0xaa: {  	[dreg:$0x4] =	wrdreg $0xC0  }
0xab: {  	_ =	task [dreg:s7], $0x5FFFF  }
0xac: {  	[dreg:$0x1] =	wrdreg $0xFFFFFFFF  }
0xad: {  	[dreg:$0x0] =	wrdreg $0x60  }
0xae: {  	[dreg:$0x2] =	wrdreg s24  }
0xaf: {  	[dreg:$0x3] =	wrdreg s2  }
0xb0: {  	[dreg:$0x4] =	wrdreg $0x53900  }
0xb1: {  	[dreg:$0x5] =	wrdreg $0x9  }
0xb2: {  	_ =	task.clear_ibuf [dreg:s7], $0x6FFFF;
	_ =	strace $0x90000046  }
0xb3: {  	s29 =	simm.s32 $0x9;
	_ =	strace $0x80000048  }
0xb4: {  	_ =	swait.ge [sflag:s29], $0x1  }
0xb5: {  	[sflag:s29] =	ssyncadd.s32 $0xFFFFFFFF  }
0xb6: {  	_ =	strace $0x90000048  }
0xb7: {  	_ =	sfence  }
0xb8: {  	s30 =	sld [smem:$0x0];
	_ =	sdelay $0x2  }
0xb9: {  	s31 =	sshll.u32 s1, $0xD;
	s1 =	sshrl.u32 s1, $0x2  }
0xba: {  	s3 =	sand.u32 $0x4000, s31;
	s1 =	sadd.s32 s1, s30  }
0xbb: {  	s0 =	sor.u32 s3, s0;
	s1 =	sshll.u32 s1, $0x11  }
0xbc: {  	s0 =	sor.u32 s1, s0  }
0xbd: {  	s0 =	sadd.s32 $0x8F2B, s0  }
0xbe: {  	[sflag:s0] =	ssyncadd.remote.s32 $0x1  }
0xbf: {  	_ =	sfence.sel $0xFFFF  }
0xc0: {  	[dreg:$0x0] =	wrdreg $0xFFFFFFFF;
	(pc) =	sbr.abs _section_cstart, $3  }
0xc1: {  	[dreg:$0x1] =	wrdreg $0xFFFFFFFF  }
0xc2: {  	_ =	task.clear_ibuf [dreg:s7], $0x2FFFF;
	_ =	strace $0x9FFFFFFF  }
0xc3: {  	(tm) =	ssettm $0x7FFFFFFF  }
tec
execute0_lowered:
.L_overlay_start_1:
0x0: {  	(tag) =	ssettag $0x1  }
0x1: {  	s5 =	rddreg [dreg:$0x0]  }
0x2: {  	s6 =	rddreg [dreg:$0x1]  }
0x3: {  	s0 =	srdreg.scid;
	s2 =	rddreg [dreg:$0x2]  }
0x4: {  	s3 =	simm.s32 $0x0;
	s10 =	simm.s32 $0x50;
	s11 =	simm.s32 $0x2710  }
0x5: {  	s12 =	simm.s32 $0xA0;
	s13 =	simm.s32 $0xF0;
	s14 =	simm.s32 $0x140  }
0x6: {  	s15 =	simm.s32 $0x1;
	s16 =	simm.s32 $0x2;
	s17 =	simm.s32 $0x3  }
0x7: {  	s18 =	simm.s32 $0x4;
	s4 =	sand.u32 $0x1, s0;
	s0 =	stileid.u32  }
0x8: {  	s19 =	simm.s32 $0x5;
	s21 =	simm.s32 $0x0;
	s8 =	smul.u32 $0x2780, s0  }
0x9: {  	[smem:$0x7FF] =	sst s3;
	s1 =	sshll.u32 s4, $0x4;
	s9 =	smul.u32 $0x27800, s4  }
0xa: {  	s4 =	ssub.s32 $0x2, s4;
	s20 =	sshll.u32 s0, $0x6;
	s1 =	sor.u32 s0, s1  }
0xb: {  	s30 =	sshrl.u32 s4, $0x1;
	s20 =	sor.u32 $0x1C06, s20;
	s7 =	smul.u32 $0x4E2, s1  }
0xc: {  	s1 =	rddreg [dreg:$0x3];
	_ =	strace $0x80000047;
	s9 =	sadd.s32 s8, s9  }
0xd: {  	s31 =	sshrl.u32 s9, $0x3;
	s9 =	simm.s32 $0x6;
	s5 =	sadd.s32 s7, s5  }
0xe: {  	s7 =	ssub.s32 s4, s30;
	s4 =	sadd.s32 s8, s2;
	s6 =	sadd.s32 s6, s31  }
0xf: {  	v0 =	vimm.f32 $1.000000000e+00;
	v1 =	vimm.f32 $0.0e+00;
	s8 =	simm.s32 $0x2C10;
	s5 =	sadd.s32 $0xC000, s5;
	s7 =	smax.u32 s7, $0x1  }
.LBB2_1:
0x10: {  	s22 =	simm.s32 $0x0  }
.LBB2_2:
0x11: {  	p0 =	sne.s32 s22, $0x13C0  }
.Ltmp0:
0x12: {  	_ = 	snop;
	(pc) =	sbr.rel @p0 .LBB2_2-.Ltmp0, $3  }
0x13: {  	_ =	sdelay $0x1  }
0x14: {  	s23 =	sshra.s32 s22, $0x2  }
0x15: {  	s22 =	sadd.s32 $0x40, s22;
	[tilespmem:s23+$0x2710] =	vst v0  }
0x16: {  	s22 =	simm.s32 $0x40;
	s23 =	simm.s32 $0x0  }
.LBB2_4:
0x17: {  	p0 =	sne.s32 s22, $0x9DC0;
	[tilespmem:s23+$0x2C10] =	vst v1;
	s23 =	smov.u32 s22;
	s22 =	sadd.s32 $0x40, s22  }
.Ltmp1:
0x18: {  	(pc) =	sbr.rel @p0 .LBB2_4-.Ltmp1, $2  }
0x19: {  	_ =	sdelay $0x2  }
0x1a: {  	s23 =	sshra.s32 s23, $0x2  }
0x1b: {  	[tilespmem:s23+$0x2C10] =	vst v1  }
0x1c: {  	[spmem:s4] =	stream.linear.scatter [tilespmem:s8], [sflag:$0x6], $0x2780, $0x38;
	[tilespmem:$0x7B10] =	vst v63  }
0x1d: {  	_ =	swait.ge [sflag:s9], $0x2780  }
0x1e: {  	[sflag:s9] =	ssyncset.done $0x0  }
0x1f: {  	[sflag:s9] =	ssyncadd.s32 $0xFFFFD880  }
0x20: {  	[tilespmem:s3], [sflag:$0x6] =	stream.linear.gather [hbm4b:s5+s3], $0x2710, $0x38;
	[tilespmem:$0x7B10] =	vst v63  }
0x21: {  	_ =	swait.ge [sflag:s9], $0x2710  }
0x22: {  	[sflag:s9] =	ssyncset.done $0x0  }
0x23: {  	[sflag:s9] =	ssyncadd.s32 $0xFFFFD8F0  }
0x24: {  	[bflag:$0x0] =	sbarrier.arrive $0xFFFF  }
0x25: {  	[spmem:s2] =	stream.indirect.scatter.add.f32 [tilespmem:s11], [sflag:$0x1], $0x10, s3, s10, $0xb8;
	[tilespmem:$0x7B10] =	vst v63  }
0x26: {  	_ = 	snop  }
0x27: {  	[spmem:s2] =	stream.indirect.scatter.add.f32 [tilespmem:s11], [sflag:$0x2], $0x10, s10, s10, $0xb8;
	[tilespmem:$0x7B10] =	vst v63  }
0x28: {  	_ = 	snop  }
0x29: {  	[spmem:s2] =	stream.indirect.scatter.add.f32 [tilespmem:s11], [sflag:$0x3], $0x10, s12, s10, $0xb8;
	[tilespmem:$0x7B10] =	vst v63  }
0x2a: {  	_ = 	snop  }
0x2b: {  	[spmem:s2] =	stream.indirect.scatter.add.f32 [tilespmem:s11], [sflag:$0x4], $0x10, s13, s10, $0xb8;
	[tilespmem:$0x7B10] =	vst v63  }
0x2c: {  	_ = 	snop  }
0x2d: {  	[spmem:s2] =	stream.indirect.scatter.add.f32 [tilespmem:s11], [sflag:$0x5], $0x10, s14, s10, $0xb8;
	[tilespmem:$0x7B10] =	vst v63  }
0x2e: {  	_ =	swait.ge [sflag:s15], $0x500  }
0x2f: {  	[sflag:s15] =	ssyncset.done $0x0  }
0x30: {  	s22 =	simm.s32 $0x190;
	[sflag:s15] =	ssyncadd.s32 $0xFFFFFB00  }
0x31: {  	[spmem:s2] =	stream.indirect.scatter.add.f32 [tilespmem:s11], [sflag:$0x1], $0x10, s22, s10, $0xb8;
	[tilespmem:$0x7B10] =	vst v63  }
0x32: {  	_ =	swait.ge [sflag:s16], $0x500  }
0x33: {  	[sflag:s16] =	ssyncset.done $0x0  }
0x34: {  	s29 =	simm.s32 $0x1E0;
	[sflag:s16] =	ssyncadd.s32 $0xFFFFFB00  }
0x35: {  	[spmem:s2] =	stream.indirect.scatter.add.f32 [tilespmem:s11], [sflag:$0x2], $0x10, s29, s10, $0xb8;
	[tilespmem:$0x7B10] =	vst v63  }
0x36: {  	_ =	swait.ge [sflag:s17], $0x500  }
0x37: {  	[sflag:s17] =	ssyncset.done $0x0  }
0x38: {  	s30 =	simm.s32 $0x230;
	[sflag:s17] =	ssyncadd.s32 $0xFFFFFB00  }
0x39: {  	[spmem:s2] =	stream.indirect.scatter.add.f32 [tilespmem:s11], [sflag:$0x3], $0x10, s30, s10, $0xb8;
	[tilespmem:$0x7B10] =	vst v63  }
0x3a: {  	_ =	swait.ge [sflag:s18], $0x500  }
0x3b: {  	[sflag:s18] =	ssyncset.done $0x0  }
0x3c: {  	s31 =	simm.s32 $0x280;
	[sflag:s18] =	ssyncadd.s32 $0xFFFFFB00  }
0x3d: {  	[spmem:s2] =	stream.indirect.scatter.add.f32 [tilespmem:s11], [sflag:$0x4], $0x10, s31, s10, $0xb8;
	[tilespmem:$0x7B10] =	vst v63  }
0x3e: {  	_ =	swait.ge [sflag:s19], $0x500  }
0x3f: {  	[sflag:s19] =	ssyncset.done $0x0  }
0x40: {  	s23 =	simm.s32 $0x2D0;
	s22 =	simm.s32 $0xFFFF7040;
	[sflag:s19] =	ssyncadd.s32 $0xFFFFFB00  }
.LBB2_6:
0x41: {  	[spmem:s2] =	stream.indirect.scatter.add.f32 [tilespmem:s11], [sflag:$0x5], $0x10, s23, s10, $0xb8;
	[tilespmem:$0x7B10] =	vst v63  }
0x42: {  	s23 =	smov.u32 s22  }
0x43: {  	p0 =	sne.s32 s22, $0xFFFFF9C0;
	s22 =	sadd.s32 $0x640, s22;
	_ =	swait.ge [sflag:s15], $0x500  }
0x44: {  	s23 =	sshra.s32 s23, $0x2;
	[sflag:s15] =	ssyncset.done $0x0  }
0x45: {  	s24 =	sadd.s32 $0x2710, s23;
	[sflag:s15] =	ssyncadd.s32 $0xFFFFFB00  }
0x46: {  	[spmem:s2] =	stream.indirect.scatter.add.f32 [tilespmem:s11], [sflag:$0x1], $0x10, s24, s10, $0xb8;
	[tilespmem:$0x7B10] =	vst v63  }
0x47: {  	_ =	swait.ge [sflag:s16], $0x500  }
0x48: {  	[sflag:s16] =	ssyncset.done $0x0  }
0x49: {  	s24 =	sadd.s32 $0x2760, s23;
	[sflag:s16] =	ssyncadd.s32 $0xFFFFFB00  }
0x4a: {  	[spmem:s2] =	stream.indirect.scatter.add.f32 [tilespmem:s11], [sflag:$0x2], $0x10, s24, s10, $0xb8;
	[tilespmem:$0x7B10] =	vst v63  }
0x4b: {  	_ =	swait.ge [sflag:s17], $0x500  }
0x4c: {  	[sflag:s17] =	ssyncset.done $0x0  }
0x4d: {  	s24 =	sadd.s32 $0x27B0, s23;
	[sflag:s17] =	ssyncadd.s32 $0xFFFFFB00  }
0x4e: {  	[spmem:s2] =	stream.indirect.scatter.add.f32 [tilespmem:s11], [sflag:$0x3], $0x10, s24, s10, $0xb8;
	[tilespmem:$0x7B10] =	vst v63  }
0x4f: {  	_ =	swait.ge [sflag:s18], $0x500  }
0x50: {  	[sflag:s18] =	ssyncset.done $0x0  }
.Ltmp2:
0x51: {  	s24 =	sadd.s32 $0x2800, s23;
	[sflag:s18] =	ssyncadd.s32 $0xFFFFFB00;
	(pc) =	sbr.rel @p0 .LBB2_6-.Ltmp2, $4  }
0x52: {  	[spmem:s2] =	stream.indirect.scatter.add.f32 [tilespmem:s11], [sflag:$0x4], $0x10, s24, s10, $0xb8;
	[tilespmem:$0x7B10] =	vst v63  }
0x53: {  	_ =	swait.ge [sflag:s19], $0x500  }
0x54: {  	[sflag:s19] =	ssyncset.done $0x0  }
0x55: {  	s23 =	sadd.s32 $0x2850, s23;
	[sflag:s19] =	ssyncadd.s32 $0xFFFFFB00  }
0x56: {  	[spmem:s2] =	stream.indirect.scatter.add.f32 [tilespmem:s11], [sflag:$0x5], $0x10, s23, s10, $0xb8;
	[tilespmem:$0x7B10] =	vst v63  }
0x57: {  	_ =	swait.ge [sflag:s15], $0x500  }
0x58: {  	[sflag:s15] =	ssyncset.done $0x0  }
0x59: {  	[sflag:s15] =	ssyncadd.s32 $0xFFFFFB00  }
0x5a: {  	_ =	swait.ge [sflag:s16], $0x500  }
0x5b: {  	[sflag:s16] =	ssyncset.done $0x0  }
0x5c: {  	[sflag:s16] =	ssyncadd.s32 $0xFFFFFB00  }
0x5d: {  	_ =	swait.ge [sflag:s17], $0x500  }
0x5e: {  	[sflag:s17] =	ssyncset.done $0x0  }
0x5f: {  	[sflag:s17] =	ssyncadd.s32 $0xFFFFFB00  }
0x60: {  	_ =	swait.ge [sflag:s18], $0x500  }
0x61: {  	[sflag:s18] =	ssyncset.done $0x0  }
0x62: {  	[sflag:s18] =	ssyncadd.s32 $0xFFFFFB00  }
0x63: {  	_ =	swait.ge [sflag:s19], $0x500  }
0x64: {  	s21 =	sadd.s32 $0x1, s21;
	[sflag:s19] =	ssyncset.done $0x0  }
0x65: {  	p0 =	sne.s32 s21, s7;
	[sflag:s19] =	ssyncadd.s32 $0xFFFFFB00  }
.Ltmp3:
0x66: {  	s22 =	sshrl.u32 s4, $0x3;
	[bflag:$0x0] =	sbarrier.arrive $0xFFFF;
	(pc) =	sbr.rel @p0 .LBB2_1-.Ltmp3, $4  }
0x67: {  	[hbm:s6], [sflag:s20] =	dma.local [spmem:s22], $0x4F0  }
0x68: {  	_ =	swait.ge [sflag:s9], $0x4F0  }
0x69: {  	[sflag:s9] =	ssyncset.done $0x0  }
0x6a: {  	[sflag:s9] =	ssyncadd.s32 $0xFFFFFB10  }
0x6b: {  	_ =	sfence.sel $0x180000  }
0x6c: {  	[bflag:$0x0] =	sbarrier.arrive $0xFFFF  }
0x6d: {  	p0 =	sne.s32 s0, $0x0;
	_ =	strace $0x90000047  }
0x6e: {  	s0 =	sadd.s32 @!p0 $0x100000, s1;
	[bflag:$0x2] =	sbarrier.arrive $0xFFFF  }
0x6f: {  	[sflag:s0] =	ssyncadd.tile.s32 @!p0 $0x1;
	_ =	shalt  }
.Lfunc_end2:
_tile_overlayer_lowered:
.L_overlay_start_2:
0x70: {  	(tag) =	ssettag $0x2  }
0x71: {  	s0 =	rddreg [dreg:$0x0];
	s2 =	stileid.u32  }
0x72: {  	s1 =	rddreg [dreg:$0x1];
	p0 =	sne.s32 s2, $0x0  }
0x73: {  	s3 =	rddreg [dreg:$0x2];
	[bflag:$0x3] =	sbarrier.arrive $0xFFFF;
	s2 =	simm.s32 @!p0 $0x1C06  }
0x74: {  	[timem:s3], [sflag:s2] =	dma.local @!p0 [hbm:s0], s1  }
0x75: {  	s0 =	simm.s32 @!p0 $0x6  }
0x76: {  	_ =	swait.ge @!p0 [sflag:s0], s1  }
0x77: {  	s1 =	ssub.s32 @!p0 $0x0, s1;
	[sflag:s0] =	ssyncset.done @!p0 $0x0  }
0x78: {  	[sflag:s0] =	ssyncadd.s32 @!p0 s1  }
0x79: {  	[bflag:$0x3] =	sbarrier.arrive $0xFFFF  }
0x7a: {  	_ =	shalt  }

</sc_bundles>
